<compile_context>
chip_gen: v7x
topology: tpu7x:2x2x1
jax: 0.10.2.dev20260603
libtpu: 0.0.44.dev20260713+nightly
codegen_flags: <defaults>
</compile_context>

<pallas_src>
import functools

import jax
import jax.numpy as jnp
from jax import lax
from jax.experimental import pallas as pl
from jax.experimental.pallas import tpu as pltpu
from jax.experimental.pallas import tpu_sc as plsc

N = 10000
E = 50000
H = 64
G = 50
FD = 128
START = 0.0
STOP = 5.0

NW = 32
CHUNK = 128
NCHUNK = 13
E_PAD = NW * NCHUNK * CHUNK
BE = 512
N_BLK = 1000

_COEFF = -0.5 / ((STOP - START) / (G - 1)) ** 2
_OFF_SCALE = (STOP - START) / (G - 1)
_LOG2 = 0.6931471805599453


def _ssp(v):
    return jnp.maximum(v, 0.0) + jnp.log1p(jnp.exp(-jnp.abs(v))) - _LOG2


NC = 2
NS = 16
N_ACC = N + 16
ROWS_PER_TILE = N_ACC // NS

_SC_MESH = dict(core_axis_name="c", subcore_axis_name="s")


EPW = NCHUNK * CHUNK


def _sc_gather(x_aug, idx3):

    @functools.partial(
        pl.kernel,
        out_type=jax.ShapeDtypeStruct((E_PAD, H), jnp.bfloat16),
        mesh=plsc.VectorSubcoreMesh(**_SC_MESH),
        scratch_types=[
            pltpu.VMEM((NCHUNK, CHUNK), jnp.int32),
            pltpu.VMEM((EPW, H), jnp.bfloat16),
            pltpu.SemaphoreType.DMA,
        ],
        compiler_params=pltpu.CompilerParams(use_tc_tiling_on_sc=False),
    )
    def k(x_hbm, idx_hbm, out_hbm, idx_v, rows_v, sem):
        wid = lax.axis_index("s") * NC + lax.axis_index("c")
        pltpu.sync_copy(idx_hbm.at[wid], idx_v)
        descs = [
            pltpu.async_copy(x_hbm.at[idx_v.at[j]],
                             rows_v.at[pl.ds(j * CHUNK, CHUNK)], sem)
            for j in range(NCHUNK)
        ]
        for d in descs:
            d.wait()
        pltpu.sync_copy(rows_v, out_hbm.at[pl.ds(wid * EPW, EPW)])

    return k(x_aug, idx3)


def _sc_scatter(msg, dst3, zeros_n):

    @functools.partial(
        pl.kernel,
        out_type=jax.ShapeDtypeStruct((NC, N_ACC, H), jnp.bfloat16),
        mesh=plsc.VectorSubcoreMesh(**_SC_MESH),
        scratch_types=[
            pltpu.VMEM((NCHUNK, CHUNK), jnp.int32),
            pltpu.VMEM((2, CHUNK, H), jnp.bfloat16),
            pltpu.VMEM_SHARED((N_ACC, H), jnp.bfloat16),
            pltpu.SemaphoreType.DMA,
        ],
        compiler_params=pltpu.CompilerParams(use_tc_tiling_on_sc=False),
    )
    def k(msg_hbm, idx_hbm, zeros_hbm, out_hbm, idx_v, msg_v, acc, sem):
        cid = lax.axis_index("c")
        sid = lax.axis_index("s")
        wid = sid * NC + cid
        row0 = sid * ROWS_PER_TILE
        pltpu.sync_copy(zeros_hbm.at[pl.ds(0, ROWS_PER_TILE)],
                        acc.at[pl.ds(row0, ROWS_PER_TILE)])
        pltpu.sync_copy(idx_hbm.at[wid], idx_v)
        plsc.subcore_barrier()
        load = pltpu.async_copy(msg_hbm.at[wid, 0], msg_v.at[0], sem)
        for j in range(NCHUNK):
            load.wait()
            if j + 1 < NCHUNK:
                load = pltpu.async_copy(msg_hbm.at[wid, j + 1],
                                        msg_v.at[(j + 1) % 2], sem)
            pltpu.sync_copy(msg_v.at[j % 2], acc.at[idx_v.at[j]], add=True)
        plsc.subcore_barrier()
        pltpu.sync_copy(acc.at[pl.ds(row0, ROWS_PER_TILE)],
                        out_hbm.at[cid, pl.ds(row0, ROWS_PER_TILE)])

    return k(msg, dst3, zeros_n)


def _msg_body(ea_ref, xj_ref, w1_ref, b1_ref, w2_ref, b2_ref, w3_ref, b3t_ref,
              s_ref, msg_ref):
    ea = ea_ref[...]
    off = lax.broadcasted_iota(jnp.int32, (BE, 64), 1).astype(jnp.float32) * _OFF_SCALE
    d = ea - off
    rbf = jnp.exp(_COEFF * d * d)
    h = _ssp(jnp.dot(rbf, w1_ref[...], preferred_element_type=jnp.float32)
             + b1_ref[...])
    h = _ssp(jnp.dot(h, w2_ref[...], preferred_element_type=jnp.float32)
             + b2_ref[...])
    f3 = jnp.dot(h.astype(jnp.bfloat16), w3_ref[...],
                 preferred_element_type=jnp.float32).astype(jnp.bfloat16)
    xj = xj_ref[...]
    xt = jnp.tile(xj, (1, H))
    prod = f3 * xt
    msg_ref[...] = (
        jnp.dot(prod, s_ref[...], preferred_element_type=jnp.float32)
        + jnp.dot(xj, b3t_ref[...], preferred_element_type=jnp.float32)
    ).astype(jnp.bfloat16)


def _msg_pallas(ea_pad, xj, w1p, b1r, w2, b2r, w3, b3r, smat):
    grid = E_PAD // BE
    return pl.pallas_call(
        _msg_body,
        grid=grid,
        in_specs=[
            pl.BlockSpec((BE, 1), lambda i: (i, 0)),
            pl.BlockSpec((BE, H), lambda i: (i, 0)),
            pl.BlockSpec((64, FD), lambda i: (0, 0)),
            pl.BlockSpec((1, FD), lambda i: (0, 0)),
            pl.BlockSpec((FD, FD), lambda i: (0, 0)),
            pl.BlockSpec((1, FD), lambda i: (0, 0)),
            pl.BlockSpec((FD, H * H), lambda i: (0, 0)),
            pl.BlockSpec((H, H), lambda i: (0, 0)),
            pl.BlockSpec((H * H, H), lambda i: (0, 0)),
        ],
        out_specs=pl.BlockSpec((BE, H), lambda i: (i, 0)),
        out_shape=jax.ShapeDtypeStruct((E_PAD, H), jnp.bfloat16),
    )(ea_pad, xj, w1p, b1r, w2, b2r, w3, b3r, smat)


def _ffn_body(p_ref, x_ref, wa1_ref, ba1_ref, wa2_ref, ba2_ref, out_ref):
    o = p_ref[0].astype(jnp.float32) + p_ref[1].astype(jnp.float32)
    h2 = jax.nn.silu(jnp.dot(o, wa1_ref[...], preferred_element_type=jnp.float32)
                     + ba1_ref[...])
    h2 = jnp.dot(h2, wa2_ref[...], preferred_element_type=jnp.float32) + ba2_ref[...]
    out_ref[...] = h2 + x_ref[...]


def _ffn_pallas(p, x, wa1, ba1r, wa2, ba2r):
    grid = N // N_BLK
    return pl.pallas_call(
        _ffn_body,
        grid=grid,
        in_specs=[
            pl.BlockSpec((NC, N_BLK, H), lambda i: (0, i, 0)),
            pl.BlockSpec((N_BLK, H), lambda i: (i, 0)),
            pl.BlockSpec((H, H), lambda i: (0, 0)),
            pl.BlockSpec((1, H), lambda i: (0, 0)),
            pl.BlockSpec((H, H), lambda i: (0, 0)),
            pl.BlockSpec((1, H), lambda i: (0, 0)),
        ],
        out_specs=pl.BlockSpec((N_BLK, H), lambda i: (i, 0)),
        out_shape=jax.ShapeDtypeStruct((N, H), jnp.float32),
    )(p, x, wa1, ba1r, wa2, ba2r)


def kernel(x, edge_index, edge_attr, W1, b1, W2, b2, W3, b3, Wa1, ba1, Wa2, ba2):
    src = edge_index[0].astype(jnp.int32)
    dst = edge_index[1].astype(jnp.int32)
    pad = E_PAD - E
    src_pad = jnp.concatenate([src, jnp.zeros((pad,), jnp.int32)])
    dst_pad = jnp.concatenate([dst, jnp.full((pad,), N, jnp.int32)])
    ea_pad = jnp.concatenate([edge_attr, jnp.zeros((pad, 1), jnp.float32)])
    x_bf = x.astype(jnp.bfloat16)

    w1p = jnp.zeros((64, FD), jnp.float32).at[:G].set(W1)
    smat = (jnp.arange(H * H)[:, None] // H == jnp.arange(H)[None, :]
            ).astype(jnp.bfloat16)

    xj = _sc_gather(x_bf, src_pad.reshape(NW, NCHUNK, CHUNK))
    msg = _msg_pallas(ea_pad, xj, w1p, b1.reshape(1, FD), W2,
                      b2.reshape(1, FD), W3.astype(jnp.bfloat16),
                      b3.reshape(H, H).T.astype(jnp.bfloat16), smat)
    partials = _sc_scatter(msg.reshape(NW, NCHUNK, CHUNK, H),
                           dst_pad.reshape(NW, NCHUNK, CHUNK),
                           jnp.zeros((ROWS_PER_TILE, H), jnp.bfloat16))
    return _ffn_pallas(partials, x, Wa1,
                       ba1.reshape(1, H), Wa2, ba2.reshape(1, H))

# --- scband reference (transcript-rebuilt; emitter-appended) ---
"""Pipeline reference for scband-interaction-block-60052232732746 (READ-ONLY COPY).

The authoritative reference and input builder live on the scoring server;
editing this copy changes nothing except your own understanding.
"""

import jax, jax.numpy as jnp
import numpy as np

N = 10000
E = 50000
H = 64
G = 50
FD = 128
START = 0.0
STOP = 5.0


def setup_inputs(seed: int = 0) -> dict:
    key = jax.random.key(seed)
    ks = jax.random.split(key, 12)
    x = jax.random.normal(ks[0], (N, H), dtype=jnp.float32)
    edge_index = jax.random.randint(ks[1], (2, E), 0, N, dtype=jnp.int64)
    edge_attr = jax.random.uniform(ks[2], (E, 1), dtype=jnp.float32)
    W1 = jax.random.normal(ks[3], (G, FD), dtype=jnp.float32) * 0.1
    b1 = jnp.zeros((FD,), dtype=jnp.float32)
    W2 = jax.random.normal(ks[4], (FD, FD), dtype=jnp.float32) * 0.1
    b2 = jnp.zeros((FD,), dtype=jnp.float32)
    W3 = jax.random.normal(ks[5], (FD, H * H), dtype=jnp.float32) * 0.02
    b3 = jnp.zeros((H * H,), dtype=jnp.float32)
    Wa1 = jax.random.normal(ks[6], (H, H), dtype=jnp.float32) * 0.1
    ba1 = jnp.zeros((H,), dtype=jnp.float32)
    Wa2 = jax.random.normal(ks[7], (H, H), dtype=jnp.float32) * 0.1
    ba2 = jnp.zeros((H,), dtype=jnp.float32)
    return {"x": x, "edge_index": edge_index, "edge_attr": edge_attr,
            "W1": W1, "b1": b1, "W2": W2, "b2": b2, "W3": W3, "b3": b3,
            "Wa1": Wa1, "ba1": ba1, "Wa2": Wa2, "ba2": ba2}


def _ssp(v):
    return jax.nn.softplus(v) - jnp.log(2.0)


def reference(x, edge_index, edge_attr, W1, b1, W2, b2, W3, b3, Wa1, ba1, Wa2, ba2):
    # GaussianSmearing
    offset = jnp.linspace(START, STOP, G)
    coeff = -0.5 / ((STOP - START) / (G - 1)) ** 2
    d = edge_attr.reshape(-1, 1) - offset.reshape(1, -1)
    rbf = jnp.exp(coeff * d ** 2)
    # filter network: Linear -> SSP -> Linear -> SSP -> Linear
    h = _ssp(rbf @ W1 + b1)
    h = _ssp(h @ W2 + b2)
    filt = (h @ W3 + b3).reshape(-1, H, H)
    # CFConv message + scatter-add aggregation (PyG source_to_target flow)
    src = edge_index[0]
    dst = edge_index[1]
    x_j = x[src]
    msg = jnp.einsum('eij,ej->ei', filt, x_j)
    out = jnp.zeros((x.shape[0], H), dtype=x.dtype).at[dst].add(msg)
    # atom-wise FFN with residual
    h2 = jax.nn.silu(out @ Wa1 + ba1)
    h2 = h2 @ Wa2 + ba2
    return h2 + x

if __name__ == "__main__":
    import jax
    _d = setup_inputs()
    print(jax.jit(kernel)(*tuple(_d.values())))

</pallas_src>

<mosaic_0001>
#map = affine_map<(d0, d1) -> (0, 0, 0, 0)>
#map1 = affine_map<(d0, d1) -> (0, 0, 0)>
#map2 = affine_map<(d0, d1) -> (0, 0)>
module attributes {stable_mosaic.version = 14 : i64} {
  func.func @k(%arg0: i32, %arg1: i32, %arg2: memref<32x13x128x64xbf16, #tpu.memory_space<hbm>>, %arg3: memref<32x13x128xi32, #tpu.memory_space<hbm>>, %arg4: memref<626x64xbf16, #tpu.memory_space<hbm>>, %arg5: memref<2x10016x64xbf16, #tpu.memory_space<hbm>>, %arg6: memref<13x128xi32, #tpu.memory_space<vmem>>, %arg7: memref<2x128x64xbf16, #tpu.memory_space<vmem>>, %arg8: memref<10016x64xbf16, #tpu.memory_space<vmem_shared>>, %arg9: memref<!tpu.dma_semaphore, #tpu.memory_space<semaphore_mem>>) attributes {dimension_semantics = [#tpu.dimension_semantics<core_parallel>, #tpu.dimension_semantics<subcore_parallel>], iteration_bounds = array<i64: 2, 16>, scalar_prefetch = 0 : i64, scratch_operands = 4 : i64, tpu.core_type = #tpu.core_type<sc_vector_subcore>, window_params = [{transform_indices = #map}, {transform_indices = #map1}, {transform_indices = #map2}, {transform_indices = #map1}]} {
    %mul3A = arith.constant 2 : i32
    %mul3A_0 = arith.muli %arg1, %mul3A : i32
    %add3A = arith.addi %mul3A_0, %arg0 : i32
    %mul3A_1 = arith.constant 626 : i32
    %mul3A_2 = arith.muli %arg1, %mul3A_1 : i32
    "tpu.region"() ({
      %run_scoped3A_495 = tpu.sem_alloc : memref<!tpu.dma_semaphore, #tpu.memory_space<semaphore_mem>>
      %dma_start3A_496 = arith.constant 0 : i32
      %dma_start3A_497 = tpu.memref_slice %arg8[%mul3A_2, %dma_start3A_496] : memref<10016x64xbf16, #tpu.memory_space<vmem_shared>> -> memref<626x64xbf16, #tpu.memory_space<vmem_shared>>
      %dma_start3A_498 = arith.constant 0 : i32
      %dma_start3A_499 = arith.constant 0 : i32
      %dma_start3A_500 = tpu.memref_slice %arg4[%dma_start3A_498, %dma_start3A_499] : memref<626x64xbf16, #tpu.memory_space<hbm>> -> memref<626x64xbf16, #tpu.memory_space<hbm>>
      tpu.enqueue_dma source(%dma_start3A_500 : memref<626x64xbf16, #tpu.memory_space<hbm>>) target(%dma_start3A_497 : memref<626x64xbf16, #tpu.memory_space<vmem_shared>>) target_semaphore(%run_scoped3A_495 : memref<!tpu.dma_semaphore, #tpu.memory_space<semaphore_mem>>)
      %dma_wait3A_501 = arith.constant 0 : i32
      %dma_wait3A_502 = tpu.memref_slice %arg8[%mul3A_2, %dma_wait3A_501] : memref<10016x64xbf16, #tpu.memory_space<vmem_shared>> -> memref<626x64xbf16, #tpu.memory_space<vmem_shared>>
      %dma_wait3A_503 = arith.constant 0 : i32
      %dma_wait3A_504 = arith.constant 0 : i32
      %dma_wait3A_505 = tpu.memref_slice %arg4[%dma_wait3A_503, %dma_wait3A_504] : memref<626x64xbf16, #tpu.memory_space<hbm>> -> memref<626x64xbf16, #tpu.memory_space<hbm>>
      tpu.wait_dma2 semaphore(%run_scoped3A_495 : memref<!tpu.dma_semaphore, #tpu.memory_space<semaphore_mem>>) src(%dma_wait3A_505 : memref<626x64xbf16, #tpu.memory_space<hbm>>) dst(%dma_wait3A_502 : memref<626x64xbf16, #tpu.memory_space<vmem_shared>>)
      tpu.yield
    }) : () -> ()
    "tpu.region"() ({
      %run_scoped3A_495 = tpu.sem_alloc : memref<!tpu.dma_semaphore, #tpu.memory_space<semaphore_mem>>
      %dma_start3A_496 = arith.constant 0 : i32
      %dma_start3A_497 = arith.constant 0 : i32
      %dma_start3A_498 = tpu.memref_slice %arg3[%add3A, %dma_start3A_496, %dma_start3A_497] : memref<32x13x128xi32, #tpu.memory_space<hbm>> -> memref<1x13x128xi32, #tpu.memory_space<hbm>>
      %dma_start3A_499 = tpu.memref_squeeze %dma_start3A_498 : memref<1x13x128xi32, #tpu.memory_space<hbm>> -> memref<13x128xi32, #tpu.memory_space<hbm>>
      %dma_start3A_500 = arith.constant 0 : i32
      %dma_start3A_501 = arith.constant 0 : i32
      %dma_start3A_502 = tpu.memref_slice %arg3[%add3A, %dma_start3A_500, %dma_start3A_501] : memref<32x13x128xi32, #tpu.memory_space<hbm>> -> memref<1x13x128xi32, #tpu.memory_space<hbm>>
      %dma_start3A_503 = tpu.memref_squeeze %dma_start3A_502 : memref<1x13x128xi32, #tpu.memory_space<hbm>> -> memref<13x128xi32, #tpu.memory_space<hbm>>
      tpu.enqueue_dma source(%dma_start3A_503 : memref<13x128xi32, #tpu.memory_space<hbm>>) target(%arg6 : memref<13x128xi32, #tpu.memory_space<vmem>>) target_semaphore(%run_scoped3A_495 : memref<!tpu.dma_semaphore, #tpu.memory_space<semaphore_mem>>)
      %dma_wait3A_504 = arith.constant 0 : i32
      %dma_wait3A_505 = arith.constant 0 : i32
      %dma_wait3A_506 = tpu.memref_slice %arg3[%add3A, %dma_wait3A_504, %dma_wait3A_505] : memref<32x13x128xi32, #tpu.memory_space<hbm>> -> memref<1x13x128xi32, #tpu.memory_space<hbm>>
      %dma_wait3A_507 = tpu.memref_squeeze %dma_wait3A_506 : memref<1x13x128xi32, #tpu.memory_space<hbm>> -> memref<13x128xi32, #tpu.memory_space<hbm>>
      %dma_wait3A_508 = arith.constant 0 : i32
      %dma_wait3A_509 = arith.constant 0 : i32
      %dma_wait3A_510 = tpu.memref_slice %arg3[%add3A, %dma_wait3A_508, %dma_wait3A_509] : memref<32x13x128xi32, #tpu.memory_space<hbm>> -> memref<1x13x128xi32, #tpu.memory_space<hbm>>
      %dma_wait3A_511 = tpu.memref_squeeze %dma_wait3A_510 : memref<1x13x128xi32, #tpu.memory_space<hbm>> -> memref<13x128xi32, #tpu.memory_space<hbm>>
      tpu.wait_dma2 semaphore(%run_scoped3A_495 : memref<!tpu.dma_semaphore, #tpu.memory_space<semaphore_mem>>) src(%dma_wait3A_511 : memref<13x128xi32, #tpu.memory_space<hbm>>) dst(%arg6 : memref<13x128xi32, #tpu.memory_space<vmem>>)
      tpu.yield
    }) : () -> ()
    %barrier3A = arith.constant 0 : index
    tpu.barrier barrier_id(%barrier3A)
    %dma_start3A = arith.constant 0 : i32
    %dma_start3A_3 = arith.constant 0 : i32
    %dma_start3A_4 = arith.constant 0 : i32
    %dma_start3A_5 = arith.constant 0 : i32
    %dma_start3A_6 = tpu.memref_slice %arg7[%dma_start3A_3, %dma_start3A_4, %dma_start3A_5] : memref<2x128x64xbf16, #tpu.memory_space<vmem>> -> memref<1x128x64xbf16, #tpu.memory_space<vmem>>
    %dma_start3A_7 = tpu.memref_squeeze %dma_start3A_6 : memref<1x128x64xbf16, #tpu.memory_space<vmem>> -> memref<128x64xbf16, #tpu.memory_space<vmem>>
    %dma_start3A_8 = arith.constant 0 : i32
    %dma_start3A_9 = arith.constant 0 : i32
    %dma_start3A_10 = tpu.memref_slice %arg2[%add3A, %dma_start3A, %dma_start3A_8, %dma_start3A_9] : memref<32x13x128x64xbf16, #tpu.memory_space<hbm>> -> memref<1x1x128x64xbf16, #tpu.memory_space<hbm>>
    %dma_start3A_11 = tpu.memref_squeeze %dma_start3A_10 : memref<1x1x128x64xbf16, #tpu.memory_space<hbm>> -> memref<128x64xbf16, #tpu.memory_space<hbm>>
    %dma_start3A_12 = arith.constant 0 : i32
    %dma_start3A_13 = arith.constant 0 : i32
    %dma_start3A_14 = tpu.memref_slice %arg7[%dma_start3A_3, %dma_start3A_12, %dma_start3A_13] : memref<2x128x64xbf16, #tpu.memory_space<vmem>> -> memref<1x128x64xbf16, #tpu.memory_space<vmem>>
    %dma_start3A_15 = tpu.memref_squeeze %dma_start3A_14 : memref<1x128x64xbf16, #tpu.memory_space<vmem>> -> memref<128x64xbf16, #tpu.memory_space<vmem>>
    %dma_start3A_16 = arith.constant 0 : i32
    %dma_start3A_17 = arith.constant 0 : i32
    %dma_start3A_18 = tpu.memref_slice %arg2[%add3A, %dma_start3A, %dma_start3A_16, %dma_start3A_17] : memref<32x13x128x64xbf16, #tpu.memory_space<hbm>> -> memref<1x1x128x64xbf16, #tpu.memory_space<hbm>>
    %dma_start3A_19 = tpu.memref_squeeze %dma_start3A_18 : memref<1x1x128x64xbf16, #tpu.memory_space<hbm>> -> memref<128x64xbf16, #tpu.memory_space<hbm>>
    tpu.enqueue_dma source(%dma_start3A_19 : memref<128x64xbf16, #tpu.memory_space<hbm>>) target(%dma_start3A_15 : memref<128x64xbf16, #tpu.memory_space<vmem>>) target_semaphore(%arg9 : memref<!tpu.dma_semaphore, #tpu.memory_space<semaphore_mem>>)
    %dma_wait3A = arith.constant 0 : i32
    %dma_wait3A_20 = arith.constant 0 : i32
    %dma_wait3A_21 = arith.constant 0 : i32
    %dma_wait3A_22 = arith.constant 0 : i32
    %dma_wait3A_23 = tpu.memref_slice %arg7[%dma_wait3A_20, %dma_wait3A_21, %dma_wait3A_22] : memref<2x128x64xbf16, #tpu.memory_space<vmem>> -> memref<1x128x64xbf16, #tpu.memory_space<vmem>>
    %dma_wait3A_24 = tpu.memref_squeeze %dma_wait3A_23 : memref<1x128x64xbf16, #tpu.memory_space<vmem>> -> memref<128x64xbf16, #tpu.memory_space<vmem>>
    %dma_wait3A_25 = arith.constant 0 : i32
    %dma_wait3A_26 = arith.constant 0 : i32
    %dma_wait3A_27 = tpu.memref_slice %arg2[%add3A, %dma_wait3A, %dma_wait3A_25, %dma_wait3A_26] : memref<32x13x128x64xbf16, #tpu.memory_space<hbm>> -> memref<1x1x128x64xbf16, #tpu.memory_space<hbm>>
    %dma_wait3A_28 = tpu.memref_squeeze %dma_wait3A_27 : memref<1x1x128x64xbf16, #tpu.memory_space<hbm>> -> memref<128x64xbf16, #tpu.memory_space<hbm>>
    %dma_wait3A_29 = arith.constant 0 : i32
    %dma_wait3A_30 = arith.constant 0 : i32
    %dma_wait3A_31 = tpu.memref_slice %arg7[%dma_wait3A_20, %dma_wait3A_29, %dma_wait3A_30] : memref<2x128x64xbf16, #tpu.memory_space<vmem>> -> memref<1x128x64xbf16, #tpu.memory_space<vmem>>
    %dma_wait3A_32 = tpu.memref_squeeze %dma_wait3A_31 : memref<1x128x64xbf16, #tpu.memory_space<vmem>> -> memref<128x64xbf16, #tpu.memory_space<vmem>>
    %dma_wait3A_33 = arith.constant 0 : i32
    %dma_wait3A_34 = arith.constant 0 : i32
    %dma_wait3A_35 = tpu.memref_slice %arg2[%add3A, %dma_wait3A, %dma_wait3A_33, %dma_wait3A_34] : memref<32x13x128x64xbf16, #tpu.memory_space<hbm>> -> memref<1x1x128x64xbf16, #tpu.memory_space<hbm>>
    %dma_wait3A_36 = tpu.memref_squeeze %dma_wait3A_35 : memref<1x1x128x64xbf16, #tpu.memory_space<hbm>> -> memref<128x64xbf16, #tpu.memory_space<hbm>>
    tpu.wait_dma2 semaphore(%arg9 : memref<!tpu.dma_semaphore, #tpu.memory_space<semaphore_mem>>) src(%dma_wait3A_36 : memref<128x64xbf16, #tpu.memory_space<hbm>>) dst(%dma_wait3A_32 : memref<128x64xbf16, #tpu.memory_space<vmem>>)
    %dma_start3A_37 = arith.constant 1 : i32
    %dma_start3A_38 = arith.constant 1 : i32
    %dma_start3A_39 = arith.constant 0 : i32
    %dma_start3A_40 = arith.constant 0 : i32
    %dma_start3A_41 = tpu.memref_slice %arg7[%dma_start3A_38, %dma_start3A_39, %dma_start3A_40] : memref<2x128x64xbf16, #tpu.memory_space<vmem>> -> memref<1x128x64xbf16, #tpu.memory_space<vmem>>
    %dma_start3A_42 = tpu.memref_squeeze %dma_start3A_41 : memref<1x128x64xbf16, #tpu.memory_space<vmem>> -> memref<128x64xbf16, #tpu.memory_space<vmem>>
    %dma_start3A_43 = arith.constant 0 : i32
    %dma_start3A_44 = arith.constant 0 : i32
    %dma_start3A_45 = tpu.memref_slice %arg2[%add3A, %dma_start3A_37, %dma_start3A_43, %dma_start3A_44] : memref<32x13x128x64xbf16, #tpu.memory_space<hbm>> -> memref<1x1x128x64xbf16, #tpu.memory_space<hbm>>
    %dma_start3A_46 = tpu.memref_squeeze %dma_start3A_45 : memref<1x1x128x64xbf16, #tpu.memory_space<hbm>> -> memref<128x64xbf16, #tpu.memory_space<hbm>>
    %dma_start3A_47 = arith.constant 0 : i32
    %dma_start3A_48 = arith.constant 0 : i32
    %dma_start3A_49 = tpu.memref_slice %arg7[%dma_start3A_38, %dma_start3A_47, %dma_start3A_48] : memref<2x128x64xbf16, #tpu.memory_space<vmem>> -> memref<1x128x64xbf16, #tpu.memory_space<vmem>>
    %dma_start3A_50 = tpu.memref_squeeze %dma_start3A_49 : memref<1x128x64xbf16, #tpu.memory_space<vmem>> -> memref<128x64xbf16, #tpu.memory_space<vmem>>
    %dma_start3A_51 = arith.constant 0 : i32
    %dma_start3A_52 = arith.constant 0 : i32
    %dma_start3A_53 = tpu.memref_slice %arg2[%add3A, %dma_start3A_37, %dma_start3A_51, %dma_start3A_52] : memref<32x13x128x64xbf16, #tpu.memory_space<hbm>> -> memref<1x1x128x64xbf16, #tpu.memory_space<hbm>>
    %dma_start3A_54 = tpu.memref_squeeze %dma_start3A_53 : memref<1x1x128x64xbf16, #tpu.memory_space<hbm>> -> memref<128x64xbf16, #tpu.memory_space<hbm>>
    tpu.enqueue_dma source(%dma_start3A_54 : memref<128x64xbf16, #tpu.memory_space<hbm>>) target(%dma_start3A_50 : memref<128x64xbf16, #tpu.memory_space<vmem>>) target_semaphore(%arg9 : memref<!tpu.dma_semaphore, #tpu.memory_space<semaphore_mem>>)
    %run_scoped3A = arith.constant 0 : i32
    %run_scoped3A_55 = arith.constant 0 : i32
    "tpu.region"() ({
      %run_scoped3A_495 = tpu.sem_alloc : memref<!tpu.dma_semaphore, #tpu.memory_space<semaphore_mem>>
      %dma_start3A_496 = arith.constant 0 : i32
      %dma_start3A_497 = arith.constant 0 : i32
      %dma_start3A_498 = tpu.memref_slice %arg7[%run_scoped3A, %dma_start3A_496, %dma_start3A_497] : memref<2x128x64xbf16, #tpu.memory_space<vmem>> -> memref<1x128x64xbf16, #tpu.memory_space<vmem>>
      %dma_start3A_499 = tpu.memref_squeeze %dma_start3A_498 : memref<1x128x64xbf16, #tpu.memory_space<vmem>> -> memref<128x64xbf16, #tpu.memory_space<vmem>>
      %dma_start3A_500 = arith.constant 0 : i32
      %dma_start3A_501 = tpu.memref_slice %arg6[%run_scoped3A_55, %dma_start3A_500] : memref<13x128xi32, #tpu.memory_space<vmem>> -> memref<1x128xi32, #tpu.memory_space<vmem>>
      %dma_start3A_502 = tpu.memref_squeeze %dma_start3A_501 : memref<1x128xi32, #tpu.memory_space<vmem>> -> memref<128xi32, #tpu.memory_space<vmem>>
      %dma_start3A_503 = arith.constant 0 : i32
      %dma_start3A_504 = arith.constant 0 : i32
      %dma_start3A_505 = tpu.memref_slice %arg8[%dma_start3A_503, %dma_start3A_504] : memref<10016x64xbf16, #tpu.memory_space<vmem_shared>> -> memref<10016x64xbf16, #tpu.memory_space<vmem_shared>>
      tpu.enqueue_indirect_dma source(%dma_start3A_499 : memref<128x64xbf16, #tpu.memory_space<vmem>>) target(%dma_start3A_505 : memref<10016x64xbf16, #tpu.memory_space<vmem_shared>>) offsets(%dma_start3A_502 : memref<128xi32, #tpu.memory_space<vmem>>) semaphore(%run_scoped3A_495 : memref<!tpu.dma_semaphore, #tpu.memory_space<semaphore_mem>>) {add = true}
      %dma_wait3A_506 = arith.constant 0 : i32
      %dma_wait3A_507 = arith.constant 0 : i32
      %dma_wait3A_508 = tpu.memref_slice %arg7[%run_scoped3A, %dma_wait3A_506, %dma_wait3A_507] : memref<2x128x64xbf16, #tpu.memory_space<vmem>> -> memref<1x128x64xbf16, #tpu.memory_space<vmem>>
      %dma_wait3A_509 = tpu.memref_squeeze %dma_wait3A_508 : memref<1x128x64xbf16, #tpu.memory_space<vmem>> -> memref<128x64xbf16, #tpu.memory_space<vmem>>
      %dma_wait3A_510 = arith.constant 0 : i32
      %dma_wait3A_511 = tpu.memref_slice %arg6[%run_scoped3A_55, %dma_wait3A_510] : memref<13x128xi32, #tpu.memory_space<vmem>> -> memref<1x128xi32, #tpu.memory_space<vmem>>
      %dma_wait3A_512 = tpu.memref_squeeze %dma_wait3A_511 : memref<1x128xi32, #tpu.memory_space<vmem>> -> memref<128xi32, #tpu.memory_space<vmem>>
      %dma_wait3A_513 = arith.constant 0 : i32
      %dma_wait3A_514 = arith.constant 0 : i32
      %dma_wait3A_515 = tpu.memref_slice %arg8[%dma_wait3A_513, %dma_wait3A_514] : memref<10016x64xbf16, #tpu.memory_space<vmem_shared>> -> memref<10016x64xbf16, #tpu.memory_space<vmem_shared>>
      tpu.wait_indirect_dma semaphore(%run_scoped3A_495 : memref<!tpu.dma_semaphore, #tpu.memory_space<semaphore_mem>>) src(%dma_wait3A_509 : memref<128x64xbf16, #tpu.memory_space<vmem>>) dst(%dma_wait3A_515 : memref<10016x64xbf16, #tpu.memory_space<vmem_shared>>)
      tpu.yield
    }) : () -> ()
    %dma_wait3A_56 = arith.constant 1 : i32
    %dma_wait3A_57 = arith.constant 1 : i32
    %dma_wait3A_58 = arith.constant 0 : i32
    %dma_wait3A_59 = arith.constant 0 : i32
    %dma_wait3A_60 = tpu.memref_slice %arg7[%dma_wait3A_57, %dma_wait3A_58, %dma_wait3A_59] : memref<2x128x64xbf16, #tpu.memory_space<vmem>> -> memref<1x128x64xbf16, #tpu.memory_space<vmem>>
    %dma_wait3A_61 = tpu.memref_squeeze %dma_wait3A_60 : memref<1x128x64xbf16, #tpu.memory_space<vmem>> -> memref<128x64xbf16, #tpu.memory_space<vmem>>
    %dma_wait3A_62 = arith.constant 0 : i32
    %dma_wait3A_63 = arith.constant 0 : i32
    %dma_wait3A_64 = tpu.memref_slice %arg2[%add3A, %dma_wait3A_56, %dma_wait3A_62, %dma_wait3A_63] : memref<32x13x128x64xbf16, #tpu.memory_space<hbm>> -> memref<1x1x128x64xbf16, #tpu.memory_space<hbm>>
    %dma_wait3A_65 = tpu.memref_squeeze %dma_wait3A_64 : memref<1x1x128x64xbf16, #tpu.memory_space<hbm>> -> memref<128x64xbf16, #tpu.memory_space<hbm>>
    %dma_wait3A_66 = arith.constant 0 : i32
    %dma_wait3A_67 = arith.constant 0 : i32
    %dma_wait3A_68 = tpu.memref_slice %arg7[%dma_wait3A_57, %dma_wait3A_66, %dma_wait3A_67] : memref<2x128x64xbf16, #tpu.memory_space<vmem>> -> memref<1x128x64xbf16, #tpu.memory_space<vmem>>
    %dma_wait3A_69 = tpu.memref_squeeze %dma_wait3A_68 : memref<1x128x64xbf16, #tpu.memory_space<vmem>> -> memref<128x64xbf16, #tpu.memory_space<vmem>>
    %dma_wait3A_70 = arith.constant 0 : i32
    %dma_wait3A_71 = arith.constant 0 : i32
    %dma_wait3A_72 = tpu.memref_slice %arg2[%add3A, %dma_wait3A_56, %dma_wait3A_70, %dma_wait3A_71] : memref<32x13x128x64xbf16, #tpu.memory_space<hbm>> -> memref<1x1x128x64xbf16, #tpu.memory_space<hbm>>
    %dma_wait3A_73 = tpu.memref_squeeze %dma_wait3A_72 : memref<1x1x128x64xbf16, #tpu.memory_space<hbm>> -> memref<128x64xbf16, #tpu.memory_space<hbm>>
    tpu.wait_dma2 semaphore(%arg9 : memref<!tpu.dma_semaphore, #tpu.memory_space<semaphore_mem>>) src(%dma_wait3A_73 : memref<128x64xbf16, #tpu.memory_space<hbm>>) dst(%dma_wait3A_69 : memref<128x64xbf16, #tpu.memory_space<vmem>>)
    %dma_start3A_74 = arith.constant 2 : i32
    %dma_start3A_75 = arith.constant 0 : i32
    %dma_start3A_76 = arith.constant 0 : i32
    %dma_start3A_77 = arith.constant 0 : i32
    %dma_start3A_78 = tpu.memref_slice %arg7[%dma_start3A_75, %dma_start3A_76, %dma_start3A_77] : memref<2x128x64xbf16, #tpu.memory_space<vmem>> -> memref<1x128x64xbf16, #tpu.memory_space<vmem>>
    %dma_start3A_79 = tpu.memref_squeeze %dma_start3A_78 : memref<1x128x64xbf16, #tpu.memory_space<vmem>> -> memref<128x64xbf16, #tpu.memory_space<vmem>>
    %dma_start3A_80 = arith.constant 0 : i32
    %dma_start3A_81 = arith.constant 0 : i32
    %dma_start3A_82 = tpu.memref_slice %arg2[%add3A, %dma_start3A_74, %dma_start3A_80, %dma_start3A_81] : memref<32x13x128x64xbf16, #tpu.memory_space<hbm>> -> memref<1x1x128x64xbf16, #tpu.memory_space<hbm>>
    %dma_start3A_83 = tpu.memref_squeeze %dma_start3A_82 : memref<1x1x128x64xbf16, #tpu.memory_space<hbm>> -> memref<128x64xbf16, #tpu.memory_space<hbm>>
    %dma_start3A_84 = arith.constant 0 : i32
    %dma_start3A_85 = arith.constant 0 : i32
    %dma_start3A_86 = tpu.memref_slice %arg7[%dma_start3A_75, %dma_start3A_84, %dma_start3A_85] : memref<2x128x64xbf16, #tpu.memory_space<vmem>> -> memref<1x128x64xbf16, #tpu.memory_space<vmem>>
    %dma_start3A_87 = tpu.memref_squeeze %dma_start3A_86 : memref<1x128x64xbf16, #tpu.memory_space<vmem>> -> memref<128x64xbf16, #tpu.memory_space<vmem>>
    %dma_start3A_88 = arith.constant 0 : i32
    %dma_start3A_89 = arith.constant 0 : i32
    %dma_start3A_90 = tpu.memref_slice %arg2[%add3A, %dma_start3A_74, %dma_start3A_88, %dma_start3A_89] : memref<32x13x128x64xbf16, #tpu.memory_space<hbm>> -> memref<1x1x128x64xbf16, #tpu.memory_space<hbm>>
    %dma_start3A_91 = tpu.memref_squeeze %dma_start3A_90 : memref<1x1x128x64xbf16, #tpu.memory_space<hbm>> -> memref<128x64xbf16, #tpu.memory_space<hbm>>
    tpu.enqueue_dma source(%dma_start3A_91 : memref<128x64xbf16, #tpu.memory_space<hbm>>) target(%dma_start3A_87 : memref<128x64xbf16, #tpu.memory_space<vmem>>) target_semaphore(%arg9 : memref<!tpu.dma_semaphore, #tpu.memory_space<semaphore_mem>>)
    %run_scoped3A_92 = arith.constant 1 : i32
    %run_scoped3A_93 = arith.constant 1 : i32
    "tpu.region"() ({
      %run_scoped3A_495 = tpu.sem_alloc : memref<!tpu.dma_semaphore, #tpu.memory_space<semaphore_mem>>
      %dma_start3A_496 = arith.constant 0 : i32
      %dma_start3A_497 = arith.constant 0 : i32
      %dma_start3A_498 = tpu.memref_slice %arg7[%run_scoped3A_92, %dma_start3A_496, %dma_start3A_497] : memref<2x128x64xbf16, #tpu.memory_space<vmem>> -> memref<1x128x64xbf16, #tpu.memory_space<vmem>>
      %dma_start3A_499 = tpu.memref_squeeze %dma_start3A_498 : memref<1x128x64xbf16, #tpu.memory_space<vmem>> -> memref<128x64xbf16, #tpu.memory_space<vmem>>
      %dma_start3A_500 = arith.constant 0 : i32
      %dma_start3A_501 = tpu.memref_slice %arg6[%run_scoped3A_93, %dma_start3A_500] : memref<13x128xi32, #tpu.memory_space<vmem>> -> memref<1x128xi32, #tpu.memory_space<vmem>>
      %dma_start3A_502 = tpu.memref_squeeze %dma_start3A_501 : memref<1x128xi32, #tpu.memory_space<vmem>> -> memref<128xi32, #tpu.memory_space<vmem>>
      %dma_start3A_503 = arith.constant 0 : i32
      %dma_start3A_504 = arith.constant 0 : i32
      %dma_start3A_505 = tpu.memref_slice %arg8[%dma_start3A_503, %dma_start3A_504] : memref<10016x64xbf16, #tpu.memory_space<vmem_shared>> -> memref<10016x64xbf16, #tpu.memory_space<vmem_shared>>
      tpu.enqueue_indirect_dma source(%dma_start3A_499 : memref<128x64xbf16, #tpu.memory_space<vmem>>) target(%dma_start3A_505 : memref<10016x64xbf16, #tpu.memory_space<vmem_shared>>) offsets(%dma_start3A_502 : memref<128xi32, #tpu.memory_space<vmem>>) semaphore(%run_scoped3A_495 : memref<!tpu.dma_semaphore, #tpu.memory_space<semaphore_mem>>) {add = true}
      %dma_wait3A_506 = arith.constant 0 : i32
      %dma_wait3A_507 = arith.constant 0 : i32
      %dma_wait3A_508 = tpu.memref_slice %arg7[%run_scoped3A_92, %dma_wait3A_506, %dma_wait3A_507] : memref<2x128x64xbf16, #tpu.memory_space<vmem>> -> memref<1x128x64xbf16, #tpu.memory_space<vmem>>
      %dma_wait3A_509 = tpu.memref_squeeze %dma_wait3A_508 : memref<1x128x64xbf16, #tpu.memory_space<vmem>> -> memref<128x64xbf16, #tpu.memory_space<vmem>>
      %dma_wait3A_510 = arith.constant 0 : i32
      %dma_wait3A_511 = tpu.memref_slice %arg6[%run_scoped3A_93, %dma_wait3A_510] : memref<13x128xi32, #tpu.memory_space<vmem>> -> memref<1x128xi32, #tpu.memory_space<vmem>>
      %dma_wait3A_512 = tpu.memref_squeeze %dma_wait3A_511 : memref<1x128xi32, #tpu.memory_space<vmem>> -> memref<128xi32, #tpu.memory_space<vmem>>
      %dma_wait3A_513 = arith.constant 0 : i32
      %dma_wait3A_514 = arith.constant 0 : i32
      %dma_wait3A_515 = tpu.memref_slice %arg8[%dma_wait3A_513, %dma_wait3A_514] : memref<10016x64xbf16, #tpu.memory_space<vmem_shared>> -> memref<10016x64xbf16, #tpu.memory_space<vmem_shared>>
      tpu.wait_indirect_dma semaphore(%run_scoped3A_495 : memref<!tpu.dma_semaphore, #tpu.memory_space<semaphore_mem>>) src(%dma_wait3A_509 : memref<128x64xbf16, #tpu.memory_space<vmem>>) dst(%dma_wait3A_515 : memref<10016x64xbf16, #tpu.memory_space<vmem_shared>>)
      tpu.yield
    }) : () -> ()
    %dma_wait3A_94 = arith.constant 2 : i32
    %dma_wait3A_95 = arith.constant 0 : i32
    %dma_wait3A_96 = arith.constant 0 : i32
    %dma_wait3A_97 = arith.constant 0 : i32
    %dma_wait3A_98 = tpu.memref_slice %arg7[%dma_wait3A_95, %dma_wait3A_96, %dma_wait3A_97] : memref<2x128x64xbf16, #tpu.memory_space<vmem>> -> memref<1x128x64xbf16, #tpu.memory_space<vmem>>
    %dma_wait3A_99 = tpu.memref_squeeze %dma_wait3A_98 : memref<1x128x64xbf16, #tpu.memory_space<vmem>> -> memref<128x64xbf16, #tpu.memory_space<vmem>>
    %dma_wait3A_100 = arith.constant 0 : i32
    %dma_wait3A_101 = arith.constant 0 : i32
    %dma_wait3A_102 = tpu.memref_slice %arg2[%add3A, %dma_wait3A_94, %dma_wait3A_100, %dma_wait3A_101] : memref<32x13x128x64xbf16, #tpu.memory_space<hbm>> -> memref<1x1x128x64xbf16, #tpu.memory_space<hbm>>
    %dma_wait3A_103 = tpu.memref_squeeze %dma_wait3A_102 : memref<1x1x128x64xbf16, #tpu.memory_space<hbm>> -> memref<128x64xbf16, #tpu.memory_space<hbm>>
    %dma_wait3A_104 = arith.constant 0 : i32
    %dma_wait3A_105 = arith.constant 0 : i32
    %dma_wait3A_106 = tpu.memref_slice %arg7[%dma_wait3A_95, %dma_wait3A_104, %dma_wait3A_105] : memref<2x128x64xbf16, #tpu.memory_space<vmem>> -> memref<1x128x64xbf16, #tpu.memory_space<vmem>>
    %dma_wait3A_107 = tpu.memref_squeeze %dma_wait3A_106 : memref<1x128x64xbf16, #tpu.memory_space<vmem>> -> memref<128x64xbf16, #tpu.memory_space<vmem>>
    %dma_wait3A_108 = arith.constant 0 : i32
    %dma_wait3A_109 = arith.constant 0 : i32
    %dma_wait3A_110 = tpu.memref_slice %arg2[%add3A, %dma_wait3A_94, %dma_wait3A_108, %dma_wait3A_109] : memref<32x13x128x64xbf16, #tpu.memory_space<hbm>> -> memref<1x1x128x64xbf16, #tpu.memory_space<hbm>>
    %dma_wait3A_111 = tpu.memref_squeeze %dma_wait3A_110 : memref<1x1x128x64xbf16, #tpu.memory_space<hbm>> -> memref<128x64xbf16, #tpu.memory_space<hbm>>
    tpu.wait_dma2 semaphore(%arg9 : memref<!tpu.dma_semaphore, #tpu.memory_space<semaphore_mem>>) src(%dma_wait3A_111 : memref<128x64xbf16, #tpu.memory_space<hbm>>) dst(%dma_wait3A_107 : memref<128x64xbf16, #tpu.memory_space<vmem>>)
    %dma_start3A_112 = arith.constant 3 : i32
    %dma_start3A_113 = arith.constant 1 : i32
    %dma_start3A_114 = arith.constant 0 : i32
    %dma_start3A_115 = arith.constant 0 : i32
    %dma_start3A_116 = tpu.memref_slice %arg7[%dma_start3A_113, %dma_start3A_114, %dma_start3A_115] : memref<2x128x64xbf16, #tpu.memory_space<vmem>> -> memref<1x128x64xbf16, #tpu.memory_space<vmem>>
    %dma_start3A_117 = tpu.memref_squeeze %dma_start3A_116 : memref<1x128x64xbf16, #tpu.memory_space<vmem>> -> memref<128x64xbf16, #tpu.memory_space<vmem>>
    %dma_start3A_118 = arith.constant 0 : i32
    %dma_start3A_119 = arith.constant 0 : i32
    %dma_start3A_120 = tpu.memref_slice %arg2[%add3A, %dma_start3A_112, %dma_start3A_118, %dma_start3A_119] : memref<32x13x128x64xbf16, #tpu.memory_space<hbm>> -> memref<1x1x128x64xbf16, #tpu.memory_space<hbm>>
    %dma_start3A_121 = tpu.memref_squeeze %dma_start3A_120 : memref<1x1x128x64xbf16, #tpu.memory_space<hbm>> -> memref<128x64xbf16, #tpu.memory_space<hbm>>
    %dma_start3A_122 = arith.constant 0 : i32
    %dma_start3A_123 = arith.constant 0 : i32
    %dma_start3A_124 = tpu.memref_slice %arg7[%dma_start3A_113, %dma_start3A_122, %dma_start3A_123] : memref<2x128x64xbf16, #tpu.memory_space<vmem>> -> memref<1x128x64xbf16, #tpu.memory_space<vmem>>
    %dma_start3A_125 = tpu.memref_squeeze %dma_start3A_124 : memref<1x128x64xbf16, #tpu.memory_space<vmem>> -> memref<128x64xbf16, #tpu.memory_space<vmem>>
    %dma_start3A_126 = arith.constant 0 : i32
    %dma_start3A_127 = arith.constant 0 : i32
    %dma_start3A_128 = tpu.memref_slice %arg2[%add3A, %dma_start3A_112, %dma_start3A_126, %dma_start3A_127] : memref<32x13x128x64xbf16, #tpu.memory_space<hbm>> -> memref<1x1x128x64xbf16, #tpu.memory_space<hbm>>
    %dma_start3A_129 = tpu.memref_squeeze %dma_start3A_128 : memref<1x1x128x64xbf16, #tpu.memory_space<hbm>> -> memref<128x64xbf16, #tpu.memory_space<hbm>>
    tpu.enqueue_dma source(%dma_start3A_129 : memref<128x64xbf16, #tpu.memory_space<hbm>>) target(%dma_start3A_125 : memref<128x64xbf16, #tpu.memory_space<vmem>>) target_semaphore(%arg9 : memref<!tpu.dma_semaphore, #tpu.memory_space<semaphore_mem>>)
    %run_scoped3A_130 = arith.constant 0 : i32
    %run_scoped3A_131 = arith.constant 2 : i32
    "tpu.region"() ({
      %run_scoped3A_495 = tpu.sem_alloc : memref<!tpu.dma_semaphore, #tpu.memory_space<semaphore_mem>>
      %dma_start3A_496 = arith.constant 0 : i32
      %dma_start3A_497 = arith.constant 0 : i32
      %dma_start3A_498 = tpu.memref_slice %arg7[%run_scoped3A_130, %dma_start3A_496, %dma_start3A_497] : memref<2x128x64xbf16, #tpu.memory_space<vmem>> -> memref<1x128x64xbf16, #tpu.memory_space<vmem>>
      %dma_start3A_499 = tpu.memref_squeeze %dma_start3A_498 : memref<1x128x64xbf16, #tpu.memory_space<vmem>> -> memref<128x64xbf16, #tpu.memory_space<vmem>>
      %dma_start3A_500 = arith.constant 0 : i32
      %dma_start3A_501 = tpu.memref_slice %arg6[%run_scoped3A_131, %dma_start3A_500] : memref<13x128xi32, #tpu.memory_space<vmem>> -> memref<1x128xi32, #tpu.memory_space<vmem>>
      %dma_start3A_502 = tpu.memref_squeeze %dma_start3A_501 : memref<1x128xi32, #tpu.memory_space<vmem>> -> memref<128xi32, #tpu.memory_space<vmem>>
      %dma_start3A_503 = arith.constant 0 : i32
      %dma_start3A_504 = arith.constant 0 : i32
      %dma_start3A_505 = tpu.memref_slice %arg8[%dma_start3A_503, %dma_start3A_504] : memref<10016x64xbf16, #tpu.memory_space<vmem_shared>> -> memref<10016x64xbf16, #tpu.memory_space<vmem_shared>>
      tpu.enqueue_indirect_dma source(%dma_start3A_499 : memref<128x64xbf16, #tpu.memory_space<vmem>>) target(%dma_start3A_505 : memref<10016x64xbf16, #tpu.memory_space<vmem_shared>>) offsets(%dma_start3A_502 : memref<128xi32, #tpu.memory_space<vmem>>) semaphore(%run_scoped3A_495 : memref<!tpu.dma_semaphore, #tpu.memory_space<semaphore_mem>>) {add = true}
      %dma_wait3A_506 = arith.constant 0 : i32
      %dma_wait3A_507 = arith.constant 0 : i32
      %dma_wait3A_508 = tpu.memref_slice %arg7[%run_scoped3A_130, %dma_wait3A_506, %dma_wait3A_507] : memref<2x128x64xbf16, #tpu.memory_space<vmem>> -> memref<1x128x64xbf16, #tpu.memory_space<vmem>>
      %dma_wait3A_509 = tpu.memref_squeeze %dma_wait3A_508 : memref<1x128x64xbf16, #tpu.memory_space<vmem>> -> memref<128x64xbf16, #tpu.memory_space<vmem>>
      %dma_wait3A_510 = arith.constant 0 : i32
      %dma_wait3A_511 = tpu.memref_slice %arg6[%run_scoped3A_131, %dma_wait3A_510] : memref<13x128xi32, #tpu.memory_space<vmem>> -> memref<1x128xi32, #tpu.memory_space<vmem>>
      %dma_wait3A_512 = tpu.memref_squeeze %dma_wait3A_511 : memref<1x128xi32, #tpu.memory_space<vmem>> -> memref<128xi32, #tpu.memory_space<vmem>>
      %dma_wait3A_513 = arith.constant 0 : i32
      %dma_wait3A_514 = arith.constant 0 : i32
      %dma_wait3A_515 = tpu.memref_slice %arg8[%dma_wait3A_513, %dma_wait3A_514] : memref<10016x64xbf16, #tpu.memory_space<vmem_shared>> -> memref<10016x64xbf16, #tpu.memory_space<vmem_shared>>
      tpu.wait_indirect_dma semaphore(%run_scoped3A_495 : memref<!tpu.dma_semaphore, #tpu.memory_space<semaphore_mem>>) src(%dma_wait3A_509 : memref<128x64xbf16, #tpu.memory_space<vmem>>) dst(%dma_wait3A_515 : memref<10016x64xbf16, #tpu.memory_space<vmem_shared>>)
      tpu.yield
    }) : () -> ()
    %dma_wait3A_132 = arith.constant 3 : i32
    %dma_wait3A_133 = arith.constant 1 : i32
    %dma_wait3A_134 = arith.constant 0 : i32
    %dma_wait3A_135 = arith.constant 0 : i32
    %dma_wait3A_136 = tpu.memref_slice %arg7[%dma_wait3A_133, %dma_wait3A_134, %dma_wait3A_135] : memref<2x128x64xbf16, #tpu.memory_space<vmem>> -> memref<1x128x64xbf16, #tpu.memory_space<vmem>>
    %dma_wait3A_137 = tpu.memref_squeeze %dma_wait3A_136 : memref<1x128x64xbf16, #tpu.memory_space<vmem>> -> memref<128x64xbf16, #tpu.memory_space<vmem>>
    %dma_wait3A_138 = arith.constant 0 : i32
    %dma_wait3A_139 = arith.constant 0 : i32
    %dma_wait3A_140 = tpu.memref_slice %arg2[%add3A, %dma_wait3A_132, %dma_wait3A_138, %dma_wait3A_139] : memref<32x13x128x64xbf16, #tpu.memory_space<hbm>> -> memref<1x1x128x64xbf16, #tpu.memory_space<hbm>>
    %dma_wait3A_141 = tpu.memref_squeeze %dma_wait3A_140 : memref<1x1x128x64xbf16, #tpu.memory_space<hbm>> -> memref<128x64xbf16, #tpu.memory_space<hbm>>
    %dma_wait3A_142 = arith.constant 0 : i32
    %dma_wait3A_143 = arith.constant 0 : i32
    %dma_wait3A_144 = tpu.memref_slice %arg7[%dma_wait3A_133, %dma_wait3A_142, %dma_wait3A_143] : memref<2x128x64xbf16, #tpu.memory_space<vmem>> -> memref<1x128x64xbf16, #tpu.memory_space<vmem>>
    %dma_wait3A_145 = tpu.memref_squeeze %dma_wait3A_144 : memref<1x128x64xbf16, #tpu.memory_space<vmem>> -> memref<128x64xbf16, #tpu.memory_space<vmem>>
    %dma_wait3A_146 = arith.constant 0 : i32
    %dma_wait3A_147 = arith.constant 0 : i32
    %dma_wait3A_148 = tpu.memref_slice %arg2[%add3A, %dma_wait3A_132, %dma_wait3A_146, %dma_wait3A_147] : memref<32x13x128x64xbf16, #tpu.memory_space<hbm>> -> memref<1x1x128x64xbf16, #tpu.memory_space<hbm>>
    %dma_wait3A_149 = tpu.memref_squeeze %dma_wait3A_148 : memref<1x1x128x64xbf16, #tpu.memory_space<hbm>> -> memref<128x64xbf16, #tpu.memory_space<hbm>>
    tpu.wait_dma2 semaphore(%arg9 : memref<!tpu.dma_semaphore, #tpu.memory_space<semaphore_mem>>) src(%dma_wait3A_149 : memref<128x64xbf16, #tpu.memory_space<hbm>>) dst(%dma_wait3A_145 : memref<128x64xbf16, #tpu.memory_space<vmem>>)
    %dma_start3A_150 = arith.constant 4 : i32
    %dma_start3A_151 = arith.constant 0 : i32
    %dma_start3A_152 = arith.constant 0 : i32
    %dma_start3A_153 = arith.constant 0 : i32
    %dma_start3A_154 = tpu.memref_slice %arg7[%dma_start3A_151, %dma_start3A_152, %dma_start3A_153] : memref<2x128x64xbf16, #tpu.memory_space<vmem>> -> memref<1x128x64xbf16, #tpu.memory_space<vmem>>
    %dma_start3A_155 = tpu.memref_squeeze %dma_start3A_154 : memref<1x128x64xbf16, #tpu.memory_space<vmem>> -> memref<128x64xbf16, #tpu.memory_space<vmem>>
    %dma_start3A_156 = arith.constant 0 : i32
    %dma_start3A_157 = arith.constant 0 : i32
    %dma_start3A_158 = tpu.memref_slice %arg2[%add3A, %dma_start3A_150, %dma_start3A_156, %dma_start3A_157] : memref<32x13x128x64xbf16, #tpu.memory_space<hbm>> -> memref<1x1x128x64xbf16, #tpu.memory_space<hbm>>
    %dma_start3A_159 = tpu.memref_squeeze %dma_start3A_158 : memref<1x1x128x64xbf16, #tpu.memory_space<hbm>> -> memref<128x64xbf16, #tpu.memory_space<hbm>>
    %dma_start3A_160 = arith.constant 0 : i32
    %dma_start3A_161 = arith.constant 0 : i32
    %dma_start3A_162 = tpu.memref_slice %arg7[%dma_start3A_151, %dma_start3A_160, %dma_start3A_161] : memref<2x128x64xbf16, #tpu.memory_space<vmem>> -> memref<1x128x64xbf16, #tpu.memory_space<vmem>>
    %dma_start3A_163 = tpu.memref_squeeze %dma_start3A_162 : memref<1x128x64xbf16, #tpu.memory_space<vmem>> -> memref<128x64xbf16, #tpu.memory_space<vmem>>
    %dma_start3A_164 = arith.constant 0 : i32
    %dma_start3A_165 = arith.constant 0 : i32
    %dma_start3A_166 = tpu.memref_slice %arg2[%add3A, %dma_start3A_150, %dma_start3A_164, %dma_start3A_165] : memref<32x13x128x64xbf16, #tpu.memory_space<hbm>> -> memref<1x1x128x64xbf16, #tpu.memory_space<hbm>>
    %dma_start3A_167 = tpu.memref_squeeze %dma_start3A_166 : memref<1x1x128x64xbf16, #tpu.memory_space<hbm>> -> memref<128x64xbf16, #tpu.memory_space<hbm>>
    tpu.enqueue_dma source(%dma_start3A_167 : memref<128x64xbf16, #tpu.memory_space<hbm>>) target(%dma_start3A_163 : memref<128x64xbf16, #tpu.memory_space<vmem>>) target_semaphore(%arg9 : memref<!tpu.dma_semaphore, #tpu.memory_space<semaphore_mem>>)
    %run_scoped3A_168 = arith.constant 1 : i32
    %run_scoped3A_169 = arith.constant 3 : i32
    "tpu.region"() ({
      %run_scoped3A_495 = tpu.sem_alloc : memref<!tpu.dma_semaphore, #tpu.memory_space<semaphore_mem>>
      %dma_start3A_496 = arith.constant 0 : i32
      %dma_start3A_497 = arith.constant 0 : i32
      %dma_start3A_498 = tpu.memref_slice %arg7[%run_scoped3A_168, %dma_start3A_496, %dma_start3A_497] : memref<2x128x64xbf16, #tpu.memory_space<vmem>> -> memref<1x128x64xbf16, #tpu.memory_space<vmem>>
      %dma_start3A_499 = tpu.memref_squeeze %dma_start3A_498 : memref<1x128x64xbf16, #tpu.memory_space<vmem>> -> memref<128x64xbf16, #tpu.memory_space<vmem>>
      %dma_start3A_500 = arith.constant 0 : i32
      %dma_start3A_501 = tpu.memref_slice %arg6[%run_scoped3A_169, %dma_start3A_500] : memref<13x128xi32, #tpu.memory_space<vmem>> -> memref<1x128xi32, #tpu.memory_space<vmem>>
      %dma_start3A_502 = tpu.memref_squeeze %dma_start3A_501 : memref<1x128xi32, #tpu.memory_space<vmem>> -> memref<128xi32, #tpu.memory_space<vmem>>
      %dma_start3A_503 = arith.constant 0 : i32
      %dma_start3A_504 = arith.constant 0 : i32
      %dma_start3A_505 = tpu.memref_slice %arg8[%dma_start3A_503, %dma_start3A_504] : memref<10016x64xbf16, #tpu.memory_space<vmem_shared>> -> memref<10016x64xbf16, #tpu.memory_space<vmem_shared>>
      tpu.enqueue_indirect_dma source(%dma_start3A_499 : memref<128x64xbf16, #tpu.memory_space<vmem>>) target(%dma_start3A_505 : memref<10016x64xbf16, #tpu.memory_space<vmem_shared>>) offsets(%dma_start3A_502 : memref<128xi32, #tpu.memory_space<vmem>>) semaphore(%run_scoped3A_495 : memref<!tpu.dma_semaphore, #tpu.memory_space<semaphore_mem>>) {add = true}
      %dma_wait3A_506 = arith.constant 0 : i32
      %dma_wait3A_507 = arith.constant 0 : i32
      %dma_wait3A_508 = tpu.memref_slice %arg7[%run_scoped3A_168, %dma_wait3A_506, %dma_wait3A_507] : memref<2x128x64xbf16, #tpu.memory_space<vmem>> -> memref<1x128x64xbf16, #tpu.memory_space<vmem>>
      %dma_wait3A_509 = tpu.memref_squeeze %dma_wait3A_508 : memref<1x128x64xbf16, #tpu.memory_space<vmem>> -> memref<128x64xbf16, #tpu.memory_space<vmem>>
      %dma_wait3A_510 = arith.constant 0 : i32
      %dma_wait3A_511 = tpu.memref_slice %arg6[%run_scoped3A_169, %dma_wait3A_510] : memref<13x128xi32, #tpu.memory_space<vmem>> -> memref<1x128xi32, #tpu.memory_space<vmem>>
      %dma_wait3A_512 = tpu.memref_squeeze %dma_wait3A_511 : memref<1x128xi32, #tpu.memory_space<vmem>> -> memref<128xi32, #tpu.memory_space<vmem>>
      %dma_wait3A_513 = arith.constant 0 : i32
      %dma_wait3A_514 = arith.constant 0 : i32
      %dma_wait3A_515 = tpu.memref_slice %arg8[%dma_wait3A_513, %dma_wait3A_514] : memref<10016x64xbf16, #tpu.memory_space<vmem_shared>> -> memref<10016x64xbf16, #tpu.memory_space<vmem_shared>>
      tpu.wait_indirect_dma semaphore(%run_scoped3A_495 : memref<!tpu.dma_semaphore, #tpu.memory_space<semaphore_mem>>) src(%dma_wait3A_509 : memref<128x64xbf16, #tpu.memory_space<vmem>>) dst(%dma_wait3A_515 : memref<10016x64xbf16, #tpu.memory_space<vmem_shared>>)
      tpu.yield
    }) : () -> ()
    %dma_wait3A_170 = arith.constant 4 : i32
    %dma_wait3A_171 = arith.constant 0 : i32
    %dma_wait3A_172 = arith.constant 0 : i32
    %dma_wait3A_173 = arith.constant 0 : i32
    %dma_wait3A_174 = tpu.memref_slice %arg7[%dma_wait3A_171, %dma_wait3A_172, %dma_wait3A_173] : memref<2x128x64xbf16, #tpu.memory_space<vmem>> -> memref<1x128x64xbf16, #tpu.memory_space<vmem>>
    %dma_wait3A_175 = tpu.memref_squeeze %dma_wait3A_174 : memref<1x128x64xbf16, #tpu.memory_space<vmem>> -> memref<128x64xbf16, #tpu.memory_space<vmem>>
    %dma_wait3A_176 = arith.constant 0 : i32
    %dma_wait3A_177 = arith.constant 0 : i32
    %dma_wait3A_178 = tpu.memref_slice %arg2[%add3A, %dma_wait3A_170, %dma_wait3A_176, %dma_wait3A_177] : memref<32x13x128x64xbf16, #tpu.memory_space<hbm>> -> memref<1x1x128x64xbf16, #tpu.memory_space<hbm>>
    %dma_wait3A_179 = tpu.memref_squeeze %dma_wait3A_178 : memref<1x1x128x64xbf16, #tpu.memory_space<hbm>> -> memref<128x64xbf16, #tpu.memory_space<hbm>>
    %dma_wait3A_180 = arith.constant 0 : i32
    %dma_wait3A_181 = arith.constant 0 : i32
    %dma_wait3A_182 = tpu.memref_slice %arg7[%dma_wait3A_171, %dma_wait3A_180, %dma_wait3A_181] : memref<2x128x64xbf16, #tpu.memory_space<vmem>> -> memref<1x128x64xbf16, #tpu.memory_space<vmem>>
    %dma_wait3A_183 = tpu.memref_squeeze %dma_wait3A_182 : memref<1x128x64xbf16, #tpu.memory_space<vmem>> -> memref<128x64xbf16, #tpu.memory_space<vmem>>
    %dma_wait3A_184 = arith.constant 0 : i32
    %dma_wait3A_185 = arith.constant 0 : i32
    %dma_wait3A_186 = tpu.memref_slice %arg2[%add3A, %dma_wait3A_170, %dma_wait3A_184, %dma_wait3A_185] : memref<32x13x128x64xbf16, #tpu.memory_space<hbm>> -> memref<1x1x128x64xbf16, #tpu.memory_space<hbm>>
    %dma_wait3A_187 = tpu.memref_squeeze %dma_wait3A_186 : memref<1x1x128x64xbf16, #tpu.memory_space<hbm>> -> memref<128x64xbf16, #tpu.memory_space<hbm>>
    tpu.wait_dma2 semaphore(%arg9 : memref<!tpu.dma_semaphore, #tpu.memory_space<semaphore_mem>>) src(%dma_wait3A_187 : memref<128x64xbf16, #tpu.memory_space<hbm>>) dst(%dma_wait3A_183 : memref<128x64xbf16, #tpu.memory_space<vmem>>)
    %dma_start3A_188 = arith.constant 5 : i32
    %dma_start3A_189 = arith.constant 1 : i32
    %dma_start3A_190 = arith.constant 0 : i32
    %dma_start3A_191 = arith.constant 0 : i32
    %dma_start3A_192 = tpu.memref_slice %arg7[%dma_start3A_189, %dma_start3A_190, %dma_start3A_191] : memref<2x128x64xbf16, #tpu.memory_space<vmem>> -> memref<1x128x64xbf16, #tpu.memory_space<vmem>>
    %dma_start3A_193 = tpu.memref_squeeze %dma_start3A_192 : memref<1x128x64xbf16, #tpu.memory_space<vmem>> -> memref<128x64xbf16, #tpu.memory_space<vmem>>
    %dma_start3A_194 = arith.constant 0 : i32
    %dma_start3A_195 = arith.constant 0 : i32
    %dma_start3A_196 = tpu.memref_slice %arg2[%add3A, %dma_start3A_188, %dma_start3A_194, %dma_start3A_195] : memref<32x13x128x64xbf16, #tpu.memory_space<hbm>> -> memref<1x1x128x64xbf16, #tpu.memory_space<hbm>>
    %dma_start3A_197 = tpu.memref_squeeze %dma_start3A_196 : memref<1x1x128x64xbf16, #tpu.memory_space<hbm>> -> memref<128x64xbf16, #tpu.memory_space<hbm>>
    %dma_start3A_198 = arith.constant 0 : i32
    %dma_start3A_199 = arith.constant 0 : i32
    %dma_start3A_200 = tpu.memref_slice %arg7[%dma_start3A_189, %dma_start3A_198, %dma_start3A_199] : memref<2x128x64xbf16, #tpu.memory_space<vmem>> -> memref<1x128x64xbf16, #tpu.memory_space<vmem>>
    %dma_start3A_201 = tpu.memref_squeeze %dma_start3A_200 : memref<1x128x64xbf16, #tpu.memory_space<vmem>> -> memref<128x64xbf16, #tpu.memory_space<vmem>>
    %dma_start3A_202 = arith.constant 0 : i32
    %dma_start3A_203 = arith.constant 0 : i32
    %dma_start3A_204 = tpu.memref_slice %arg2[%add3A, %dma_start3A_188, %dma_start3A_202, %dma_start3A_203] : memref<32x13x128x64xbf16, #tpu.memory_space<hbm>> -> memref<1x1x128x64xbf16, #tpu.memory_space<hbm>>
    %dma_start3A_205 = tpu.memref_squeeze %dma_start3A_204 : memref<1x1x128x64xbf16, #tpu.memory_space<hbm>> -> memref<128x64xbf16, #tpu.memory_space<hbm>>
    tpu.enqueue_dma source(%dma_start3A_205 : memref<128x64xbf16, #tpu.memory_space<hbm>>) target(%dma_start3A_201 : memref<128x64xbf16, #tpu.memory_space<vmem>>) target_semaphore(%arg9 : memref<!tpu.dma_semaphore, #tpu.memory_space<semaphore_mem>>)
    %run_scoped3A_206 = arith.constant 0 : i32
    %run_scoped3A_207 = arith.constant 4 : i32
    "tpu.region"() ({
      %run_scoped3A_495 = tpu.sem_alloc : memref<!tpu.dma_semaphore, #tpu.memory_space<semaphore_mem>>
      %dma_start3A_496 = arith.constant 0 : i32
      %dma_start3A_497 = arith.constant 0 : i32
      %dma_start3A_498 = tpu.memref_slice %arg7[%run_scoped3A_206, %dma_start3A_496, %dma_start3A_497] : memref<2x128x64xbf16, #tpu.memory_space<vmem>> -> memref<1x128x64xbf16, #tpu.memory_space<vmem>>
      %dma_start3A_499 = tpu.memref_squeeze %dma_start3A_498 : memref<1x128x64xbf16, #tpu.memory_space<vmem>> -> memref<128x64xbf16, #tpu.memory_space<vmem>>
      %dma_start3A_500 = arith.constant 0 : i32
      %dma_start3A_501 = tpu.memref_slice %arg6[%run_scoped3A_207, %dma_start3A_500] : memref<13x128xi32, #tpu.memory_space<vmem>> -> memref<1x128xi32, #tpu.memory_space<vmem>>
      %dma_start3A_502 = tpu.memref_squeeze %dma_start3A_501 : memref<1x128xi32, #tpu.memory_space<vmem>> -> memref<128xi32, #tpu.memory_space<vmem>>
      %dma_start3A_503 = arith.constant 0 : i32
      %dma_start3A_504 = arith.constant 0 : i32
      %dma_start3A_505 = tpu.memref_slice %arg8[%dma_start3A_503, %dma_start3A_504] : memref<10016x64xbf16, #tpu.memory_space<vmem_shared>> -> memref<10016x64xbf16, #tpu.memory_space<vmem_shared>>
      tpu.enqueue_indirect_dma source(%dma_start3A_499 : memref<128x64xbf16, #tpu.memory_space<vmem>>) target(%dma_start3A_505 : memref<10016x64xbf16, #tpu.memory_space<vmem_shared>>) offsets(%dma_start3A_502 : memref<128xi32, #tpu.memory_space<vmem>>) semaphore(%run_scoped3A_495 : memref<!tpu.dma_semaphore, #tpu.memory_space<semaphore_mem>>) {add = true}
      %dma_wait3A_506 = arith.constant 0 : i32
      %dma_wait3A_507 = arith.constant 0 : i32
      %dma_wait3A_508 = tpu.memref_slice %arg7[%run_scoped3A_206, %dma_wait3A_506, %dma_wait3A_507] : memref<2x128x64xbf16, #tpu.memory_space<vmem>> -> memref<1x128x64xbf16, #tpu.memory_space<vmem>>
      %dma_wait3A_509 = tpu.memref_squeeze %dma_wait3A_508 : memref<1x128x64xbf16, #tpu.memory_space<vmem>> -> memref<128x64xbf16, #tpu.memory_space<vmem>>
      %dma_wait3A_510 = arith.constant 0 : i32
      %dma_wait3A_511 = tpu.memref_slice %arg6[%run_scoped3A_207, %dma_wait3A_510] : memref<13x128xi32, #tpu.memory_space<vmem>> -> memref<1x128xi32, #tpu.memory_space<vmem>>
      %dma_wait3A_512 = tpu.memref_squeeze %dma_wait3A_511 : memref<1x128xi32, #tpu.memory_space<vmem>> -> memref<128xi32, #tpu.memory_space<vmem>>
      %dma_wait3A_513 = arith.constant 0 : i32
      %dma_wait3A_514 = arith.constant 0 : i32
      %dma_wait3A_515 = tpu.memref_slice %arg8[%dma_wait3A_513, %dma_wait3A_514] : memref<10016x64xbf16, #tpu.memory_space<vmem_shared>> -> memref<10016x64xbf16, #tpu.memory_space<vmem_shared>>
      tpu.wait_indirect_dma semaphore(%run_scoped3A_495 : memref<!tpu.dma_semaphore, #tpu.memory_space<semaphore_mem>>) src(%dma_wait3A_509 : memref<128x64xbf16, #tpu.memory_space<vmem>>) dst(%dma_wait3A_515 : memref<10016x64xbf16, #tpu.memory_space<vmem_shared>>)
      tpu.yield
    }) : () -> ()
    %dma_wait3A_208 = arith.constant 5 : i32
    %dma_wait3A_209 = arith.constant 1 : i32
    %dma_wait3A_210 = arith.constant 0 : i32
    %dma_wait3A_211 = arith.constant 0 : i32
    %dma_wait3A_212 = tpu.memref_slice %arg7[%dma_wait3A_209, %dma_wait3A_210, %dma_wait3A_211] : memref<2x128x64xbf16, #tpu.memory_space<vmem>> -> memref<1x128x64xbf16, #tpu.memory_space<vmem>>
    %dma_wait3A_213 = tpu.memref_squeeze %dma_wait3A_212 : memref<1x128x64xbf16, #tpu.memory_space<vmem>> -> memref<128x64xbf16, #tpu.memory_space<vmem>>
    %dma_wait3A_214 = arith.constant 0 : i32
    %dma_wait3A_215 = arith.constant 0 : i32
    %dma_wait3A_216 = tpu.memref_slice %arg2[%add3A, %dma_wait3A_208, %dma_wait3A_214, %dma_wait3A_215] : memref<32x13x128x64xbf16, #tpu.memory_space<hbm>> -> memref<1x1x128x64xbf16, #tpu.memory_space<hbm>>
    %dma_wait3A_217 = tpu.memref_squeeze %dma_wait3A_216 : memref<1x1x128x64xbf16, #tpu.memory_space<hbm>> -> memref<128x64xbf16, #tpu.memory_space<hbm>>
    %dma_wait3A_218 = arith.constant 0 : i32
    %dma_wait3A_219 = arith.constant 0 : i32
    %dma_wait3A_220 = tpu.memref_slice %arg7[%dma_wait3A_209, %dma_wait3A_218, %dma_wait3A_219] : memref<2x128x64xbf16, #tpu.memory_space<vmem>> -> memref<1x128x64xbf16, #tpu.memory_space<vmem>>
    %dma_wait3A_221 = tpu.memref_squeeze %dma_wait3A_220 : memref<1x128x64xbf16, #tpu.memory_space<vmem>> -> memref<128x64xbf16, #tpu.memory_space<vmem>>
    %dma_wait3A_222 = arith.constant 0 : i32
    %dma_wait3A_223 = arith.constant 0 : i32
    %dma_wait3A_224 = tpu.memref_slice %arg2[%add3A, %dma_wait3A_208, %dma_wait3A_222, %dma_wait3A_223] : memref<32x13x128x64xbf16, #tpu.memory_space<hbm>> -> memref<1x1x128x64xbf16, #tpu.memory_space<hbm>>
    %dma_wait3A_225 = tpu.memref_squeeze %dma_wait3A_224 : memref<1x1x128x64xbf16, #tpu.memory_space<hbm>> -> memref<128x64xbf16, #tpu.memory_space<hbm>>
    tpu.wait_dma2 semaphore(%arg9 : memref<!tpu.dma_semaphore, #tpu.memory_space<semaphore_mem>>) src(%dma_wait3A_225 : memref<128x64xbf16, #tpu.memory_space<hbm>>) dst(%dma_wait3A_221 : memref<128x64xbf16, #tpu.memory_space<vmem>>)
    %dma_start3A_226 = arith.constant 6 : i32
    %dma_start3A_227 = arith.constant 0 : i32
    %dma_start3A_228 = arith.constant 0 : i32
    %dma_start3A_229 = arith.constant 0 : i32
    %dma_start3A_230 = tpu.memref_slice %arg7[%dma_start3A_227, %dma_start3A_228, %dma_start3A_229] : memref<2x128x64xbf16, #tpu.memory_space<vmem>> -> memref<1x128x64xbf16, #tpu.memory_space<vmem>>
    %dma_start3A_231 = tpu.memref_squeeze %dma_start3A_230 : memref<1x128x64xbf16, #tpu.memory_space<vmem>> -> memref<128x64xbf16, #tpu.memory_space<vmem>>
    %dma_start3A_232 = arith.constant 0 : i32
    %dma_start3A_233 = arith.constant 0 : i32
    %dma_start3A_234 = tpu.memref_slice %arg2[%add3A, %dma_start3A_226, %dma_start3A_232, %dma_start3A_233] : memref<32x13x128x64xbf16, #tpu.memory_space<hbm>> -> memref<1x1x128x64xbf16, #tpu.memory_space<hbm>>
    %dma_start3A_235 = tpu.memref_squeeze %dma_start3A_234 : memref<1x1x128x64xbf16, #tpu.memory_space<hbm>> -> memref<128x64xbf16, #tpu.memory_space<hbm>>
    %dma_start3A_236 = arith.constant 0 : i32
    %dma_start3A_237 = arith.constant 0 : i32
    %dma_start3A_238 = tpu.memref_slice %arg7[%dma_start3A_227, %dma_start3A_236, %dma_start3A_237] : memref<2x128x64xbf16, #tpu.memory_space<vmem>> -> memref<1x128x64xbf16, #tpu.memory_space<vmem>>
    %dma_start3A_239 = tpu.memref_squeeze %dma_start3A_238 : memref<1x128x64xbf16, #tpu.memory_space<vmem>> -> memref<128x64xbf16, #tpu.memory_space<vmem>>
    %dma_start3A_240 = arith.constant 0 : i32
    %dma_start3A_241 = arith.constant 0 : i32
    %dma_start3A_242 = tpu.memref_slice %arg2[%add3A, %dma_start3A_226, %dma_start3A_240, %dma_start3A_241] : memref<32x13x128x64xbf16, #tpu.memory_space<hbm>> -> memref<1x1x128x64xbf16, #tpu.memory_space<hbm>>
    %dma_start3A_243 = tpu.memref_squeeze %dma_start3A_242 : memref<1x1x128x64xbf16, #tpu.memory_space<hbm>> -> memref<128x64xbf16, #tpu.memory_space<hbm>>
    tpu.enqueue_dma source(%dma_start3A_243 : memref<128x64xbf16, #tpu.memory_space<hbm>>) target(%dma_start3A_239 : memref<128x64xbf16, #tpu.memory_space<vmem>>) target_semaphore(%arg9 : memref<!tpu.dma_semaphore, #tpu.memory_space<semaphore_mem>>)
    %run_scoped3A_244 = arith.constant 1 : i32
    %run_scoped3A_245 = arith.constant 5 : i32
    "tpu.region"() ({
      %run_scoped3A_495 = tpu.sem_alloc : memref<!tpu.dma_semaphore, #tpu.memory_space<semaphore_mem>>
      %dma_start3A_496 = arith.constant 0 : i32
      %dma_start3A_497 = arith.constant 0 : i32
      %dma_start3A_498 = tpu.memref_slice %arg7[%run_scoped3A_244, %dma_start3A_496, %dma_start3A_497] : memref<2x128x64xbf16, #tpu.memory_space<vmem>> -> memref<1x128x64xbf16, #tpu.memory_space<vmem>>
      %dma_start3A_499 = tpu.memref_squeeze %dma_start3A_498 : memref<1x128x64xbf16, #tpu.memory_space<vmem>> -> memref<128x64xbf16, #tpu.memory_space<vmem>>
      %dma_start3A_500 = arith.constant 0 : i32
      %dma_start3A_501 = tpu.memref_slice %arg6[%run_scoped3A_245, %dma_start3A_500] : memref<13x128xi32, #tpu.memory_space<vmem>> -> memref<1x128xi32, #tpu.memory_space<vmem>>
      %dma_start3A_502 = tpu.memref_squeeze %dma_start3A_501 : memref<1x128xi32, #tpu.memory_space<vmem>> -> memref<128xi32, #tpu.memory_space<vmem>>
      %dma_start3A_503 = arith.constant 0 : i32
      %dma_start3A_504 = arith.constant 0 : i32
      %dma_start3A_505 = tpu.memref_slice %arg8[%dma_start3A_503, %dma_start3A_504] : memref<10016x64xbf16, #tpu.memory_space<vmem_shared>> -> memref<10016x64xbf16, #tpu.memory_space<vmem_shared>>
      tpu.enqueue_indirect_dma source(%dma_start3A_499 : memref<128x64xbf16, #tpu.memory_space<vmem>>) target(%dma_start3A_505 : memref<10016x64xbf16, #tpu.memory_space<vmem_shared>>) offsets(%dma_start3A_502 : memref<128xi32, #tpu.memory_space<vmem>>) semaphore(%run_scoped3A_495 : memref<!tpu.dma_semaphore, #tpu.memory_space<semaphore_mem>>) {add = true}
      %dma_wait3A_506 = arith.constant 0 : i32
      %dma_wait3A_507 = arith.constant 0 : i32
      %dma_wait3A_508 = tpu.memref_slice %arg7[%run_scoped3A_244, %dma_wait3A_506, %dma_wait3A_507] : memref<2x128x64xbf16, #tpu.memory_space<vmem>> -> memref<1x128x64xbf16, #tpu.memory_space<vmem>>
      %dma_wait3A_509 = tpu.memref_squeeze %dma_wait3A_508 : memref<1x128x64xbf16, #tpu.memory_space<vmem>> -> memref<128x64xbf16, #tpu.memory_space<vmem>>
      %dma_wait3A_510 = arith.constant 0 : i32
      %dma_wait3A_511 = tpu.memref_slice %arg6[%run_scoped3A_245, %dma_wait3A_510] : memref<13x128xi32, #tpu.memory_space<vmem>> -> memref<1x128xi32, #tpu.memory_space<vmem>>
      %dma_wait3A_512 = tpu.memref_squeeze %dma_wait3A_511 : memref<1x128xi32, #tpu.memory_space<vmem>> -> memref<128xi32, #tpu.memory_space<vmem>>
      %dma_wait3A_513 = arith.constant 0 : i32
      %dma_wait3A_514 = arith.constant 0 : i32
      %dma_wait3A_515 = tpu.memref_slice %arg8[%dma_wait3A_513, %dma_wait3A_514] : memref<10016x64xbf16, #tpu.memory_space<vmem_shared>> -> memref<10016x64xbf16, #tpu.memory_space<vmem_shared>>
      tpu.wait_indirect_dma semaphore(%run_scoped3A_495 : memref<!tpu.dma_semaphore, #tpu.memory_space<semaphore_mem>>) src(%dma_wait3A_509 : memref<128x64xbf16, #tpu.memory_space<vmem>>) dst(%dma_wait3A_515 : memref<10016x64xbf16, #tpu.memory_space<vmem_shared>>)
      tpu.yield
    }) : () -> ()
    %dma_wait3A_246 = arith.constant 6 : i32
    %dma_wait3A_247 = arith.constant 0 : i32
    %dma_wait3A_248 = arith.constant 0 : i32
    %dma_wait3A_249 = arith.constant 0 : i32
    %dma_wait3A_250 = tpu.memref_slice %arg7[%dma_wait3A_247, %dma_wait3A_248, %dma_wait3A_249] : memref<2x128x64xbf16, #tpu.memory_space<vmem>> -> memref<1x128x64xbf16, #tpu.memory_space<vmem>>
    %dma_wait3A_251 = tpu.memref_squeeze %dma_wait3A_250 : memref<1x128x64xbf16, #tpu.memory_space<vmem>> -> memref<128x64xbf16, #tpu.memory_space<vmem>>
    %dma_wait3A_252 = arith.constant 0 : i32
    %dma_wait3A_253 = arith.constant 0 : i32
    %dma_wait3A_254 = tpu.memref_slice %arg2[%add3A, %dma_wait3A_246, %dma_wait3A_252, %dma_wait3A_253] : memref<32x13x128x64xbf16, #tpu.memory_space<hbm>> -> memref<1x1x128x64xbf16, #tpu.memory_space<hbm>>
    %dma_wait3A_255 = tpu.memref_squeeze %dma_wait3A_254 : memref<1x1x128x64xbf16, #tpu.memory_space<hbm>> -> memref<128x64xbf16, #tpu.memory_space<hbm>>
    %dma_wait3A_256 = arith.constant 0 : i32
    %dma_wait3A_257 = arith.constant 0 : i32
    %dma_wait3A_258 = tpu.memref_slice %arg7[%dma_wait3A_247, %dma_wait3A_256, %dma_wait3A_257] : memref<2x128x64xbf16, #tpu.memory_space<vmem>> -> memref<1x128x64xbf16, #tpu.memory_space<vmem>>
    %dma_wait3A_259 = tpu.memref_squeeze %dma_wait3A_258 : memref<1x128x64xbf16, #tpu.memory_space<vmem>> -> memref<128x64xbf16, #tpu.memory_space<vmem>>
    %dma_wait3A_260 = arith.constant 0 : i32
    %dma_wait3A_261 = arith.constant 0 : i32
    %dma_wait3A_262 = tpu.memref_slice %arg2[%add3A, %dma_wait3A_246, %dma_wait3A_260, %dma_wait3A_261] : memref<32x13x128x64xbf16, #tpu.memory_space<hbm>> -> memref<1x1x128x64xbf16, #tpu.memory_space<hbm>>
    %dma_wait3A_263 = tpu.memref_squeeze %dma_wait3A_262 : memref<1x1x128x64xbf16, #tpu.memory_space<hbm>> -> memref<128x64xbf16, #tpu.memory_space<hbm>>
    tpu.wait_dma2 semaphore(%arg9 : memref<!tpu.dma_semaphore, #tpu.memory_space<semaphore_mem>>) src(%dma_wait3A_263 : memref<128x64xbf16, #tpu.memory_space<hbm>>) dst(%dma_wait3A_259 : memref<128x64xbf16, #tpu.memory_space<vmem>>)
    %dma_start3A_264 = arith.constant 7 : i32
    %dma_start3A_265 = arith.constant 1 : i32
    %dma_start3A_266 = arith.constant 0 : i32
    %dma_start3A_267 = arith.constant 0 : i32
    %dma_start3A_268 = tpu.memref_slice %arg7[%dma_start3A_265, %dma_start3A_266, %dma_start3A_267] : memref<2x128x64xbf16, #tpu.memory_space<vmem>> -> memref<1x128x64xbf16, #tpu.memory_space<vmem>>
    %dma_start3A_269 = tpu.memref_squeeze %dma_start3A_268 : memref<1x128x64xbf16, #tpu.memory_space<vmem>> -> memref<128x64xbf16, #tpu.memory_space<vmem>>
    %dma_start3A_270 = arith.constant 0 : i32
    %dma_start3A_271 = arith.constant 0 : i32
    %dma_start3A_272 = tpu.memref_slice %arg2[%add3A, %dma_start3A_264, %dma_start3A_270, %dma_start3A_271] : memref<32x13x128x64xbf16, #tpu.memory_space<hbm>> -> memref<1x1x128x64xbf16, #tpu.memory_space<hbm>>
    %dma_start3A_273 = tpu.memref_squeeze %dma_start3A_272 : memref<1x1x128x64xbf16, #tpu.memory_space<hbm>> -> memref<128x64xbf16, #tpu.memory_space<hbm>>
    %dma_start3A_274 = arith.constant 0 : i32
    %dma_start3A_275 = arith.constant 0 : i32
    %dma_start3A_276 = tpu.memref_slice %arg7[%dma_start3A_265, %dma_start3A_274, %dma_start3A_275] : memref<2x128x64xbf16, #tpu.memory_space<vmem>> -> memref<1x128x64xbf16, #tpu.memory_space<vmem>>
    %dma_start3A_277 = tpu.memref_squeeze %dma_start3A_276 : memref<1x128x64xbf16, #tpu.memory_space<vmem>> -> memref<128x64xbf16, #tpu.memory_space<vmem>>
    %dma_start3A_278 = arith.constant 0 : i32
    %dma_start3A_279 = arith.constant 0 : i32
    %dma_start3A_280 = tpu.memref_slice %arg2[%add3A, %dma_start3A_264, %dma_start3A_278, %dma_start3A_279] : memref<32x13x128x64xbf16, #tpu.memory_space<hbm>> -> memref<1x1x128x64xbf16, #tpu.memory_space<hbm>>
    %dma_start3A_281 = tpu.memref_squeeze %dma_start3A_280 : memref<1x1x128x64xbf16, #tpu.memory_space<hbm>> -> memref<128x64xbf16, #tpu.memory_space<hbm>>
    tpu.enqueue_dma source(%dma_start3A_281 : memref<128x64xbf16, #tpu.memory_space<hbm>>) target(%dma_start3A_277 : memref<128x64xbf16, #tpu.memory_space<vmem>>) target_semaphore(%arg9 : memref<!tpu.dma_semaphore, #tpu.memory_space<semaphore_mem>>)
    %run_scoped3A_282 = arith.constant 0 : i32
    %run_scoped3A_283 = arith.constant 6 : i32
    "tpu.region"() ({
      %run_scoped3A_495 = tpu.sem_alloc : memref<!tpu.dma_semaphore, #tpu.memory_space<semaphore_mem>>
      %dma_start3A_496 = arith.constant 0 : i32
      %dma_start3A_497 = arith.constant 0 : i32
      %dma_start3A_498 = tpu.memref_slice %arg7[%run_scoped3A_282, %dma_start3A_496, %dma_start3A_497] : memref<2x128x64xbf16, #tpu.memory_space<vmem>> -> memref<1x128x64xbf16, #tpu.memory_space<vmem>>
      %dma_start3A_499 = tpu.memref_squeeze %dma_start3A_498 : memref<1x128x64xbf16, #tpu.memory_space<vmem>> -> memref<128x64xbf16, #tpu.memory_space<vmem>>
      %dma_start3A_500 = arith.constant 0 : i32
      %dma_start3A_501 = tpu.memref_slice %arg6[%run_scoped3A_283, %dma_start3A_500] : memref<13x128xi32, #tpu.memory_space<vmem>> -> memref<1x128xi32, #tpu.memory_space<vmem>>
      %dma_start3A_502 = tpu.memref_squeeze %dma_start3A_501 : memref<1x128xi32, #tpu.memory_space<vmem>> -> memref<128xi32, #tpu.memory_space<vmem>>
      %dma_start3A_503 = arith.constant 0 : i32
      %dma_start3A_504 = arith.constant 0 : i32
      %dma_start3A_505 = tpu.memref_slice %arg8[%dma_start3A_503, %dma_start3A_504] : memref<10016x64xbf16, #tpu.memory_space<vmem_shared>> -> memref<10016x64xbf16, #tpu.memory_space<vmem_shared>>
      tpu.enqueue_indirect_dma source(%dma_start3A_499 : memref<128x64xbf16, #tpu.memory_space<vmem>>) target(%dma_start3A_505 : memref<10016x64xbf16, #tpu.memory_space<vmem_shared>>) offsets(%dma_start3A_502 : memref<128xi32, #tpu.memory_space<vmem>>) semaphore(%run_scoped3A_495 : memref<!tpu.dma_semaphore, #tpu.memory_space<semaphore_mem>>) {add = true}
      %dma_wait3A_506 = arith.constant 0 : i32
      %dma_wait3A_507 = arith.constant 0 : i32
      %dma_wait3A_508 = tpu.memref_slice %arg7[%run_scoped3A_282, %dma_wait3A_506, %dma_wait3A_507] : memref<2x128x64xbf16, #tpu.memory_space<vmem>> -> memref<1x128x64xbf16, #tpu.memory_space<vmem>>
      %dma_wait3A_509 = tpu.memref_squeeze %dma_wait3A_508 : memref<1x128x64xbf16, #tpu.memory_space<vmem>> -> memref<128x64xbf16, #tpu.memory_space<vmem>>
      %dma_wait3A_510 = arith.constant 0 : i32
      %dma_wait3A_511 = tpu.memref_slice %arg6[%run_scoped3A_283, %dma_wait3A_510] : memref<13x128xi32, #tpu.memory_space<vmem>> -> memref<1x128xi32, #tpu.memory_space<vmem>>
      %dma_wait3A_512 = tpu.memref_squeeze %dma_wait3A_511 : memref<1x128xi32, #tpu.memory_space<vmem>> -> memref<128xi32, #tpu.memory_space<vmem>>
      %dma_wait3A_513 = arith.constant 0 : i32
      %dma_wait3A_514 = arith.constant 0 : i32
      %dma_wait3A_515 = tpu.memref_slice %arg8[%dma_wait3A_513, %dma_wait3A_514] : memref<10016x64xbf16, #tpu.memory_space<vmem_shared>> -> memref<10016x64xbf16, #tpu.memory_space<vmem_shared>>
      tpu.wait_indirect_dma semaphore(%run_scoped3A_495 : memref<!tpu.dma_semaphore, #tpu.memory_space<semaphore_mem>>) src(%dma_wait3A_509 : memref<128x64xbf16, #tpu.memory_space<vmem>>) dst(%dma_wait3A_515 : memref<10016x64xbf16, #tpu.memory_space<vmem_shared>>)
      tpu.yield
    }) : () -> ()
    %dma_wait3A_284 = arith.constant 7 : i32
    %dma_wait3A_285 = arith.constant 1 : i32
    %dma_wait3A_286 = arith.constant 0 : i32
    %dma_wait3A_287 = arith.constant 0 : i32
    %dma_wait3A_288 = tpu.memref_slice %arg7[%dma_wait3A_285, %dma_wait3A_286, %dma_wait3A_287] : memref<2x128x64xbf16, #tpu.memory_space<vmem>> -> memref<1x128x64xbf16, #tpu.memory_space<vmem>>
    %dma_wait3A_289 = tpu.memref_squeeze %dma_wait3A_288 : memref<1x128x64xbf16, #tpu.memory_space<vmem>> -> memref<128x64xbf16, #tpu.memory_space<vmem>>
    %dma_wait3A_290 = arith.constant 0 : i32
    %dma_wait3A_291 = arith.constant 0 : i32
    %dma_wait3A_292 = tpu.memref_slice %arg2[%add3A, %dma_wait3A_284, %dma_wait3A_290, %dma_wait3A_291] : memref<32x13x128x64xbf16, #tpu.memory_space<hbm>> -> memref<1x1x128x64xbf16, #tpu.memory_space<hbm>>
    %dma_wait3A_293 = tpu.memref_squeeze %dma_wait3A_292 : memref<1x1x128x64xbf16, #tpu.memory_space<hbm>> -> memref<128x64xbf16, #tpu.memory_space<hbm>>
    %dma_wait3A_294 = arith.constant 0 : i32
    %dma_wait3A_295 = arith.constant 0 : i32
    %dma_wait3A_296 = tpu.memref_slice %arg7[%dma_wait3A_285, %dma_wait3A_294, %dma_wait3A_295] : memref<2x128x64xbf16, #tpu.memory_space<vmem>> -> memref<1x128x64xbf16, #tpu.memory_space<vmem>>
    %dma_wait3A_297 = tpu.memref_squeeze %dma_wait3A_296 : memref<1x128x64xbf16, #tpu.memory_space<vmem>> -> memref<128x64xbf16, #tpu.memory_space<vmem>>
    %dma_wait3A_298 = arith.constant 0 : i32
    %dma_wait3A_299 = arith.constant 0 : i32
    %dma_wait3A_300 = tpu.memref_slice %arg2[%add3A, %dma_wait3A_284, %dma_wait3A_298, %dma_wait3A_299] : memref<32x13x128x64xbf16, #tpu.memory_space<hbm>> -> memref<1x1x128x64xbf16, #tpu.memory_space<hbm>>
    %dma_wait3A_301 = tpu.memref_squeeze %dma_wait3A_300 : memref<1x1x128x64xbf16, #tpu.memory_space<hbm>> -> memref<128x64xbf16, #tpu.memory_space<hbm>>
    tpu.wait_dma2 semaphore(%arg9 : memref<!tpu.dma_semaphore, #tpu.memory_space<semaphore_mem>>) src(%dma_wait3A_301 : memref<128x64xbf16, #tpu.memory_space<hbm>>) dst(%dma_wait3A_297 : memref<128x64xbf16, #tpu.memory_space<vmem>>)
    %dma_start3A_302 = arith.constant 8 : i32
    %dma_start3A_303 = arith.constant 0 : i32
    %dma_start3A_304 = arith.constant 0 : i32
    %dma_start3A_305 = arith.constant 0 : i32
    %dma_start3A_306 = tpu.memref_slice %arg7[%dma_start3A_303, %dma_start3A_304, %dma_start3A_305] : memref<2x128x64xbf16, #tpu.memory_space<vmem>> -> memref<1x128x64xbf16, #tpu.memory_space<vmem>>
    %dma_start3A_307 = tpu.memref_squeeze %dma_start3A_306 : memref<1x128x64xbf16, #tpu.memory_space<vmem>> -> memref<128x64xbf16, #tpu.memory_space<vmem>>
    %dma_start3A_308 = arith.constant 0 : i32
    %dma_start3A_309 = arith.constant 0 : i32
    %dma_start3A_310 = tpu.memref_slice %arg2[%add3A, %dma_start3A_302, %dma_start3A_308, %dma_start3A_309] : memref<32x13x128x64xbf16, #tpu.memory_space<hbm>> -> memref<1x1x128x64xbf16, #tpu.memory_space<hbm>>
    %dma_start3A_311 = tpu.memref_squeeze %dma_start3A_310 : memref<1x1x128x64xbf16, #tpu.memory_space<hbm>> -> memref<128x64xbf16, #tpu.memory_space<hbm>>
    %dma_start3A_312 = arith.constant 0 : i32
    %dma_start3A_313 = arith.constant 0 : i32
    %dma_start3A_314 = tpu.memref_slice %arg7[%dma_start3A_303, %dma_start3A_312, %dma_start3A_313] : memref<2x128x64xbf16, #tpu.memory_space<vmem>> -> memref<1x128x64xbf16, #tpu.memory_space<vmem>>
    %dma_start3A_315 = tpu.memref_squeeze %dma_start3A_314 : memref<1x128x64xbf16, #tpu.memory_space<vmem>> -> memref<128x64xbf16, #tpu.memory_space<vmem>>
    %dma_start3A_316 = arith.constant 0 : i32
    %dma_start3A_317 = arith.constant 0 : i32
    %dma_start3A_318 = tpu.memref_slice %arg2[%add3A, %dma_start3A_302, %dma_start3A_316, %dma_start3A_317] : memref<32x13x128x64xbf16, #tpu.memory_space<hbm>> -> memref<1x1x128x64xbf16, #tpu.memory_space<hbm>>
    %dma_start3A_319 = tpu.memref_squeeze %dma_start3A_318 : memref<1x1x128x64xbf16, #tpu.memory_space<hbm>> -> memref<128x64xbf16, #tpu.memory_space<hbm>>
    tpu.enqueue_dma source(%dma_start3A_319 : memref<128x64xbf16, #tpu.memory_space<hbm>>) target(%dma_start3A_315 : memref<128x64xbf16, #tpu.memory_space<vmem>>) target_semaphore(%arg9 : memref<!tpu.dma_semaphore, #tpu.memory_space<semaphore_mem>>)
    %run_scoped3A_320 = arith.constant 1 : i32
    %run_scoped3A_321 = arith.constant 7 : i32
    "tpu.region"() ({
      %run_scoped3A_495 = tpu.sem_alloc : memref<!tpu.dma_semaphore, #tpu.memory_space<semaphore_mem>>
      %dma_start3A_496 = arith.constant 0 : i32
      %dma_start3A_497 = arith.constant 0 : i32
      %dma_start3A_498 = tpu.memref_slice %arg7[%run_scoped3A_320, %dma_start3A_496, %dma_start3A_497] : memref<2x128x64xbf16, #tpu.memory_space<vmem>> -> memref<1x128x64xbf16, #tpu.memory_space<vmem>>
      %dma_start3A_499 = tpu.memref_squeeze %dma_start3A_498 : memref<1x128x64xbf16, #tpu.memory_space<vmem>> -> memref<128x64xbf16, #tpu.memory_space<vmem>>
      %dma_start3A_500 = arith.constant 0 : i32
      %dma_start3A_501 = tpu.memref_slice %arg6[%run_scoped3A_321, %dma_start3A_500] : memref<13x128xi32, #tpu.memory_space<vmem>> -> memref<1x128xi32, #tpu.memory_space<vmem>>
      %dma_start3A_502 = tpu.memref_squeeze %dma_start3A_501 : memref<1x128xi32, #tpu.memory_space<vmem>> -> memref<128xi32, #tpu.memory_space<vmem>>
      %dma_start3A_503 = arith.constant 0 : i32
      %dma_start3A_504 = arith.constant 0 : i32
      %dma_start3A_505 = tpu.memref_slice %arg8[%dma_start3A_503, %dma_start3A_504] : memref<10016x64xbf16, #tpu.memory_space<vmem_shared>> -> memref<10016x64xbf16, #tpu.memory_space<vmem_shared>>
      tpu.enqueue_indirect_dma source(%dma_start3A_499 : memref<128x64xbf16, #tpu.memory_space<vmem>>) target(%dma_start3A_505 : memref<10016x64xbf16, #tpu.memory_space<vmem_shared>>) offsets(%dma_start3A_502 : memref<128xi32, #tpu.memory_space<vmem>>) semaphore(%run_scoped3A_495 : memref<!tpu.dma_semaphore, #tpu.memory_space<semaphore_mem>>) {add = true}
      %dma_wait3A_506 = arith.constant 0 : i32
      %dma_wait3A_507 = arith.constant 0 : i32
      %dma_wait3A_508 = tpu.memref_slice %arg7[%run_scoped3A_320, %dma_wait3A_506, %dma_wait3A_507] : memref<2x128x64xbf16, #tpu.memory_space<vmem>> -> memref<1x128x64xbf16, #tpu.memory_space<vmem>>
      %dma_wait3A_509 = tpu.memref_squeeze %dma_wait3A_508 : memref<1x128x64xbf16, #tpu.memory_space<vmem>> -> memref<128x64xbf16, #tpu.memory_space<vmem>>
      %dma_wait3A_510 = arith.constant 0 : i32
      %dma_wait3A_511 = tpu.memref_slice %arg6[%run_scoped3A_321, %dma_wait3A_510] : memref<13x128xi32, #tpu.memory_space<vmem>> -> memref<1x128xi32, #tpu.memory_space<vmem>>
      %dma_wait3A_512 = tpu.memref_squeeze %dma_wait3A_511 : memref<1x128xi32, #tpu.memory_space<vmem>> -> memref<128xi32, #tpu.memory_space<vmem>>
      %dma_wait3A_513 = arith.constant 0 : i32
      %dma_wait3A_514 = arith.constant 0 : i32
      %dma_wait3A_515 = tpu.memref_slice %arg8[%dma_wait3A_513, %dma_wait3A_514] : memref<10016x64xbf16, #tpu.memory_space<vmem_shared>> -> memref<10016x64xbf16, #tpu.memory_space<vmem_shared>>
      tpu.wait_indirect_dma semaphore(%run_scoped3A_495 : memref<!tpu.dma_semaphore, #tpu.memory_space<semaphore_mem>>) src(%dma_wait3A_509 : memref<128x64xbf16, #tpu.memory_space<vmem>>) dst(%dma_wait3A_515 : memref<10016x64xbf16, #tpu.memory_space<vmem_shared>>)
      tpu.yield
    }) : () -> ()
    %dma_wait3A_322 = arith.constant 8 : i32
    %dma_wait3A_323 = arith.constant 0 : i32
    %dma_wait3A_324 = arith.constant 0 : i32
    %dma_wait3A_325 = arith.constant 0 : i32
    %dma_wait3A_326 = tpu.memref_slice %arg7[%dma_wait3A_323, %dma_wait3A_324, %dma_wait3A_325] : memref<2x128x64xbf16, #tpu.memory_space<vmem>> -> memref<1x128x64xbf16, #tpu.memory_space<vmem>>
    %dma_wait3A_327 = tpu.memref_squeeze %dma_wait3A_326 : memref<1x128x64xbf16, #tpu.memory_space<vmem>> -> memref<128x64xbf16, #tpu.memory_space<vmem>>
    %dma_wait3A_328 = arith.constant 0 : i32
    %dma_wait3A_329 = arith.constant 0 : i32
    %dma_wait3A_330 = tpu.memref_slice %arg2[%add3A, %dma_wait3A_322, %dma_wait3A_328, %dma_wait3A_329] : memref<32x13x128x64xbf16, #tpu.memory_space<hbm>> -> memref<1x1x128x64xbf16, #tpu.memory_space<hbm>>
    %dma_wait3A_331 = tpu.memref_squeeze %dma_wait3A_330 : memref<1x1x128x64xbf16, #tpu.memory_space<hbm>> -> memref<128x64xbf16, #tpu.memory_space<hbm>>
    %dma_wait3A_332 = arith.constant 0 : i32
    %dma_wait3A_333 = arith.constant 0 : i32
    %dma_wait3A_334 = tpu.memref_slice %arg7[%dma_wait3A_323, %dma_wait3A_332, %dma_wait3A_333] : memref<2x128x64xbf16, #tpu.memory_space<vmem>> -> memref<1x128x64xbf16, #tpu.memory_space<vmem>>
    %dma_wait3A_335 = tpu.memref_squeeze %dma_wait3A_334 : memref<1x128x64xbf16, #tpu.memory_space<vmem>> -> memref<128x64xbf16, #tpu.memory_space<vmem>>
    %dma_wait3A_336 = arith.constant 0 : i32
    %dma_wait3A_337 = arith.constant 0 : i32
    %dma_wait3A_338 = tpu.memref_slice %arg2[%add3A, %dma_wait3A_322, %dma_wait3A_336, %dma_wait3A_337] : memref<32x13x128x64xbf16, #tpu.memory_space<hbm>> -> memref<1x1x128x64xbf16, #tpu.memory_space<hbm>>
    %dma_wait3A_339 = tpu.memref_squeeze %dma_wait3A_338 : memref<1x1x128x64xbf16, #tpu.memory_space<hbm>> -> memref<128x64xbf16, #tpu.memory_space<hbm>>
    tpu.wait_dma2 semaphore(%arg9 : memref<!tpu.dma_semaphore, #tpu.memory_space<semaphore_mem>>) src(%dma_wait3A_339 : memref<128x64xbf16, #tpu.memory_space<hbm>>) dst(%dma_wait3A_335 : memref<128x64xbf16, #tpu.memory_space<vmem>>)
    %dma_start3A_340 = arith.constant 9 : i32
    %dma_start3A_341 = arith.constant 1 : i32
    %dma_start3A_342 = arith.constant 0 : i32
    %dma_start3A_343 = arith.constant 0 : i32
    %dma_start3A_344 = tpu.memref_slice %arg7[%dma_start3A_341, %dma_start3A_342, %dma_start3A_343] : memref<2x128x64xbf16, #tpu.memory_space<vmem>> -> memref<1x128x64xbf16, #tpu.memory_space<vmem>>
    %dma_start3A_345 = tpu.memref_squeeze %dma_start3A_344 : memref<1x128x64xbf16, #tpu.memory_space<vmem>> -> memref<128x64xbf16, #tpu.memory_space<vmem>>
    %dma_start3A_346 = arith.constant 0 : i32
    %dma_start3A_347 = arith.constant 0 : i32
    %dma_start3A_348 = tpu.memref_slice %arg2[%add3A, %dma_start3A_340, %dma_start3A_346, %dma_start3A_347] : memref<32x13x128x64xbf16, #tpu.memory_space<hbm>> -> memref<1x1x128x64xbf16, #tpu.memory_space<hbm>>
    %dma_start3A_349 = tpu.memref_squeeze %dma_start3A_348 : memref<1x1x128x64xbf16, #tpu.memory_space<hbm>> -> memref<128x64xbf16, #tpu.memory_space<hbm>>
    %dma_start3A_350 = arith.constant 0 : i32
    %dma_start3A_351 = arith.constant 0 : i32
    %dma_start3A_352 = tpu.memref_slice %arg7[%dma_start3A_341, %dma_start3A_350, %dma_start3A_351] : memref<2x128x64xbf16, #tpu.memory_space<vmem>> -> memref<1x128x64xbf16, #tpu.memory_space<vmem>>
    %dma_start3A_353 = tpu.memref_squeeze %dma_start3A_352 : memref<1x128x64xbf16, #tpu.memory_space<vmem>> -> memref<128x64xbf16, #tpu.memory_space<vmem>>
    %dma_start3A_354 = arith.constant 0 : i32
    %dma_start3A_355 = arith.constant 0 : i32
    %dma_start3A_356 = tpu.memref_slice %arg2[%add3A, %dma_start3A_340, %dma_start3A_354, %dma_start3A_355] : memref<32x13x128x64xbf16, #tpu.memory_space<hbm>> -> memref<1x1x128x64xbf16, #tpu.memory_space<hbm>>
    %dma_start3A_357 = tpu.memref_squeeze %dma_start3A_356 : memref<1x1x128x64xbf16, #tpu.memory_space<hbm>> -> memref<128x64xbf16, #tpu.memory_space<hbm>>
    tpu.enqueue_dma source(%dma_start3A_357 : memref<128x64xbf16, #tpu.memory_space<hbm>>) target(%dma_start3A_353 : memref<128x64xbf16, #tpu.memory_space<vmem>>) target_semaphore(%arg9 : memref<!tpu.dma_semaphore, #tpu.memory_space<semaphore_mem>>)
    %run_scoped3A_358 = arith.constant 0 : i32
    %run_scoped3A_359 = arith.constant 8 : i32
    "tpu.region"() ({
      %run_scoped3A_495 = tpu.sem_alloc : memref<!tpu.dma_semaphore, #tpu.memory_space<semaphore_mem>>
      %dma_start3A_496 = arith.constant 0 : i32
      %dma_start3A_497 = arith.constant 0 : i32
      %dma_start3A_498 = tpu.memref_slice %arg7[%run_scoped3A_358, %dma_start3A_496, %dma_start3A_497] : memref<2x128x64xbf16, #tpu.memory_space<vmem>> -> memref<1x128x64xbf16, #tpu.memory_space<vmem>>
      %dma_start3A_499 = tpu.memref_squeeze %dma_start3A_498 : memref<1x128x64xbf16, #tpu.memory_space<vmem>> -> memref<128x64xbf16, #tpu.memory_space<vmem>>
      %dma_start3A_500 = arith.constant 0 : i32
      %dma_start3A_501 = tpu.memref_slice %arg6[%run_scoped3A_359, %dma_start3A_500] : memref<13x128xi32, #tpu.memory_space<vmem>> -> memref<1x128xi32, #tpu.memory_space<vmem>>
      %dma_start3A_502 = tpu.memref_squeeze %dma_start3A_501 : memref<1x128xi32, #tpu.memory_space<vmem>> -> memref<128xi32, #tpu.memory_space<vmem>>
      %dma_start3A_503 = arith.constant 0 : i32
      %dma_start3A_504 = arith.constant 0 : i32
      %dma_start3A_505 = tpu.memref_slice %arg8[%dma_start3A_503, %dma_start3A_504] : memref<10016x64xbf16, #tpu.memory_space<vmem_shared>> -> memref<10016x64xbf16, #tpu.memory_space<vmem_shared>>
      tpu.enqueue_indirect_dma source(%dma_start3A_499 : memref<128x64xbf16, #tpu.memory_space<vmem>>) target(%dma_start3A_505 : memref<10016x64xbf16, #tpu.memory_space<vmem_shared>>) offsets(%dma_start3A_502 : memref<128xi32, #tpu.memory_space<vmem>>) semaphore(%run_scoped3A_495 : memref<!tpu.dma_semaphore, #tpu.memory_space<semaphore_mem>>) {add = true}
      %dma_wait3A_506 = arith.constant 0 : i32
      %dma_wait3A_507 = arith.constant 0 : i32
      %dma_wait3A_508 = tpu.memref_slice %arg7[%run_scoped3A_358, %dma_wait3A_506, %dma_wait3A_507] : memref<2x128x64xbf16, #tpu.memory_space<vmem>> -> memref<1x128x64xbf16, #tpu.memory_space<vmem>>
      %dma_wait3A_509 = tpu.memref_squeeze %dma_wait3A_508 : memref<1x128x64xbf16, #tpu.memory_space<vmem>> -> memref<128x64xbf16, #tpu.memory_space<vmem>>
      %dma_wait3A_510 = arith.constant 0 : i32
      %dma_wait3A_511 = tpu.memref_slice %arg6[%run_scoped3A_359, %dma_wait3A_510] : memref<13x128xi32, #tpu.memory_space<vmem>> -> memref<1x128xi32, #tpu.memory_space<vmem>>
      %dma_wait3A_512 = tpu.memref_squeeze %dma_wait3A_511 : memref<1x128xi32, #tpu.memory_space<vmem>> -> memref<128xi32, #tpu.memory_space<vmem>>
      %dma_wait3A_513 = arith.constant 0 : i32
      %dma_wait3A_514 = arith.constant 0 : i32
      %dma_wait3A_515 = tpu.memref_slice %arg8[%dma_wait3A_513, %dma_wait3A_514] : memref<10016x64xbf16, #tpu.memory_space<vmem_shared>> -> memref<10016x64xbf16, #tpu.memory_space<vmem_shared>>
      tpu.wait_indirect_dma semaphore(%run_scoped3A_495 : memref<!tpu.dma_semaphore, #tpu.memory_space<semaphore_mem>>) src(%dma_wait3A_509 : memref<128x64xbf16, #tpu.memory_space<vmem>>) dst(%dma_wait3A_515 : memref<10016x64xbf16, #tpu.memory_space<vmem_shared>>)
      tpu.yield
    }) : () -> ()
    %dma_wait3A_360 = arith.constant 9 : i32
    %dma_wait3A_361 = arith.constant 1 : i32
    %dma_wait3A_362 = arith.constant 0 : i32
    %dma_wait3A_363 = arith.constant 0 : i32
    %dma_wait3A_364 = tpu.memref_slice %arg7[%dma_wait3A_361, %dma_wait3A_362, %dma_wait3A_363] : memref<2x128x64xbf16, #tpu.memory_space<vmem>> -> memref<1x128x64xbf16, #tpu.memory_space<vmem>>
    %dma_wait3A_365 = tpu.memref_squeeze %dma_wait3A_364 : memref<1x128x64xbf16, #tpu.memory_space<vmem>> -> memref<128x64xbf16, #tpu.memory_space<vmem>>
    %dma_wait3A_366 = arith.constant 0 : i32
    %dma_wait3A_367 = arith.constant 0 : i32
    %dma_wait3A_368 = tpu.memref_slice %arg2[%add3A, %dma_wait3A_360, %dma_wait3A_366, %dma_wait3A_367] : memref<32x13x128x64xbf16, #tpu.memory_space<hbm>> -> memref<1x1x128x64xbf16, #tpu.memory_space<hbm>>
    %dma_wait3A_369 = tpu.memref_squeeze %dma_wait3A_368 : memref<1x1x128x64xbf16, #tpu.memory_space<hbm>> -> memref<128x64xbf16, #tpu.memory_space<hbm>>
    %dma_wait3A_370 = arith.constant 0 : i32
    %dma_wait3A_371 = arith.constant 0 : i32
    %dma_wait3A_372 = tpu.memref_slice %arg7[%dma_wait3A_361, %dma_wait3A_370, %dma_wait3A_371] : memref<2x128x64xbf16, #tpu.memory_space<vmem>> -> memref<1x128x64xbf16, #tpu.memory_space<vmem>>
    %dma_wait3A_373 = tpu.memref_squeeze %dma_wait3A_372 : memref<1x128x64xbf16, #tpu.memory_space<vmem>> -> memref<128x64xbf16, #tpu.memory_space<vmem>>
    %dma_wait3A_374 = arith.constant 0 : i32
    %dma_wait3A_375 = arith.constant 0 : i32
    %dma_wait3A_376 = tpu.memref_slice %arg2[%add3A, %dma_wait3A_360, %dma_wait3A_374, %dma_wait3A_375] : memref<32x13x128x64xbf16, #tpu.memory_space<hbm>> -> memref<1x1x128x64xbf16, #tpu.memory_space<hbm>>
    %dma_wait3A_377 = tpu.memref_squeeze %dma_wait3A_376 : memref<1x1x128x64xbf16, #tpu.memory_space<hbm>> -> memref<128x64xbf16, #tpu.memory_space<hbm>>
    tpu.wait_dma2 semaphore(%arg9 : memref<!tpu.dma_semaphore, #tpu.memory_space<semaphore_mem>>) src(%dma_wait3A_377 : memref<128x64xbf16, #tpu.memory_space<hbm>>) dst(%dma_wait3A_373 : memref<128x64xbf16, #tpu.memory_space<vmem>>)
    %dma_start3A_378 = arith.constant 10 : i32
    %dma_start3A_379 = arith.constant 0 : i32
    %dma_start3A_380 = arith.constant 0 : i32
    %dma_start3A_381 = arith.constant 0 : i32
    %dma_start3A_382 = tpu.memref_slice %arg7[%dma_start3A_379, %dma_start3A_380, %dma_start3A_381] : memref<2x128x64xbf16, #tpu.memory_space<vmem>> -> memref<1x128x64xbf16, #tpu.memory_space<vmem>>
    %dma_start3A_383 = tpu.memref_squeeze %dma_start3A_382 : memref<1x128x64xbf16, #tpu.memory_space<vmem>> -> memref<128x64xbf16, #tpu.memory_space<vmem>>
    %dma_start3A_384 = arith.constant 0 : i32
    %dma_start3A_385 = arith.constant 0 : i32
    %dma_start3A_386 = tpu.memref_slice %arg2[%add3A, %dma_start3A_378, %dma_start3A_384, %dma_start3A_385] : memref<32x13x128x64xbf16, #tpu.memory_space<hbm>> -> memref<1x1x128x64xbf16, #tpu.memory_space<hbm>>
    %dma_start3A_387 = tpu.memref_squeeze %dma_start3A_386 : memref<1x1x128x64xbf16, #tpu.memory_space<hbm>> -> memref<128x64xbf16, #tpu.memory_space<hbm>>
    %dma_start3A_388 = arith.constant 0 : i32
    %dma_start3A_389 = arith.constant 0 : i32
    %dma_start3A_390 = tpu.memref_slice %arg7[%dma_start3A_379, %dma_start3A_388, %dma_start3A_389] : memref<2x128x64xbf16, #tpu.memory_space<vmem>> -> memref<1x128x64xbf16, #tpu.memory_space<vmem>>
    %dma_start3A_391 = tpu.memref_squeeze %dma_start3A_390 : memref<1x128x64xbf16, #tpu.memory_space<vmem>> -> memref<128x64xbf16, #tpu.memory_space<vmem>>
    %dma_start3A_392 = arith.constant 0 : i32
    %dma_start3A_393 = arith.constant 0 : i32
    %dma_start3A_394 = tpu.memref_slice %arg2[%add3A, %dma_start3A_378, %dma_start3A_392, %dma_start3A_393] : memref<32x13x128x64xbf16, #tpu.memory_space<hbm>> -> memref<1x1x128x64xbf16, #tpu.memory_space<hbm>>
    %dma_start3A_395 = tpu.memref_squeeze %dma_start3A_394 : memref<1x1x128x64xbf16, #tpu.memory_space<hbm>> -> memref<128x64xbf16, #tpu.memory_space<hbm>>
    tpu.enqueue_dma source(%dma_start3A_395 : memref<128x64xbf16, #tpu.memory_space<hbm>>) target(%dma_start3A_391 : memref<128x64xbf16, #tpu.memory_space<vmem>>) target_semaphore(%arg9 : memref<!tpu.dma_semaphore, #tpu.memory_space<semaphore_mem>>)
    %run_scoped3A_396 = arith.constant 1 : i32
    %run_scoped3A_397 = arith.constant 9 : i32
    "tpu.region"() ({
      %run_scoped3A_495 = tpu.sem_alloc : memref<!tpu.dma_semaphore, #tpu.memory_space<semaphore_mem>>
      %dma_start3A_496 = arith.constant 0 : i32
      %dma_start3A_497 = arith.constant 0 : i32
      %dma_start3A_498 = tpu.memref_slice %arg7[%run_scoped3A_396, %dma_start3A_496, %dma_start3A_497] : memref<2x128x64xbf16, #tpu.memory_space<vmem>> -> memref<1x128x64xbf16, #tpu.memory_space<vmem>>
      %dma_start3A_499 = tpu.memref_squeeze %dma_start3A_498 : memref<1x128x64xbf16, #tpu.memory_space<vmem>> -> memref<128x64xbf16, #tpu.memory_space<vmem>>
      %dma_start3A_500 = arith.constant 0 : i32
      %dma_start3A_501 = tpu.memref_slice %arg6[%run_scoped3A_397, %dma_start3A_500] : memref<13x128xi32, #tpu.memory_space<vmem>> -> memref<1x128xi32, #tpu.memory_space<vmem>>
      %dma_start3A_502 = tpu.memref_squeeze %dma_start3A_501 : memref<1x128xi32, #tpu.memory_space<vmem>> -> memref<128xi32, #tpu.memory_space<vmem>>
      %dma_start3A_503 = arith.constant 0 : i32
      %dma_start3A_504 = arith.constant 0 : i32
      %dma_start3A_505 = tpu.memref_slice %arg8[%dma_start3A_503, %dma_start3A_504] : memref<10016x64xbf16, #tpu.memory_space<vmem_shared>> -> memref<10016x64xbf16, #tpu.memory_space<vmem_shared>>
      tpu.enqueue_indirect_dma source(%dma_start3A_499 : memref<128x64xbf16, #tpu.memory_space<vmem>>) target(%dma_start3A_505 : memref<10016x64xbf16, #tpu.memory_space<vmem_shared>>) offsets(%dma_start3A_502 : memref<128xi32, #tpu.memory_space<vmem>>) semaphore(%run_scoped3A_495 : memref<!tpu.dma_semaphore, #tpu.memory_space<semaphore_mem>>) {add = true}
      %dma_wait3A_506 = arith.constant 0 : i32
      %dma_wait3A_507 = arith.constant 0 : i32
      %dma_wait3A_508 = tpu.memref_slice %arg7[%run_scoped3A_396, %dma_wait3A_506, %dma_wait3A_507] : memref<2x128x64xbf16, #tpu.memory_space<vmem>> -> memref<1x128x64xbf16, #tpu.memory_space<vmem>>
      %dma_wait3A_509 = tpu.memref_squeeze %dma_wait3A_508 : memref<1x128x64xbf16, #tpu.memory_space<vmem>> -> memref<128x64xbf16, #tpu.memory_space<vmem>>
      %dma_wait3A_510 = arith.constant 0 : i32
      %dma_wait3A_511 = tpu.memref_slice %arg6[%run_scoped3A_397, %dma_wait3A_510] : memref<13x128xi32, #tpu.memory_space<vmem>> -> memref<1x128xi32, #tpu.memory_space<vmem>>
      %dma_wait3A_512 = tpu.memref_squeeze %dma_wait3A_511 : memref<1x128xi32, #tpu.memory_space<vmem>> -> memref<128xi32, #tpu.memory_space<vmem>>
      %dma_wait3A_513 = arith.constant 0 : i32
      %dma_wait3A_514 = arith.constant 0 : i32
      %dma_wait3A_515 = tpu.memref_slice %arg8[%dma_wait3A_513, %dma_wait3A_514] : memref<10016x64xbf16, #tpu.memory_space<vmem_shared>> -> memref<10016x64xbf16, #tpu.memory_space<vmem_shared>>
      tpu.wait_indirect_dma semaphore(%run_scoped3A_495 : memref<!tpu.dma_semaphore, #tpu.memory_space<semaphore_mem>>) src(%dma_wait3A_509 : memref<128x64xbf16, #tpu.memory_space<vmem>>) dst(%dma_wait3A_515 : memref<10016x64xbf16, #tpu.memory_space<vmem_shared>>)
      tpu.yield
    }) : () -> ()
    %dma_wait3A_398 = arith.constant 10 : i32
    %dma_wait3A_399 = arith.constant 0 : i32
    %dma_wait3A_400 = arith.constant 0 : i32
    %dma_wait3A_401 = arith.constant 0 : i32
    %dma_wait3A_402 = tpu.memref_slice %arg7[%dma_wait3A_399, %dma_wait3A_400, %dma_wait3A_401] : memref<2x128x64xbf16, #tpu.memory_space<vmem>> -> memref<1x128x64xbf16, #tpu.memory_space<vmem>>
    %dma_wait3A_403 = tpu.memref_squeeze %dma_wait3A_402 : memref<1x128x64xbf16, #tpu.memory_space<vmem>> -> memref<128x64xbf16, #tpu.memory_space<vmem>>
    %dma_wait3A_404 = arith.constant 0 : i32
    %dma_wait3A_405 = arith.constant 0 : i32
    %dma_wait3A_406 = tpu.memref_slice %arg2[%add3A, %dma_wait3A_398, %dma_wait3A_404, %dma_wait3A_405] : memref<32x13x128x64xbf16, #tpu.memory_space<hbm>> -> memref<1x1x128x64xbf16, #tpu.memory_space<hbm>>
    %dma_wait3A_407 = tpu.memref_squeeze %dma_wait3A_406 : memref<1x1x128x64xbf16, #tpu.memory_space<hbm>> -> memref<128x64xbf16, #tpu.memory_space<hbm>>
    %dma_wait3A_408 = arith.constant 0 : i32
    %dma_wait3A_409 = arith.constant 0 : i32
    %dma_wait3A_410 = tpu.memref_slice %arg7[%dma_wait3A_399, %dma_wait3A_408, %dma_wait3A_409] : memref<2x128x64xbf16, #tpu.memory_space<vmem>> -> memref<1x128x64xbf16, #tpu.memory_space<vmem>>
    %dma_wait3A_411 = tpu.memref_squeeze %dma_wait3A_410 : memref<1x128x64xbf16, #tpu.memory_space<vmem>> -> memref<128x64xbf16, #tpu.memory_space<vmem>>
    %dma_wait3A_412 = arith.constant 0 : i32
    %dma_wait3A_413 = arith.constant 0 : i32
    %dma_wait3A_414 = tpu.memref_slice %arg2[%add3A, %dma_wait3A_398, %dma_wait3A_412, %dma_wait3A_413] : memref<32x13x128x64xbf16, #tpu.memory_space<hbm>> -> memref<1x1x128x64xbf16, #tpu.memory_space<hbm>>
    %dma_wait3A_415 = tpu.memref_squeeze %dma_wait3A_414 : memref<1x1x128x64xbf16, #tpu.memory_space<hbm>> -> memref<128x64xbf16, #tpu.memory_space<hbm>>
    tpu.wait_dma2 semaphore(%arg9 : memref<!tpu.dma_semaphore, #tpu.memory_space<semaphore_mem>>) src(%dma_wait3A_415 : memref<128x64xbf16, #tpu.memory_space<hbm>>) dst(%dma_wait3A_411 : memref<128x64xbf16, #tpu.memory_space<vmem>>)
    %dma_start3A_416 = arith.constant 11 : i32
    %dma_start3A_417 = arith.constant 1 : i32
    %dma_start3A_418 = arith.constant 0 : i32
    %dma_start3A_419 = arith.constant 0 : i32
    %dma_start3A_420 = tpu.memref_slice %arg7[%dma_start3A_417, %dma_start3A_418, %dma_start3A_419] : memref<2x128x64xbf16, #tpu.memory_space<vmem>> -> memref<1x128x64xbf16, #tpu.memory_space<vmem>>
    %dma_start3A_421 = tpu.memref_squeeze %dma_start3A_420 : memref<1x128x64xbf16, #tpu.memory_space<vmem>> -> memref<128x64xbf16, #tpu.memory_space<vmem>>
    %dma_start3A_422 = arith.constant 0 : i32
    %dma_start3A_423 = arith.constant 0 : i32
    %dma_start3A_424 = tpu.memref_slice %arg2[%add3A, %dma_start3A_416, %dma_start3A_422, %dma_start3A_423] : memref<32x13x128x64xbf16, #tpu.memory_space<hbm>> -> memref<1x1x128x64xbf16, #tpu.memory_space<hbm>>
    %dma_start3A_425 = tpu.memref_squeeze %dma_start3A_424 : memref<1x1x128x64xbf16, #tpu.memory_space<hbm>> -> memref<128x64xbf16, #tpu.memory_space<hbm>>
    %dma_start3A_426 = arith.constant 0 : i32
    %dma_start3A_427 = arith.constant 0 : i32
    %dma_start3A_428 = tpu.memref_slice %arg7[%dma_start3A_417, %dma_start3A_426, %dma_start3A_427] : memref<2x128x64xbf16, #tpu.memory_space<vmem>> -> memref<1x128x64xbf16, #tpu.memory_space<vmem>>
    %dma_start3A_429 = tpu.memref_squeeze %dma_start3A_428 : memref<1x128x64xbf16, #tpu.memory_space<vmem>> -> memref<128x64xbf16, #tpu.memory_space<vmem>>
    %dma_start3A_430 = arith.constant 0 : i32
    %dma_start3A_431 = arith.constant 0 : i32
    %dma_start3A_432 = tpu.memref_slice %arg2[%add3A, %dma_start3A_416, %dma_start3A_430, %dma_start3A_431] : memref<32x13x128x64xbf16, #tpu.memory_space<hbm>> -> memref<1x1x128x64xbf16, #tpu.memory_space<hbm>>
    %dma_start3A_433 = tpu.memref_squeeze %dma_start3A_432 : memref<1x1x128x64xbf16, #tpu.memory_space<hbm>> -> memref<128x64xbf16, #tpu.memory_space<hbm>>
    tpu.enqueue_dma source(%dma_start3A_433 : memref<128x64xbf16, #tpu.memory_space<hbm>>) target(%dma_start3A_429 : memref<128x64xbf16, #tpu.memory_space<vmem>>) target_semaphore(%arg9 : memref<!tpu.dma_semaphore, #tpu.memory_space<semaphore_mem>>)
    %run_scoped3A_434 = arith.constant 0 : i32
    %run_scoped3A_435 = arith.constant 10 : i32
    "tpu.region"() ({
      %run_scoped3A_495 = tpu.sem_alloc : memref<!tpu.dma_semaphore, #tpu.memory_space<semaphore_mem>>
      %dma_start3A_496 = arith.constant 0 : i32
      %dma_start3A_497 = arith.constant 0 : i32
      %dma_start3A_498 = tpu.memref_slice %arg7[%run_scoped3A_434, %dma_start3A_496, %dma_start3A_497] : memref<2x128x64xbf16, #tpu.memory_space<vmem>> -> memref<1x128x64xbf16, #tpu.memory_space<vmem>>
      %dma_start3A_499 = tpu.memref_squeeze %dma_start3A_498 : memref<1x128x64xbf16, #tpu.memory_space<vmem>> -> memref<128x64xbf16, #tpu.memory_space<vmem>>
      %dma_start3A_500 = arith.constant 0 : i32
      %dma_start3A_501 = tpu.memref_slice %arg6[%run_scoped3A_435, %dma_start3A_500] : memref<13x128xi32, #tpu.memory_space<vmem>> -> memref<1x128xi32, #tpu.memory_space<vmem>>
      %dma_start3A_502 = tpu.memref_squeeze %dma_start3A_501 : memref<1x128xi32, #tpu.memory_space<vmem>> -> memref<128xi32, #tpu.memory_space<vmem>>
      %dma_start3A_503 = arith.constant 0 : i32
      %dma_start3A_504 = arith.constant 0 : i32
      %dma_start3A_505 = tpu.memref_slice %arg8[%dma_start3A_503, %dma_start3A_504] : memref<10016x64xbf16, #tpu.memory_space<vmem_shared>> -> memref<10016x64xbf16, #tpu.memory_space<vmem_shared>>
      tpu.enqueue_indirect_dma source(%dma_start3A_499 : memref<128x64xbf16, #tpu.memory_space<vmem>>) target(%dma_start3A_505 : memref<10016x64xbf16, #tpu.memory_space<vmem_shared>>) offsets(%dma_start3A_502 : memref<128xi32, #tpu.memory_space<vmem>>) semaphore(%run_scoped3A_495 : memref<!tpu.dma_semaphore, #tpu.memory_space<semaphore_mem>>) {add = true}
      %dma_wait3A_506 = arith.constant 0 : i32
      %dma_wait3A_507 = arith.constant 0 : i32
      %dma_wait3A_508 = tpu.memref_slice %arg7[%run_scoped3A_434, %dma_wait3A_506, %dma_wait3A_507] : memref<2x128x64xbf16, #tpu.memory_space<vmem>> -> memref<1x128x64xbf16, #tpu.memory_space<vmem>>
      %dma_wait3A_509 = tpu.memref_squeeze %dma_wait3A_508 : memref<1x128x64xbf16, #tpu.memory_space<vmem>> -> memref<128x64xbf16, #tpu.memory_space<vmem>>
      %dma_wait3A_510 = arith.constant 0 : i32
      %dma_wait3A_511 = tpu.memref_slice %arg6[%run_scoped3A_435, %dma_wait3A_510] : memref<13x128xi32, #tpu.memory_space<vmem>> -> memref<1x128xi32, #tpu.memory_space<vmem>>
      %dma_wait3A_512 = tpu.memref_squeeze %dma_wait3A_511 : memref<1x128xi32, #tpu.memory_space<vmem>> -> memref<128xi32, #tpu.memory_space<vmem>>
      %dma_wait3A_513 = arith.constant 0 : i32
      %dma_wait3A_514 = arith.constant 0 : i32
      %dma_wait3A_515 = tpu.memref_slice %arg8[%dma_wait3A_513, %dma_wait3A_514] : memref<10016x64xbf16, #tpu.memory_space<vmem_shared>> -> memref<10016x64xbf16, #tpu.memory_space<vmem_shared>>
      tpu.wait_indirect_dma semaphore(%run_scoped3A_495 : memref<!tpu.dma_semaphore, #tpu.memory_space<semaphore_mem>>) src(%dma_wait3A_509 : memref<128x64xbf16, #tpu.memory_space<vmem>>) dst(%dma_wait3A_515 : memref<10016x64xbf16, #tpu.memory_space<vmem_shared>>)
      tpu.yield
    }) : () -> ()
    %dma_wait3A_436 = arith.constant 11 : i32
    %dma_wait3A_437 = arith.constant 1 : i32
    %dma_wait3A_438 = arith.constant 0 : i32
    %dma_wait3A_439 = arith.constant 0 : i32
    %dma_wait3A_440 = tpu.memref_slice %arg7[%dma_wait3A_437, %dma_wait3A_438, %dma_wait3A_439] : memref<2x128x64xbf16, #tpu.memory_space<vmem>> -> memref<1x128x64xbf16, #tpu.memory_space<vmem>>
    %dma_wait3A_441 = tpu.memref_squeeze %dma_wait3A_440 : memref<1x128x64xbf16, #tpu.memory_space<vmem>> -> memref<128x64xbf16, #tpu.memory_space<vmem>>
    %dma_wait3A_442 = arith.constant 0 : i32
    %dma_wait3A_443 = arith.constant 0 : i32
    %dma_wait3A_444 = tpu.memref_slice %arg2[%add3A, %dma_wait3A_436, %dma_wait3A_442, %dma_wait3A_443] : memref<32x13x128x64xbf16, #tpu.memory_space<hbm>> -> memref<1x1x128x64xbf16, #tpu.memory_space<hbm>>
    %dma_wait3A_445 = tpu.memref_squeeze %dma_wait3A_444 : memref<1x1x128x64xbf16, #tpu.memory_space<hbm>> -> memref<128x64xbf16, #tpu.memory_space<hbm>>
    %dma_wait3A_446 = arith.constant 0 : i32
    %dma_wait3A_447 = arith.constant 0 : i32
    %dma_wait3A_448 = tpu.memref_slice %arg7[%dma_wait3A_437, %dma_wait3A_446, %dma_wait3A_447] : memref<2x128x64xbf16, #tpu.memory_space<vmem>> -> memref<1x128x64xbf16, #tpu.memory_space<vmem>>
    %dma_wait3A_449 = tpu.memref_squeeze %dma_wait3A_448 : memref<1x128x64xbf16, #tpu.memory_space<vmem>> -> memref<128x64xbf16, #tpu.memory_space<vmem>>
    %dma_wait3A_450 = arith.constant 0 : i32
    %dma_wait3A_451 = arith.constant 0 : i32
    %dma_wait3A_452 = tpu.memref_slice %arg2[%add3A, %dma_wait3A_436, %dma_wait3A_450, %dma_wait3A_451] : memref<32x13x128x64xbf16, #tpu.memory_space<hbm>> -> memref<1x1x128x64xbf16, #tpu.memory_space<hbm>>
    %dma_wait3A_453 = tpu.memref_squeeze %dma_wait3A_452 : memref<1x1x128x64xbf16, #tpu.memory_space<hbm>> -> memref<128x64xbf16, #tpu.memory_space<hbm>>
    tpu.wait_dma2 semaphore(%arg9 : memref<!tpu.dma_semaphore, #tpu.memory_space<semaphore_mem>>) src(%dma_wait3A_453 : memref<128x64xbf16, #tpu.memory_space<hbm>>) dst(%dma_wait3A_449 : memref<128x64xbf16, #tpu.memory_space<vmem>>)
    %dma_start3A_454 = arith.constant 12 : i32
    %dma_start3A_455 = arith.constant 0 : i32
    %dma_start3A_456 = arith.constant 0 : i32
    %dma_start3A_457 = arith.constant 0 : i32
    %dma_start3A_458 = tpu.memref_slice %arg7[%dma_start3A_455, %dma_start3A_456, %dma_start3A_457] : memref<2x128x64xbf16, #tpu.memory_space<vmem>> -> memref<1x128x64xbf16, #tpu.memory_space<vmem>>
    %dma_start3A_459 = tpu.memref_squeeze %dma_start3A_458 : memref<1x128x64xbf16, #tpu.memory_space<vmem>> -> memref<128x64xbf16, #tpu.memory_space<vmem>>
    %dma_start3A_460 = arith.constant 0 : i32
    %dma_start3A_461 = arith.constant 0 : i32
    %dma_start3A_462 = tpu.memref_slice %arg2[%add3A, %dma_start3A_454, %dma_start3A_460, %dma_start3A_461] : memref<32x13x128x64xbf16, #tpu.memory_space<hbm>> -> memref<1x1x128x64xbf16, #tpu.memory_space<hbm>>
    %dma_start3A_463 = tpu.memref_squeeze %dma_start3A_462 : memref<1x1x128x64xbf16, #tpu.memory_space<hbm>> -> memref<128x64xbf16, #tpu.memory_space<hbm>>
    %dma_start3A_464 = arith.constant 0 : i32
    %dma_start3A_465 = arith.constant 0 : i32
    %dma_start3A_466 = tpu.memref_slice %arg7[%dma_start3A_455, %dma_start3A_464, %dma_start3A_465] : memref<2x128x64xbf16, #tpu.memory_space<vmem>> -> memref<1x128x64xbf16, #tpu.memory_space<vmem>>
    %dma_start3A_467 = tpu.memref_squeeze %dma_start3A_466 : memref<1x128x64xbf16, #tpu.memory_space<vmem>> -> memref<128x64xbf16, #tpu.memory_space<vmem>>
    %dma_start3A_468 = arith.constant 0 : i32
    %dma_start3A_469 = arith.constant 0 : i32
    %dma_start3A_470 = tpu.memref_slice %arg2[%add3A, %dma_start3A_454, %dma_start3A_468, %dma_start3A_469] : memref<32x13x128x64xbf16, #tpu.memory_space<hbm>> -> memref<1x1x128x64xbf16, #tpu.memory_space<hbm>>
    %dma_start3A_471 = tpu.memref_squeeze %dma_start3A_470 : memref<1x1x128x64xbf16, #tpu.memory_space<hbm>> -> memref<128x64xbf16, #tpu.memory_space<hbm>>
    tpu.enqueue_dma source(%dma_start3A_471 : memref<128x64xbf16, #tpu.memory_space<hbm>>) target(%dma_start3A_467 : memref<128x64xbf16, #tpu.memory_space<vmem>>) target_semaphore(%arg9 : memref<!tpu.dma_semaphore, #tpu.memory_space<semaphore_mem>>)
    %run_scoped3A_472 = arith.constant 1 : i32
    %run_scoped3A_473 = arith.constant 11 : i32
    "tpu.region"() ({
      %run_scoped3A_495 = tpu.sem_alloc : memref<!tpu.dma_semaphore, #tpu.memory_space<semaphore_mem>>
      %dma_start3A_496 = arith.constant 0 : i32
      %dma_start3A_497 = arith.constant 0 : i32
      %dma_start3A_498 = tpu.memref_slice %arg7[%run_scoped3A_472, %dma_start3A_496, %dma_start3A_497] : memref<2x128x64xbf16, #tpu.memory_space<vmem>> -> memref<1x128x64xbf16, #tpu.memory_space<vmem>>
      %dma_start3A_499 = tpu.memref_squeeze %dma_start3A_498 : memref<1x128x64xbf16, #tpu.memory_space<vmem>> -> memref<128x64xbf16, #tpu.memory_space<vmem>>
      %dma_start3A_500 = arith.constant 0 : i32
      %dma_start3A_501 = tpu.memref_slice %arg6[%run_scoped3A_473, %dma_start3A_500] : memref<13x128xi32, #tpu.memory_space<vmem>> -> memref<1x128xi32, #tpu.memory_space<vmem>>
      %dma_start3A_502 = tpu.memref_squeeze %dma_start3A_501 : memref<1x128xi32, #tpu.memory_space<vmem>> -> memref<128xi32, #tpu.memory_space<vmem>>
      %dma_start3A_503 = arith.constant 0 : i32
      %dma_start3A_504 = arith.constant 0 : i32
      %dma_start3A_505 = tpu.memref_slice %arg8[%dma_start3A_503, %dma_start3A_504] : memref<10016x64xbf16, #tpu.memory_space<vmem_shared>> -> memref<10016x64xbf16, #tpu.memory_space<vmem_shared>>
      tpu.enqueue_indirect_dma source(%dma_start3A_499 : memref<128x64xbf16, #tpu.memory_space<vmem>>) target(%dma_start3A_505 : memref<10016x64xbf16, #tpu.memory_space<vmem_shared>>) offsets(%dma_start3A_502 : memref<128xi32, #tpu.memory_space<vmem>>) semaphore(%run_scoped3A_495 : memref<!tpu.dma_semaphore, #tpu.memory_space<semaphore_mem>>) {add = true}
      %dma_wait3A_506 = arith.constant 0 : i32
      %dma_wait3A_507 = arith.constant 0 : i32
      %dma_wait3A_508 = tpu.memref_slice %arg7[%run_scoped3A_472, %dma_wait3A_506, %dma_wait3A_507] : memref<2x128x64xbf16, #tpu.memory_space<vmem>> -> memref<1x128x64xbf16, #tpu.memory_space<vmem>>
      %dma_wait3A_509 = tpu.memref_squeeze %dma_wait3A_508 : memref<1x128x64xbf16, #tpu.memory_space<vmem>> -> memref<128x64xbf16, #tpu.memory_space<vmem>>
      %dma_wait3A_510 = arith.constant 0 : i32
      %dma_wait3A_511 = tpu.memref_slice %arg6[%run_scoped3A_473, %dma_wait3A_510] : memref<13x128xi32, #tpu.memory_space<vmem>> -> memref<1x128xi32, #tpu.memory_space<vmem>>
      %dma_wait3A_512 = tpu.memref_squeeze %dma_wait3A_511 : memref<1x128xi32, #tpu.memory_space<vmem>> -> memref<128xi32, #tpu.memory_space<vmem>>
      %dma_wait3A_513 = arith.constant 0 : i32
      %dma_wait3A_514 = arith.constant 0 : i32
      %dma_wait3A_515 = tpu.memref_slice %arg8[%dma_wait3A_513, %dma_wait3A_514] : memref<10016x64xbf16, #tpu.memory_space<vmem_shared>> -> memref<10016x64xbf16, #tpu.memory_space<vmem_shared>>
      tpu.wait_indirect_dma semaphore(%run_scoped3A_495 : memref<!tpu.dma_semaphore, #tpu.memory_space<semaphore_mem>>) src(%dma_wait3A_509 : memref<128x64xbf16, #tpu.memory_space<vmem>>) dst(%dma_wait3A_515 : memref<10016x64xbf16, #tpu.memory_space<vmem_shared>>)
      tpu.yield
    }) : () -> ()
    %dma_wait3A_474 = arith.constant 12 : i32
    %dma_wait3A_475 = arith.constant 0 : i32
    %dma_wait3A_476 = arith.constant 0 : i32
    %dma_wait3A_477 = arith.constant 0 : i32
    %dma_wait3A_478 = tpu.memref_slice %arg7[%dma_wait3A_475, %dma_wait3A_476, %dma_wait3A_477] : memref<2x128x64xbf16, #tpu.memory_space<vmem>> -> memref<1x128x64xbf16, #tpu.memory_space<vmem>>
    %dma_wait3A_479 = tpu.memref_squeeze %dma_wait3A_478 : memref<1x128x64xbf16, #tpu.memory_space<vmem>> -> memref<128x64xbf16, #tpu.memory_space<vmem>>
    %dma_wait3A_480 = arith.constant 0 : i32
    %dma_wait3A_481 = arith.constant 0 : i32
    %dma_wait3A_482 = tpu.memref_slice %arg2[%add3A, %dma_wait3A_474, %dma_wait3A_480, %dma_wait3A_481] : memref<32x13x128x64xbf16, #tpu.memory_space<hbm>> -> memref<1x1x128x64xbf16, #tpu.memory_space<hbm>>
    %dma_wait3A_483 = tpu.memref_squeeze %dma_wait3A_482 : memref<1x1x128x64xbf16, #tpu.memory_space<hbm>> -> memref<128x64xbf16, #tpu.memory_space<hbm>>
    %dma_wait3A_484 = arith.constant 0 : i32
    %dma_wait3A_485 = arith.constant 0 : i32
    %dma_wait3A_486 = tpu.memref_slice %arg7[%dma_wait3A_475, %dma_wait3A_484, %dma_wait3A_485] : memref<2x128x64xbf16, #tpu.memory_space<vmem>> -> memref<1x128x64xbf16, #tpu.memory_space<vmem>>
    %dma_wait3A_487 = tpu.memref_squeeze %dma_wait3A_486 : memref<1x128x64xbf16, #tpu.memory_space<vmem>> -> memref<128x64xbf16, #tpu.memory_space<vmem>>
    %dma_wait3A_488 = arith.constant 0 : i32
    %dma_wait3A_489 = arith.constant 0 : i32
    %dma_wait3A_490 = tpu.memref_slice %arg2[%add3A, %dma_wait3A_474, %dma_wait3A_488, %dma_wait3A_489] : memref<32x13x128x64xbf16, #tpu.memory_space<hbm>> -> memref<1x1x128x64xbf16, #tpu.memory_space<hbm>>
    %dma_wait3A_491 = tpu.memref_squeeze %dma_wait3A_490 : memref<1x1x128x64xbf16, #tpu.memory_space<hbm>> -> memref<128x64xbf16, #tpu.memory_space<hbm>>
    tpu.wait_dma2 semaphore(%arg9 : memref<!tpu.dma_semaphore, #tpu.memory_space<semaphore_mem>>) src(%dma_wait3A_491 : memref<128x64xbf16, #tpu.memory_space<hbm>>) dst(%dma_wait3A_487 : memref<128x64xbf16, #tpu.memory_space<vmem>>)
    %run_scoped3A_492 = arith.constant 0 : i32
    %run_scoped3A_493 = arith.constant 12 : i32
    "tpu.region"() ({
      %run_scoped3A_495 = tpu.sem_alloc : memref<!tpu.dma_semaphore, #tpu.memory_space<semaphore_mem>>
      %dma_start3A_496 = arith.constant 0 : i32
      %dma_start3A_497 = arith.constant 0 : i32
      %dma_start3A_498 = tpu.memref_slice %arg7[%run_scoped3A_492, %dma_start3A_496, %dma_start3A_497] : memref<2x128x64xbf16, #tpu.memory_space<vmem>> -> memref<1x128x64xbf16, #tpu.memory_space<vmem>>
      %dma_start3A_499 = tpu.memref_squeeze %dma_start3A_498 : memref<1x128x64xbf16, #tpu.memory_space<vmem>> -> memref<128x64xbf16, #tpu.memory_space<vmem>>
      %dma_start3A_500 = arith.constant 0 : i32
      %dma_start3A_501 = tpu.memref_slice %arg6[%run_scoped3A_493, %dma_start3A_500] : memref<13x128xi32, #tpu.memory_space<vmem>> -> memref<1x128xi32, #tpu.memory_space<vmem>>
      %dma_start3A_502 = tpu.memref_squeeze %dma_start3A_501 : memref<1x128xi32, #tpu.memory_space<vmem>> -> memref<128xi32, #tpu.memory_space<vmem>>
      %dma_start3A_503 = arith.constant 0 : i32
      %dma_start3A_504 = arith.constant 0 : i32
      %dma_start3A_505 = tpu.memref_slice %arg8[%dma_start3A_503, %dma_start3A_504] : memref<10016x64xbf16, #tpu.memory_space<vmem_shared>> -> memref<10016x64xbf16, #tpu.memory_space<vmem_shared>>
      tpu.enqueue_indirect_dma source(%dma_start3A_499 : memref<128x64xbf16, #tpu.memory_space<vmem>>) target(%dma_start3A_505 : memref<10016x64xbf16, #tpu.memory_space<vmem_shared>>) offsets(%dma_start3A_502 : memref<128xi32, #tpu.memory_space<vmem>>) semaphore(%run_scoped3A_495 : memref<!tpu.dma_semaphore, #tpu.memory_space<semaphore_mem>>) {add = true}
      %dma_wait3A_506 = arith.constant 0 : i32
      %dma_wait3A_507 = arith.constant 0 : i32
      %dma_wait3A_508 = tpu.memref_slice %arg7[%run_scoped3A_492, %dma_wait3A_506, %dma_wait3A_507] : memref<2x128x64xbf16, #tpu.memory_space<vmem>> -> memref<1x128x64xbf16, #tpu.memory_space<vmem>>
      %dma_wait3A_509 = tpu.memref_squeeze %dma_wait3A_508 : memref<1x128x64xbf16, #tpu.memory_space<vmem>> -> memref<128x64xbf16, #tpu.memory_space<vmem>>
      %dma_wait3A_510 = arith.constant 0 : i32
      %dma_wait3A_511 = tpu.memref_slice %arg6[%run_scoped3A_493, %dma_wait3A_510] : memref<13x128xi32, #tpu.memory_space<vmem>> -> memref<1x128xi32, #tpu.memory_space<vmem>>
      %dma_wait3A_512 = tpu.memref_squeeze %dma_wait3A_511 : memref<1x128xi32, #tpu.memory_space<vmem>> -> memref<128xi32, #tpu.memory_space<vmem>>
      %dma_wait3A_513 = arith.constant 0 : i32
      %dma_wait3A_514 = arith.constant 0 : i32
      %dma_wait3A_515 = tpu.memref_slice %arg8[%dma_wait3A_513, %dma_wait3A_514] : memref<10016x64xbf16, #tpu.memory_space<vmem_shared>> -> memref<10016x64xbf16, #tpu.memory_space<vmem_shared>>
      tpu.wait_indirect_dma semaphore(%run_scoped3A_495 : memref<!tpu.dma_semaphore, #tpu.memory_space<semaphore_mem>>) src(%dma_wait3A_509 : memref<128x64xbf16, #tpu.memory_space<vmem>>) dst(%dma_wait3A_515 : memref<10016x64xbf16, #tpu.memory_space<vmem_shared>>)
      tpu.yield
    }) : () -> ()
    %barrier3A_494 = arith.constant 0 : index
    tpu.barrier barrier_id(%barrier3A_494)
    "tpu.region"() ({
      %run_scoped3A_495 = tpu.sem_alloc : memref<!tpu.dma_semaphore, #tpu.memory_space<semaphore_mem>>
      %dma_start3A_496 = arith.constant 0 : i32
      %dma_start3A_497 = tpu.memref_slice %arg5[%arg0, %mul3A_2, %dma_start3A_496] : memref<2x10016x64xbf16, #tpu.memory_space<hbm>> -> memref<1x626x64xbf16, #tpu.memory_space<hbm>>
      %dma_start3A_498 = tpu.memref_squeeze %dma_start3A_497 : memref<1x626x64xbf16, #tpu.memory_space<hbm>> -> memref<626x64xbf16, #tpu.memory_space<hbm>>
      %dma_start3A_499 = arith.constant 0 : i32
      %dma_start3A_500 = tpu.memref_slice %arg8[%mul3A_2, %dma_start3A_499] : memref<10016x64xbf16, #tpu.memory_space<vmem_shared>> -> memref<626x64xbf16, #tpu.memory_space<vmem_shared>>
      tpu.enqueue_dma source(%dma_start3A_500 : memref<626x64xbf16, #tpu.memory_space<vmem_shared>>) target(%dma_start3A_498 : memref<626x64xbf16, #tpu.memory_space<hbm>>) target_semaphore(%run_scoped3A_495 : memref<!tpu.dma_semaphore, #tpu.memory_space<semaphore_mem>>)
      %dma_wait3A_501 = arith.constant 0 : i32
      %dma_wait3A_502 = tpu.memref_slice %arg5[%arg0, %mul3A_2, %dma_wait3A_501] : memref<2x10016x64xbf16, #tpu.memory_space<hbm>> -> memref<1x626x64xbf16, #tpu.memory_space<hbm>>
      %dma_wait3A_503 = tpu.memref_squeeze %dma_wait3A_502 : memref<1x626x64xbf16, #tpu.memory_space<hbm>> -> memref<626x64xbf16, #tpu.memory_space<hbm>>
      %dma_wait3A_504 = arith.constant 0 : i32
      %dma_wait3A_505 = tpu.memref_slice %arg8[%mul3A_2, %dma_wait3A_504] : memref<10016x64xbf16, #tpu.memory_space<vmem_shared>> -> memref<626x64xbf16, #tpu.memory_space<vmem_shared>>
      tpu.wait_dma2 semaphore(%run_scoped3A_495 : memref<!tpu.dma_semaphore, #tpu.memory_space<semaphore_mem>>) src(%dma_wait3A_505 : memref<626x64xbf16, #tpu.memory_space<vmem_shared>>) dst(%dma_wait3A_503 : memref<626x64xbf16, #tpu.memory_space<hbm>>)
      tpu.yield
    }) : () -> ()
    return
  }
}

#map = affine_map<(d0, d1) -> (0, 0)>
#map1 = affine_map<(d0, d1) -> (0, 0, 0)>
module attributes {stable_mosaic.version = 14 : i64} {
  func.func @k(%arg0: i32, %arg1: i32, %arg2: memref<10000x64xbf16, #tpu.memory_space<hbm>>, %arg3: memref<32x13x128xi32, #tpu.memory_space<hbm>>, %arg4: memref<53248x64xbf16, #tpu.memory_space<hbm>>, %arg5: memref<13x128xi32, #tpu.memory_space<vmem>>, %arg6: memref<1664x64xbf16, #tpu.memory_space<vmem>>, %arg7: memref<!tpu.dma_semaphore, #tpu.memory_space<semaphore_mem>>) attributes {dimension_semantics = [#tpu.dimension_semantics<core_parallel>, #tpu.dimension_semantics<subcore_parallel>], iteration_bounds = array<i64: 2, 16>, scalar_prefetch = 0 : i64, scratch_operands = 3 : i64, tpu.core_type = #tpu.core_type<sc_vector_subcore>, window_params = [{transform_indices = #map}, {transform_indices = #map1}, {transform_indices = #map}]} {
    %mul3A = arith.constant 2 : i32
    %mul3A_0 = arith.muli %arg1, %mul3A : i32
    %add3A = arith.addi %mul3A_0, %arg0 : i32
    "tpu.region"() ({
      %run_scoped3A = tpu.sem_alloc : memref<!tpu.dma_semaphore, #tpu.memory_space<semaphore_mem>>
      %dma_start3A_261 = arith.constant 0 : i32
      %dma_start3A_262 = arith.constant 0 : i32
      %dma_start3A_263 = tpu.memref_slice %arg3[%add3A, %dma_start3A_261, %dma_start3A_262] : memref<32x13x128xi32, #tpu.memory_space<hbm>> -> memref<1x13x128xi32, #tpu.memory_space<hbm>>
      %dma_start3A_264 = tpu.memref_squeeze %dma_start3A_263 : memref<1x13x128xi32, #tpu.memory_space<hbm>> -> memref<13x128xi32, #tpu.memory_space<hbm>>
      %dma_start3A_265 = arith.constant 0 : i32
      %dma_start3A_266 = arith.constant 0 : i32
      %dma_start3A_267 = tpu.memref_slice %arg3[%add3A, %dma_start3A_265, %dma_start3A_266] : memref<32x13x128xi32, #tpu.memory_space<hbm>> -> memref<1x13x128xi32, #tpu.memory_space<hbm>>
      %dma_start3A_268 = tpu.memref_squeeze %dma_start3A_267 : memref<1x13x128xi32, #tpu.memory_space<hbm>> -> memref<13x128xi32, #tpu.memory_space<hbm>>
      tpu.enqueue_dma source(%dma_start3A_268 : memref<13x128xi32, #tpu.memory_space<hbm>>) target(%arg5 : memref<13x128xi32, #tpu.memory_space<vmem>>) target_semaphore(%run_scoped3A : memref<!tpu.dma_semaphore, #tpu.memory_space<semaphore_mem>>)
      %dma_wait3A_269 = arith.constant 0 : i32
      %dma_wait3A_270 = arith.constant 0 : i32
      %dma_wait3A_271 = tpu.memref_slice %arg3[%add3A, %dma_wait3A_269, %dma_wait3A_270] : memref<32x13x128xi32, #tpu.memory_space<hbm>> -> memref<1x13x128xi32, #tpu.memory_space<hbm>>
      %dma_wait3A_272 = tpu.memref_squeeze %dma_wait3A_271 : memref<1x13x128xi32, #tpu.memory_space<hbm>> -> memref<13x128xi32, #tpu.memory_space<hbm>>
      %dma_wait3A_273 = arith.constant 0 : i32
      %dma_wait3A_274 = arith.constant 0 : i32
      %dma_wait3A_275 = tpu.memref_slice %arg3[%add3A, %dma_wait3A_273, %dma_wait3A_274] : memref<32x13x128xi32, #tpu.memory_space<hbm>> -> memref<1x13x128xi32, #tpu.memory_space<hbm>>
      %dma_wait3A_276 = tpu.memref_squeeze %dma_wait3A_275 : memref<1x13x128xi32, #tpu.memory_space<hbm>> -> memref<13x128xi32, #tpu.memory_space<hbm>>
      tpu.wait_dma2 semaphore(%run_scoped3A : memref<!tpu.dma_semaphore, #tpu.memory_space<semaphore_mem>>) src(%dma_wait3A_276 : memref<13x128xi32, #tpu.memory_space<hbm>>) dst(%arg5 : memref<13x128xi32, #tpu.memory_space<vmem>>)
      tpu.yield
    }) : () -> ()
    %dma_start3A = arith.constant 0 : i32
    %dma_start3A_1 = arith.constant 0 : i32
    %dma_start3A_2 = arith.constant 0 : i32
    %dma_start3A_3 = tpu.memref_slice %arg6[%dma_start3A_1, %dma_start3A_2] : memref<1664x64xbf16, #tpu.memory_space<vmem>> -> memref<128x64xbf16, #tpu.memory_space<vmem>>
    %dma_start3A_4 = arith.constant 0 : i32
    %dma_start3A_5 = tpu.memref_slice %arg5[%dma_start3A, %dma_start3A_4] : memref<13x128xi32, #tpu.memory_space<vmem>> -> memref<1x128xi32, #tpu.memory_space<vmem>>
    %dma_start3A_6 = tpu.memref_squeeze %dma_start3A_5 : memref<1x128xi32, #tpu.memory_space<vmem>> -> memref<128xi32, #tpu.memory_space<vmem>>
    %dma_start3A_7 = arith.constant 0 : i32
    %dma_start3A_8 = arith.constant 0 : i32
    %dma_start3A_9 = tpu.memref_slice %arg2[%dma_start3A_7, %dma_start3A_8] : memref<10000x64xbf16, #tpu.memory_space<hbm>> -> memref<10000x64xbf16, #tpu.memory_space<hbm>>
    tpu.enqueue_indirect_dma source(%dma_start3A_9 : memref<10000x64xbf16, #tpu.memory_space<hbm>>) target(%dma_start3A_3 : memref<128x64xbf16, #tpu.memory_space<vmem>>) offsets(%dma_start3A_6 : memref<128xi32, #tpu.memory_space<vmem>>) semaphore(%arg7 : memref<!tpu.dma_semaphore, #tpu.memory_space<semaphore_mem>>)
    %dma_start3A_10 = arith.constant 1 : i32
    %dma_start3A_11 = arith.constant 128 : i32
    %dma_start3A_12 = arith.constant 0 : i32
    %dma_start3A_13 = tpu.memref_slice %arg6[%dma_start3A_11, %dma_start3A_12] : memref<1664x64xbf16, #tpu.memory_space<vmem>> -> memref<128x64xbf16, #tpu.memory_space<vmem>>
    %dma_start3A_14 = arith.constant 0 : i32
    %dma_start3A_15 = tpu.memref_slice %arg5[%dma_start3A_10, %dma_start3A_14] : memref<13x128xi32, #tpu.memory_space<vmem>> -> memref<1x128xi32, #tpu.memory_space<vmem>>
    %dma_start3A_16 = tpu.memref_squeeze %dma_start3A_15 : memref<1x128xi32, #tpu.memory_space<vmem>> -> memref<128xi32, #tpu.memory_space<vmem>>
    %dma_start3A_17 = arith.constant 0 : i32
    %dma_start3A_18 = arith.constant 0 : i32
    %dma_start3A_19 = tpu.memref_slice %arg2[%dma_start3A_17, %dma_start3A_18] : memref<10000x64xbf16, #tpu.memory_space<hbm>> -> memref<10000x64xbf16, #tpu.memory_space<hbm>>
    tpu.enqueue_indirect_dma source(%dma_start3A_19 : memref<10000x64xbf16, #tpu.memory_space<hbm>>) target(%dma_start3A_13 : memref<128x64xbf16, #tpu.memory_space<vmem>>) offsets(%dma_start3A_16 : memref<128xi32, #tpu.memory_space<vmem>>) semaphore(%arg7 : memref<!tpu.dma_semaphore, #tpu.memory_space<semaphore_mem>>)
    %dma_start3A_20 = arith.constant 2 : i32
    %dma_start3A_21 = arith.constant 256 : i32
    %dma_start3A_22 = arith.constant 0 : i32
    %dma_start3A_23 = tpu.memref_slice %arg6[%dma_start3A_21, %dma_start3A_22] : memref<1664x64xbf16, #tpu.memory_space<vmem>> -> memref<128x64xbf16, #tpu.memory_space<vmem>>
    %dma_start3A_24 = arith.constant 0 : i32
    %dma_start3A_25 = tpu.memref_slice %arg5[%dma_start3A_20, %dma_start3A_24] : memref<13x128xi32, #tpu.memory_space<vmem>> -> memref<1x128xi32, #tpu.memory_space<vmem>>
    %dma_start3A_26 = tpu.memref_squeeze %dma_start3A_25 : memref<1x128xi32, #tpu.memory_space<vmem>> -> memref<128xi32, #tpu.memory_space<vmem>>
    %dma_start3A_27 = arith.constant 0 : i32
    %dma_start3A_28 = arith.constant 0 : i32
    %dma_start3A_29 = tpu.memref_slice %arg2[%dma_start3A_27, %dma_start3A_28] : memref<10000x64xbf16, #tpu.memory_space<hbm>> -> memref<10000x64xbf16, #tpu.memory_space<hbm>>
    tpu.enqueue_indirect_dma source(%dma_start3A_29 : memref<10000x64xbf16, #tpu.memory_space<hbm>>) target(%dma_start3A_23 : memref<128x64xbf16, #tpu.memory_space<vmem>>) offsets(%dma_start3A_26 : memref<128xi32, #tpu.memory_space<vmem>>) semaphore(%arg7 : memref<!tpu.dma_semaphore, #tpu.memory_space<semaphore_mem>>)
    %dma_start3A_30 = arith.constant 3 : i32
    %dma_start3A_31 = arith.constant 384 : i32
    %dma_start3A_32 = arith.constant 0 : i32
    %dma_start3A_33 = tpu.memref_slice %arg6[%dma_start3A_31, %dma_start3A_32] : memref<1664x64xbf16, #tpu.memory_space<vmem>> -> memref<128x64xbf16, #tpu.memory_space<vmem>>
    %dma_start3A_34 = arith.constant 0 : i32
    %dma_start3A_35 = tpu.memref_slice %arg5[%dma_start3A_30, %dma_start3A_34] : memref<13x128xi32, #tpu.memory_space<vmem>> -> memref<1x128xi32, #tpu.memory_space<vmem>>
    %dma_start3A_36 = tpu.memref_squeeze %dma_start3A_35 : memref<1x128xi32, #tpu.memory_space<vmem>> -> memref<128xi32, #tpu.memory_space<vmem>>
    %dma_start3A_37 = arith.constant 0 : i32
    %dma_start3A_38 = arith.constant 0 : i32
    %dma_start3A_39 = tpu.memref_slice %arg2[%dma_start3A_37, %dma_start3A_38] : memref<10000x64xbf16, #tpu.memory_space<hbm>> -> memref<10000x64xbf16, #tpu.memory_space<hbm>>
    tpu.enqueue_indirect_dma source(%dma_start3A_39 : memref<10000x64xbf16, #tpu.memory_space<hbm>>) target(%dma_start3A_33 : memref<128x64xbf16, #tpu.memory_space<vmem>>) offsets(%dma_start3A_36 : memref<128xi32, #tpu.memory_space<vmem>>) semaphore(%arg7 : memref<!tpu.dma_semaphore, #tpu.memory_space<semaphore_mem>>)
    %dma_start3A_40 = arith.constant 4 : i32
    %dma_start3A_41 = arith.constant 512 : i32
    %dma_start3A_42 = arith.constant 0 : i32
    %dma_start3A_43 = tpu.memref_slice %arg6[%dma_start3A_41, %dma_start3A_42] : memref<1664x64xbf16, #tpu.memory_space<vmem>> -> memref<128x64xbf16, #tpu.memory_space<vmem>>
    %dma_start3A_44 = arith.constant 0 : i32
    %dma_start3A_45 = tpu.memref_slice %arg5[%dma_start3A_40, %dma_start3A_44] : memref<13x128xi32, #tpu.memory_space<vmem>> -> memref<1x128xi32, #tpu.memory_space<vmem>>
    %dma_start3A_46 = tpu.memref_squeeze %dma_start3A_45 : memref<1x128xi32, #tpu.memory_space<vmem>> -> memref<128xi32, #tpu.memory_space<vmem>>
    %dma_start3A_47 = arith.constant 0 : i32
    %dma_start3A_48 = arith.constant 0 : i32
    %dma_start3A_49 = tpu.memref_slice %arg2[%dma_start3A_47, %dma_start3A_48] : memref<10000x64xbf16, #tpu.memory_space<hbm>> -> memref<10000x64xbf16, #tpu.memory_space<hbm>>
    tpu.enqueue_indirect_dma source(%dma_start3A_49 : memref<10000x64xbf16, #tpu.memory_space<hbm>>) target(%dma_start3A_43 : memref<128x64xbf16, #tpu.memory_space<vmem>>) offsets(%dma_start3A_46 : memref<128xi32, #tpu.memory_space<vmem>>) semaphore(%arg7 : memref<!tpu.dma_semaphore, #tpu.memory_space<semaphore_mem>>)
    %dma_start3A_50 = arith.constant 5 : i32
    %dma_start3A_51 = arith.constant 640 : i32
    %dma_start3A_52 = arith.constant 0 : i32
    %dma_start3A_53 = tpu.memref_slice %arg6[%dma_start3A_51, %dma_start3A_52] : memref<1664x64xbf16, #tpu.memory_space<vmem>> -> memref<128x64xbf16, #tpu.memory_space<vmem>>
    %dma_start3A_54 = arith.constant 0 : i32
    %dma_start3A_55 = tpu.memref_slice %arg5[%dma_start3A_50, %dma_start3A_54] : memref<13x128xi32, #tpu.memory_space<vmem>> -> memref<1x128xi32, #tpu.memory_space<vmem>>
    %dma_start3A_56 = tpu.memref_squeeze %dma_start3A_55 : memref<1x128xi32, #tpu.memory_space<vmem>> -> memref<128xi32, #tpu.memory_space<vmem>>
    %dma_start3A_57 = arith.constant 0 : i32
    %dma_start3A_58 = arith.constant 0 : i32
    %dma_start3A_59 = tpu.memref_slice %arg2[%dma_start3A_57, %dma_start3A_58] : memref<10000x64xbf16, #tpu.memory_space<hbm>> -> memref<10000x64xbf16, #tpu.memory_space<hbm>>
    tpu.enqueue_indirect_dma source(%dma_start3A_59 : memref<10000x64xbf16, #tpu.memory_space<hbm>>) target(%dma_start3A_53 : memref<128x64xbf16, #tpu.memory_space<vmem>>) offsets(%dma_start3A_56 : memref<128xi32, #tpu.memory_space<vmem>>) semaphore(%arg7 : memref<!tpu.dma_semaphore, #tpu.memory_space<semaphore_mem>>)
    %dma_start3A_60 = arith.constant 6 : i32
    %dma_start3A_61 = arith.constant 768 : i32
    %dma_start3A_62 = arith.constant 0 : i32
    %dma_start3A_63 = tpu.memref_slice %arg6[%dma_start3A_61, %dma_start3A_62] : memref<1664x64xbf16, #tpu.memory_space<vmem>> -> memref<128x64xbf16, #tpu.memory_space<vmem>>
    %dma_start3A_64 = arith.constant 0 : i32
    %dma_start3A_65 = tpu.memref_slice %arg5[%dma_start3A_60, %dma_start3A_64] : memref<13x128xi32, #tpu.memory_space<vmem>> -> memref<1x128xi32, #tpu.memory_space<vmem>>
    %dma_start3A_66 = tpu.memref_squeeze %dma_start3A_65 : memref<1x128xi32, #tpu.memory_space<vmem>> -> memref<128xi32, #tpu.memory_space<vmem>>
    %dma_start3A_67 = arith.constant 0 : i32
    %dma_start3A_68 = arith.constant 0 : i32
    %dma_start3A_69 = tpu.memref_slice %arg2[%dma_start3A_67, %dma_start3A_68] : memref<10000x64xbf16, #tpu.memory_space<hbm>> -> memref<10000x64xbf16, #tpu.memory_space<hbm>>
    tpu.enqueue_indirect_dma source(%dma_start3A_69 : memref<10000x64xbf16, #tpu.memory_space<hbm>>) target(%dma_start3A_63 : memref<128x64xbf16, #tpu.memory_space<vmem>>) offsets(%dma_start3A_66 : memref<128xi32, #tpu.memory_space<vmem>>) semaphore(%arg7 : memref<!tpu.dma_semaphore, #tpu.memory_space<semaphore_mem>>)
    %dma_start3A_70 = arith.constant 7 : i32
    %dma_start3A_71 = arith.constant 896 : i32
    %dma_start3A_72 = arith.constant 0 : i32
    %dma_start3A_73 = tpu.memref_slice %arg6[%dma_start3A_71, %dma_start3A_72] : memref<1664x64xbf16, #tpu.memory_space<vmem>> -> memref<128x64xbf16, #tpu.memory_space<vmem>>
    %dma_start3A_74 = arith.constant 0 : i32
    %dma_start3A_75 = tpu.memref_slice %arg5[%dma_start3A_70, %dma_start3A_74] : memref<13x128xi32, #tpu.memory_space<vmem>> -> memref<1x128xi32, #tpu.memory_space<vmem>>
    %dma_start3A_76 = tpu.memref_squeeze %dma_start3A_75 : memref<1x128xi32, #tpu.memory_space<vmem>> -> memref<128xi32, #tpu.memory_space<vmem>>
    %dma_start3A_77 = arith.constant 0 : i32
    %dma_start3A_78 = arith.constant 0 : i32
    %dma_start3A_79 = tpu.memref_slice %arg2[%dma_start3A_77, %dma_start3A_78] : memref<10000x64xbf16, #tpu.memory_space<hbm>> -> memref<10000x64xbf16, #tpu.memory_space<hbm>>
    tpu.enqueue_indirect_dma source(%dma_start3A_79 : memref<10000x64xbf16, #tpu.memory_space<hbm>>) target(%dma_start3A_73 : memref<128x64xbf16, #tpu.memory_space<vmem>>) offsets(%dma_start3A_76 : memref<128xi32, #tpu.memory_space<vmem>>) semaphore(%arg7 : memref<!tpu.dma_semaphore, #tpu.memory_space<semaphore_mem>>)
    %dma_start3A_80 = arith.constant 8 : i32
    %dma_start3A_81 = arith.constant 1024 : i32
    %dma_start3A_82 = arith.constant 0 : i32
    %dma_start3A_83 = tpu.memref_slice %arg6[%dma_start3A_81, %dma_start3A_82] : memref<1664x64xbf16, #tpu.memory_space<vmem>> -> memref<128x64xbf16, #tpu.memory_space<vmem>>
    %dma_start3A_84 = arith.constant 0 : i32
    %dma_start3A_85 = tpu.memref_slice %arg5[%dma_start3A_80, %dma_start3A_84] : memref<13x128xi32, #tpu.memory_space<vmem>> -> memref<1x128xi32, #tpu.memory_space<vmem>>
    %dma_start3A_86 = tpu.memref_squeeze %dma_start3A_85 : memref<1x128xi32, #tpu.memory_space<vmem>> -> memref<128xi32, #tpu.memory_space<vmem>>
    %dma_start3A_87 = arith.constant 0 : i32
    %dma_start3A_88 = arith.constant 0 : i32
    %dma_start3A_89 = tpu.memref_slice %arg2[%dma_start3A_87, %dma_start3A_88] : memref<10000x64xbf16, #tpu.memory_space<hbm>> -> memref<10000x64xbf16, #tpu.memory_space<hbm>>
    tpu.enqueue_indirect_dma source(%dma_start3A_89 : memref<10000x64xbf16, #tpu.memory_space<hbm>>) target(%dma_start3A_83 : memref<128x64xbf16, #tpu.memory_space<vmem>>) offsets(%dma_start3A_86 : memref<128xi32, #tpu.memory_space<vmem>>) semaphore(%arg7 : memref<!tpu.dma_semaphore, #tpu.memory_space<semaphore_mem>>)
    %dma_start3A_90 = arith.constant 9 : i32
    %dma_start3A_91 = arith.constant 1152 : i32
    %dma_start3A_92 = arith.constant 0 : i32
    %dma_start3A_93 = tpu.memref_slice %arg6[%dma_start3A_91, %dma_start3A_92] : memref<1664x64xbf16, #tpu.memory_space<vmem>> -> memref<128x64xbf16, #tpu.memory_space<vmem>>
    %dma_start3A_94 = arith.constant 0 : i32
    %dma_start3A_95 = tpu.memref_slice %arg5[%dma_start3A_90, %dma_start3A_94] : memref<13x128xi32, #tpu.memory_space<vmem>> -> memref<1x128xi32, #tpu.memory_space<vmem>>
    %dma_start3A_96 = tpu.memref_squeeze %dma_start3A_95 : memref<1x128xi32, #tpu.memory_space<vmem>> -> memref<128xi32, #tpu.memory_space<vmem>>
    %dma_start3A_97 = arith.constant 0 : i32
    %dma_start3A_98 = arith.constant 0 : i32
    %dma_start3A_99 = tpu.memref_slice %arg2[%dma_start3A_97, %dma_start3A_98] : memref<10000x64xbf16, #tpu.memory_space<hbm>> -> memref<10000x64xbf16, #tpu.memory_space<hbm>>
    tpu.enqueue_indirect_dma source(%dma_start3A_99 : memref<10000x64xbf16, #tpu.memory_space<hbm>>) target(%dma_start3A_93 : memref<128x64xbf16, #tpu.memory_space<vmem>>) offsets(%dma_start3A_96 : memref<128xi32, #tpu.memory_space<vmem>>) semaphore(%arg7 : memref<!tpu.dma_semaphore, #tpu.memory_space<semaphore_mem>>)
    %dma_start3A_100 = arith.constant 10 : i32
    %dma_start3A_101 = arith.constant 1280 : i32
    %dma_start3A_102 = arith.constant 0 : i32
    %dma_start3A_103 = tpu.memref_slice %arg6[%dma_start3A_101, %dma_start3A_102] : memref<1664x64xbf16, #tpu.memory_space<vmem>> -> memref<128x64xbf16, #tpu.memory_space<vmem>>
    %dma_start3A_104 = arith.constant 0 : i32
    %dma_start3A_105 = tpu.memref_slice %arg5[%dma_start3A_100, %dma_start3A_104] : memref<13x128xi32, #tpu.memory_space<vmem>> -> memref<1x128xi32, #tpu.memory_space<vmem>>
    %dma_start3A_106 = tpu.memref_squeeze %dma_start3A_105 : memref<1x128xi32, #tpu.memory_space<vmem>> -> memref<128xi32, #tpu.memory_space<vmem>>
    %dma_start3A_107 = arith.constant 0 : i32
    %dma_start3A_108 = arith.constant 0 : i32
    %dma_start3A_109 = tpu.memref_slice %arg2[%dma_start3A_107, %dma_start3A_108] : memref<10000x64xbf16, #tpu.memory_space<hbm>> -> memref<10000x64xbf16, #tpu.memory_space<hbm>>
    tpu.enqueue_indirect_dma source(%dma_start3A_109 : memref<10000x64xbf16, #tpu.memory_space<hbm>>) target(%dma_start3A_103 : memref<128x64xbf16, #tpu.memory_space<vmem>>) offsets(%dma_start3A_106 : memref<128xi32, #tpu.memory_space<vmem>>) semaphore(%arg7 : memref<!tpu.dma_semaphore, #tpu.memory_space<semaphore_mem>>)
    %dma_start3A_110 = arith.constant 11 : i32
    %dma_start3A_111 = arith.constant 1408 : i32
    %dma_start3A_112 = arith.constant 0 : i32
    %dma_start3A_113 = tpu.memref_slice %arg6[%dma_start3A_111, %dma_start3A_112] : memref<1664x64xbf16, #tpu.memory_space<vmem>> -> memref<128x64xbf16, #tpu.memory_space<vmem>>
    %dma_start3A_114 = arith.constant 0 : i32
    %dma_start3A_115 = tpu.memref_slice %arg5[%dma_start3A_110, %dma_start3A_114] : memref<13x128xi32, #tpu.memory_space<vmem>> -> memref<1x128xi32, #tpu.memory_space<vmem>>
    %dma_start3A_116 = tpu.memref_squeeze %dma_start3A_115 : memref<1x128xi32, #tpu.memory_space<vmem>> -> memref<128xi32, #tpu.memory_space<vmem>>
    %dma_start3A_117 = arith.constant 0 : i32
    %dma_start3A_118 = arith.constant 0 : i32
    %dma_start3A_119 = tpu.memref_slice %arg2[%dma_start3A_117, %dma_start3A_118] : memref<10000x64xbf16, #tpu.memory_space<hbm>> -> memref<10000x64xbf16, #tpu.memory_space<hbm>>
    tpu.enqueue_indirect_dma source(%dma_start3A_119 : memref<10000x64xbf16, #tpu.memory_space<hbm>>) target(%dma_start3A_113 : memref<128x64xbf16, #tpu.memory_space<vmem>>) offsets(%dma_start3A_116 : memref<128xi32, #tpu.memory_space<vmem>>) semaphore(%arg7 : memref<!tpu.dma_semaphore, #tpu.memory_space<semaphore_mem>>)
    %dma_start3A_120 = arith.constant 12 : i32
    %dma_start3A_121 = arith.constant 1536 : i32
    %dma_start3A_122 = arith.constant 0 : i32
    %dma_start3A_123 = tpu.memref_slice %arg6[%dma_start3A_121, %dma_start3A_122] : memref<1664x64xbf16, #tpu.memory_space<vmem>> -> memref<128x64xbf16, #tpu.memory_space<vmem>>
    %dma_start3A_124 = arith.constant 0 : i32
    %dma_start3A_125 = tpu.memref_slice %arg5[%dma_start3A_120, %dma_start3A_124] : memref<13x128xi32, #tpu.memory_space<vmem>> -> memref<1x128xi32, #tpu.memory_space<vmem>>
    %dma_start3A_126 = tpu.memref_squeeze %dma_start3A_125 : memref<1x128xi32, #tpu.memory_space<vmem>> -> memref<128xi32, #tpu.memory_space<vmem>>
    %dma_start3A_127 = arith.constant 0 : i32
    %dma_start3A_128 = arith.constant 0 : i32
    %dma_start3A_129 = tpu.memref_slice %arg2[%dma_start3A_127, %dma_start3A_128] : memref<10000x64xbf16, #tpu.memory_space<hbm>> -> memref<10000x64xbf16, #tpu.memory_space<hbm>>
    tpu.enqueue_indirect_dma source(%dma_start3A_129 : memref<10000x64xbf16, #tpu.memory_space<hbm>>) target(%dma_start3A_123 : memref<128x64xbf16, #tpu.memory_space<vmem>>) offsets(%dma_start3A_126 : memref<128xi32, #tpu.memory_space<vmem>>) semaphore(%arg7 : memref<!tpu.dma_semaphore, #tpu.memory_space<semaphore_mem>>)
    %dma_wait3A = arith.constant 0 : i32
    %dma_wait3A_130 = arith.constant 0 : i32
    %dma_wait3A_131 = arith.constant 0 : i32
    %dma_wait3A_132 = tpu.memref_slice %arg6[%dma_wait3A_130, %dma_wait3A_131] : memref<1664x64xbf16, #tpu.memory_space<vmem>> -> memref<128x64xbf16, #tpu.memory_space<vmem>>
    %dma_wait3A_133 = arith.constant 0 : i32
    %dma_wait3A_134 = tpu.memref_slice %arg5[%dma_wait3A, %dma_wait3A_133] : memref<13x128xi32, #tpu.memory_space<vmem>> -> memref<1x128xi32, #tpu.memory_space<vmem>>
    %dma_wait3A_135 = tpu.memref_squeeze %dma_wait3A_134 : memref<1x128xi32, #tpu.memory_space<vmem>> -> memref<128xi32, #tpu.memory_space<vmem>>
    %dma_wait3A_136 = arith.constant 0 : i32
    %dma_wait3A_137 = arith.constant 0 : i32
    %dma_wait3A_138 = tpu.memref_slice %arg2[%dma_wait3A_136, %dma_wait3A_137] : memref<10000x64xbf16, #tpu.memory_space<hbm>> -> memref<10000x64xbf16, #tpu.memory_space<hbm>>
    tpu.wait_indirect_dma semaphore(%arg7 : memref<!tpu.dma_semaphore, #tpu.memory_space<semaphore_mem>>) src(%dma_wait3A_138 : memref<10000x64xbf16, #tpu.memory_space<hbm>>) dst(%dma_wait3A_132 : memref<128x64xbf16, #tpu.memory_space<vmem>>)
    %dma_wait3A_139 = arith.constant 1 : i32
    %dma_wait3A_140 = arith.constant 128 : i32
    %dma_wait3A_141 = arith.constant 0 : i32
    %dma_wait3A_142 = tpu.memref_slice %arg6[%dma_wait3A_140, %dma_wait3A_141] : memref<1664x64xbf16, #tpu.memory_space<vmem>> -> memref<128x64xbf16, #tpu.memory_space<vmem>>
    %dma_wait3A_143 = arith.constant 0 : i32
    %dma_wait3A_144 = tpu.memref_slice %arg5[%dma_wait3A_139, %dma_wait3A_143] : memref<13x128xi32, #tpu.memory_space<vmem>> -> memref<1x128xi32, #tpu.memory_space<vmem>>
    %dma_wait3A_145 = tpu.memref_squeeze %dma_wait3A_144 : memref<1x128xi32, #tpu.memory_space<vmem>> -> memref<128xi32, #tpu.memory_space<vmem>>
    %dma_wait3A_146 = arith.constant 0 : i32
    %dma_wait3A_147 = arith.constant 0 : i32
    %dma_wait3A_148 = tpu.memref_slice %arg2[%dma_wait3A_146, %dma_wait3A_147] : memref<10000x64xbf16, #tpu.memory_space<hbm>> -> memref<10000x64xbf16, #tpu.memory_space<hbm>>
    tpu.wait_indirect_dma semaphore(%arg7 : memref<!tpu.dma_semaphore, #tpu.memory_space<semaphore_mem>>) src(%dma_wait3A_148 : memref<10000x64xbf16, #tpu.memory_space<hbm>>) dst(%dma_wait3A_142 : memref<128x64xbf16, #tpu.memory_space<vmem>>)
    %dma_wait3A_149 = arith.constant 2 : i32
    %dma_wait3A_150 = arith.constant 256 : i32
    %dma_wait3A_151 = arith.constant 0 : i32
    %dma_wait3A_152 = tpu.memref_slice %arg6[%dma_wait3A_150, %dma_wait3A_151] : memref<1664x64xbf16, #tpu.memory_space<vmem>> -> memref<128x64xbf16, #tpu.memory_space<vmem>>
    %dma_wait3A_153 = arith.constant 0 : i32
    %dma_wait3A_154 = tpu.memref_slice %arg5[%dma_wait3A_149, %dma_wait3A_153] : memref<13x128xi32, #tpu.memory_space<vmem>> -> memref<1x128xi32, #tpu.memory_space<vmem>>
    %dma_wait3A_155 = tpu.memref_squeeze %dma_wait3A_154 : memref<1x128xi32, #tpu.memory_space<vmem>> -> memref<128xi32, #tpu.memory_space<vmem>>
    %dma_wait3A_156 = arith.constant 0 : i32
    %dma_wait3A_157 = arith.constant 0 : i32
    %dma_wait3A_158 = tpu.memref_slice %arg2[%dma_wait3A_156, %dma_wait3A_157] : memref<10000x64xbf16, #tpu.memory_space<hbm>> -> memref<10000x64xbf16, #tpu.memory_space<hbm>>
    tpu.wait_indirect_dma semaphore(%arg7 : memref<!tpu.dma_semaphore, #tpu.memory_space<semaphore_mem>>) src(%dma_wait3A_158 : memref<10000x64xbf16, #tpu.memory_space<hbm>>) dst(%dma_wait3A_152 : memref<128x64xbf16, #tpu.memory_space<vmem>>)
    %dma_wait3A_159 = arith.constant 3 : i32
    %dma_wait3A_160 = arith.constant 384 : i32
    %dma_wait3A_161 = arith.constant 0 : i32
    %dma_wait3A_162 = tpu.memref_slice %arg6[%dma_wait3A_160, %dma_wait3A_161] : memref<1664x64xbf16, #tpu.memory_space<vmem>> -> memref<128x64xbf16, #tpu.memory_space<vmem>>
    %dma_wait3A_163 = arith.constant 0 : i32
    %dma_wait3A_164 = tpu.memref_slice %arg5[%dma_wait3A_159, %dma_wait3A_163] : memref<13x128xi32, #tpu.memory_space<vmem>> -> memref<1x128xi32, #tpu.memory_space<vmem>>
    %dma_wait3A_165 = tpu.memref_squeeze %dma_wait3A_164 : memref<1x128xi32, #tpu.memory_space<vmem>> -> memref<128xi32, #tpu.memory_space<vmem>>
    %dma_wait3A_166 = arith.constant 0 : i32
    %dma_wait3A_167 = arith.constant 0 : i32
    %dma_wait3A_168 = tpu.memref_slice %arg2[%dma_wait3A_166, %dma_wait3A_167] : memref<10000x64xbf16, #tpu.memory_space<hbm>> -> memref<10000x64xbf16, #tpu.memory_space<hbm>>
    tpu.wait_indirect_dma semaphore(%arg7 : memref<!tpu.dma_semaphore, #tpu.memory_space<semaphore_mem>>) src(%dma_wait3A_168 : memref<10000x64xbf16, #tpu.memory_space<hbm>>) dst(%dma_wait3A_162 : memref<128x64xbf16, #tpu.memory_space<vmem>>)
    %dma_wait3A_169 = arith.constant 4 : i32
    %dma_wait3A_170 = arith.constant 512 : i32
    %dma_wait3A_171 = arith.constant 0 : i32
    %dma_wait3A_172 = tpu.memref_slice %arg6[%dma_wait3A_170, %dma_wait3A_171] : memref<1664x64xbf16, #tpu.memory_space<vmem>> -> memref<128x64xbf16, #tpu.memory_space<vmem>>
    %dma_wait3A_173 = arith.constant 0 : i32
    %dma_wait3A_174 = tpu.memref_slice %arg5[%dma_wait3A_169, %dma_wait3A_173] : memref<13x128xi32, #tpu.memory_space<vmem>> -> memref<1x128xi32, #tpu.memory_space<vmem>>
    %dma_wait3A_175 = tpu.memref_squeeze %dma_wait3A_174 : memref<1x128xi32, #tpu.memory_space<vmem>> -> memref<128xi32, #tpu.memory_space<vmem>>
    %dma_wait3A_176 = arith.constant 0 : i32
    %dma_wait3A_177 = arith.constant 0 : i32
    %dma_wait3A_178 = tpu.memref_slice %arg2[%dma_wait3A_176, %dma_wait3A_177] : memref<10000x64xbf16, #tpu.memory_space<hbm>> -> memref<10000x64xbf16, #tpu.memory_space<hbm>>
    tpu.wait_indirect_dma semaphore(%arg7 : memref<!tpu.dma_semaphore, #tpu.memory_space<semaphore_mem>>) src(%dma_wait3A_178 : memref<10000x64xbf16, #tpu.memory_space<hbm>>) dst(%dma_wait3A_172 : memref<128x64xbf16, #tpu.memory_space<vmem>>)
    %dma_wait3A_179 = arith.constant 5 : i32
    %dma_wait3A_180 = arith.constant 640 : i32
    %dma_wait3A_181 = arith.constant 0 : i32
    %dma_wait3A_182 = tpu.memref_slice %arg6[%dma_wait3A_180, %dma_wait3A_181] : memref<1664x64xbf16, #tpu.memory_space<vmem>> -> memref<128x64xbf16, #tpu.memory_space<vmem>>
    %dma_wait3A_183 = arith.constant 0 : i32
    %dma_wait3A_184 = tpu.memref_slice %arg5[%dma_wait3A_179, %dma_wait3A_183] : memref<13x128xi32, #tpu.memory_space<vmem>> -> memref<1x128xi32, #tpu.memory_space<vmem>>
    %dma_wait3A_185 = tpu.memref_squeeze %dma_wait3A_184 : memref<1x128xi32, #tpu.memory_space<vmem>> -> memref<128xi32, #tpu.memory_space<vmem>>
    %dma_wait3A_186 = arith.constant 0 : i32
    %dma_wait3A_187 = arith.constant 0 : i32
    %dma_wait3A_188 = tpu.memref_slice %arg2[%dma_wait3A_186, %dma_wait3A_187] : memref<10000x64xbf16, #tpu.memory_space<hbm>> -> memref<10000x64xbf16, #tpu.memory_space<hbm>>
    tpu.wait_indirect_dma semaphore(%arg7 : memref<!tpu.dma_semaphore, #tpu.memory_space<semaphore_mem>>) src(%dma_wait3A_188 : memref<10000x64xbf16, #tpu.memory_space<hbm>>) dst(%dma_wait3A_182 : memref<128x64xbf16, #tpu.memory_space<vmem>>)
    %dma_wait3A_189 = arith.constant 6 : i32
    %dma_wait3A_190 = arith.constant 768 : i32
    %dma_wait3A_191 = arith.constant 0 : i32
    %dma_wait3A_192 = tpu.memref_slice %arg6[%dma_wait3A_190, %dma_wait3A_191] : memref<1664x64xbf16, #tpu.memory_space<vmem>> -> memref<128x64xbf16, #tpu.memory_space<vmem>>
    %dma_wait3A_193 = arith.constant 0 : i32
    %dma_wait3A_194 = tpu.memref_slice %arg5[%dma_wait3A_189, %dma_wait3A_193] : memref<13x128xi32, #tpu.memory_space<vmem>> -> memref<1x128xi32, #tpu.memory_space<vmem>>
    %dma_wait3A_195 = tpu.memref_squeeze %dma_wait3A_194 : memref<1x128xi32, #tpu.memory_space<vmem>> -> memref<128xi32, #tpu.memory_space<vmem>>
    %dma_wait3A_196 = arith.constant 0 : i32
    %dma_wait3A_197 = arith.constant 0 : i32
    %dma_wait3A_198 = tpu.memref_slice %arg2[%dma_wait3A_196, %dma_wait3A_197] : memref<10000x64xbf16, #tpu.memory_space<hbm>> -> memref<10000x64xbf16, #tpu.memory_space<hbm>>
    tpu.wait_indirect_dma semaphore(%arg7 : memref<!tpu.dma_semaphore, #tpu.memory_space<semaphore_mem>>) src(%dma_wait3A_198 : memref<10000x64xbf16, #tpu.memory_space<hbm>>) dst(%dma_wait3A_192 : memref<128x64xbf16, #tpu.memory_space<vmem>>)
    %dma_wait3A_199 = arith.constant 7 : i32
    %dma_wait3A_200 = arith.constant 896 : i32
    %dma_wait3A_201 = arith.constant 0 : i32
    %dma_wait3A_202 = tpu.memref_slice %arg6[%dma_wait3A_200, %dma_wait3A_201] : memref<1664x64xbf16, #tpu.memory_space<vmem>> -> memref<128x64xbf16, #tpu.memory_space<vmem>>
    %dma_wait3A_203 = arith.constant 0 : i32
    %dma_wait3A_204 = tpu.memref_slice %arg5[%dma_wait3A_199, %dma_wait3A_203] : memref<13x128xi32, #tpu.memory_space<vmem>> -> memref<1x128xi32, #tpu.memory_space<vmem>>
    %dma_wait3A_205 = tpu.memref_squeeze %dma_wait3A_204 : memref<1x128xi32, #tpu.memory_space<vmem>> -> memref<128xi32, #tpu.memory_space<vmem>>
    %dma_wait3A_206 = arith.constant 0 : i32
    %dma_wait3A_207 = arith.constant 0 : i32
    %dma_wait3A_208 = tpu.memref_slice %arg2[%dma_wait3A_206, %dma_wait3A_207] : memref<10000x64xbf16, #tpu.memory_space<hbm>> -> memref<10000x64xbf16, #tpu.memory_space<hbm>>
    tpu.wait_indirect_dma semaphore(%arg7 : memref<!tpu.dma_semaphore, #tpu.memory_space<semaphore_mem>>) src(%dma_wait3A_208 : memref<10000x64xbf16, #tpu.memory_space<hbm>>) dst(%dma_wait3A_202 : memref<128x64xbf16, #tpu.memory_space<vmem>>)
    %dma_wait3A_209 = arith.constant 8 : i32
    %dma_wait3A_210 = arith.constant 1024 : i32
    %dma_wait3A_211 = arith.constant 0 : i32
    %dma_wait3A_212 = tpu.memref_slice %arg6[%dma_wait3A_210, %dma_wait3A_211] : memref<1664x64xbf16, #tpu.memory_space<vmem>> -> memref<128x64xbf16, #tpu.memory_space<vmem>>
    %dma_wait3A_213 = arith.constant 0 : i32
    %dma_wait3A_214 = tpu.memref_slice %arg5[%dma_wait3A_209, %dma_wait3A_213] : memref<13x128xi32, #tpu.memory_space<vmem>> -> memref<1x128xi32, #tpu.memory_space<vmem>>
    %dma_wait3A_215 = tpu.memref_squeeze %dma_wait3A_214 : memref<1x128xi32, #tpu.memory_space<vmem>> -> memref<128xi32, #tpu.memory_space<vmem>>
    %dma_wait3A_216 = arith.constant 0 : i32
    %dma_wait3A_217 = arith.constant 0 : i32
    %dma_wait3A_218 = tpu.memref_slice %arg2[%dma_wait3A_216, %dma_wait3A_217] : memref<10000x64xbf16, #tpu.memory_space<hbm>> -> memref<10000x64xbf16, #tpu.memory_space<hbm>>
    tpu.wait_indirect_dma semaphore(%arg7 : memref<!tpu.dma_semaphore, #tpu.memory_space<semaphore_mem>>) src(%dma_wait3A_218 : memref<10000x64xbf16, #tpu.memory_space<hbm>>) dst(%dma_wait3A_212 : memref<128x64xbf16, #tpu.memory_space<vmem>>)
    %dma_wait3A_219 = arith.constant 9 : i32
    %dma_wait3A_220 = arith.constant 1152 : i32
    %dma_wait3A_221 = arith.constant 0 : i32
    %dma_wait3A_222 = tpu.memref_slice %arg6[%dma_wait3A_220, %dma_wait3A_221] : memref<1664x64xbf16, #tpu.memory_space<vmem>> -> memref<128x64xbf16, #tpu.memory_space<vmem>>
    %dma_wait3A_223 = arith.constant 0 : i32
    %dma_wait3A_224 = tpu.memref_slice %arg5[%dma_wait3A_219, %dma_wait3A_223] : memref<13x128xi32, #tpu.memory_space<vmem>> -> memref<1x128xi32, #tpu.memory_space<vmem>>
    %dma_wait3A_225 = tpu.memref_squeeze %dma_wait3A_224 : memref<1x128xi32, #tpu.memory_space<vmem>> -> memref<128xi32, #tpu.memory_space<vmem>>
    %dma_wait3A_226 = arith.constant 0 : i32
    %dma_wait3A_227 = arith.constant 0 : i32
    %dma_wait3A_228 = tpu.memref_slice %arg2[%dma_wait3A_226, %dma_wait3A_227] : memref<10000x64xbf16, #tpu.memory_space<hbm>> -> memref<10000x64xbf16, #tpu.memory_space<hbm>>
    tpu.wait_indirect_dma semaphore(%arg7 : memref<!tpu.dma_semaphore, #tpu.memory_space<semaphore_mem>>) src(%dma_wait3A_228 : memref<10000x64xbf16, #tpu.memory_space<hbm>>) dst(%dma_wait3A_222 : memref<128x64xbf16, #tpu.memory_space<vmem>>)
    %dma_wait3A_229 = arith.constant 10 : i32
    %dma_wait3A_230 = arith.constant 1280 : i32
    %dma_wait3A_231 = arith.constant 0 : i32
    %dma_wait3A_232 = tpu.memref_slice %arg6[%dma_wait3A_230, %dma_wait3A_231] : memref<1664x64xbf16, #tpu.memory_space<vmem>> -> memref<128x64xbf16, #tpu.memory_space<vmem>>
    %dma_wait3A_233 = arith.constant 0 : i32
    %dma_wait3A_234 = tpu.memref_slice %arg5[%dma_wait3A_229, %dma_wait3A_233] : memref<13x128xi32, #tpu.memory_space<vmem>> -> memref<1x128xi32, #tpu.memory_space<vmem>>
    %dma_wait3A_235 = tpu.memref_squeeze %dma_wait3A_234 : memref<1x128xi32, #tpu.memory_space<vmem>> -> memref<128xi32, #tpu.memory_space<vmem>>
    %dma_wait3A_236 = arith.constant 0 : i32
    %dma_wait3A_237 = arith.constant 0 : i32
    %dma_wait3A_238 = tpu.memref_slice %arg2[%dma_wait3A_236, %dma_wait3A_237] : memref<10000x64xbf16, #tpu.memory_space<hbm>> -> memref<10000x64xbf16, #tpu.memory_space<hbm>>
    tpu.wait_indirect_dma semaphore(%arg7 : memref<!tpu.dma_semaphore, #tpu.memory_space<semaphore_mem>>) src(%dma_wait3A_238 : memref<10000x64xbf16, #tpu.memory_space<hbm>>) dst(%dma_wait3A_232 : memref<128x64xbf16, #tpu.memory_space<vmem>>)
    %dma_wait3A_239 = arith.constant 11 : i32
    %dma_wait3A_240 = arith.constant 1408 : i32
    %dma_wait3A_241 = arith.constant 0 : i32
    %dma_wait3A_242 = tpu.memref_slice %arg6[%dma_wait3A_240, %dma_wait3A_241] : memref<1664x64xbf16, #tpu.memory_space<vmem>> -> memref<128x64xbf16, #tpu.memory_space<vmem>>
    %dma_wait3A_243 = arith.constant 0 : i32
    %dma_wait3A_244 = tpu.memref_slice %arg5[%dma_wait3A_239, %dma_wait3A_243] : memref<13x128xi32, #tpu.memory_space<vmem>> -> memref<1x128xi32, #tpu.memory_space<vmem>>
    %dma_wait3A_245 = tpu.memref_squeeze %dma_wait3A_244 : memref<1x128xi32, #tpu.memory_space<vmem>> -> memref<128xi32, #tpu.memory_space<vmem>>
    %dma_wait3A_246 = arith.constant 0 : i32
    %dma_wait3A_247 = arith.constant 0 : i32
    %dma_wait3A_248 = tpu.memref_slice %arg2[%dma_wait3A_246, %dma_wait3A_247] : memref<10000x64xbf16, #tpu.memory_space<hbm>> -> memref<10000x64xbf16, #tpu.memory_space<hbm>>
    tpu.wait_indirect_dma semaphore(%arg7 : memref<!tpu.dma_semaphore, #tpu.memory_space<semaphore_mem>>) src(%dma_wait3A_248 : memref<10000x64xbf16, #tpu.memory_space<hbm>>) dst(%dma_wait3A_242 : memref<128x64xbf16, #tpu.memory_space<vmem>>)
    %dma_wait3A_249 = arith.constant 12 : i32
    %dma_wait3A_250 = arith.constant 1536 : i32
    %dma_wait3A_251 = arith.constant 0 : i32
    %dma_wait3A_252 = tpu.memref_slice %arg6[%dma_wait3A_250, %dma_wait3A_251] : memref<1664x64xbf16, #tpu.memory_space<vmem>> -> memref<128x64xbf16, #tpu.memory_space<vmem>>
    %dma_wait3A_253 = arith.constant 0 : i32
    %dma_wait3A_254 = tpu.memref_slice %arg5[%dma_wait3A_249, %dma_wait3A_253] : memref<13x128xi32, #tpu.memory_space<vmem>> -> memref<1x128xi32, #tpu.memory_space<vmem>>
    %dma_wait3A_255 = tpu.memref_squeeze %dma_wait3A_254 : memref<1x128xi32, #tpu.memory_space<vmem>> -> memref<128xi32, #tpu.memory_space<vmem>>
    %dma_wait3A_256 = arith.constant 0 : i32
    %dma_wait3A_257 = arith.constant 0 : i32
    %dma_wait3A_258 = tpu.memref_slice %arg2[%dma_wait3A_256, %dma_wait3A_257] : memref<10000x64xbf16, #tpu.memory_space<hbm>> -> memref<10000x64xbf16, #tpu.memory_space<hbm>>
    tpu.wait_indirect_dma semaphore(%arg7 : memref<!tpu.dma_semaphore, #tpu.memory_space<semaphore_mem>>) src(%dma_wait3A_258 : memref<10000x64xbf16, #tpu.memory_space<hbm>>) dst(%dma_wait3A_252 : memref<128x64xbf16, #tpu.memory_space<vmem>>)
    %mul3A_259 = arith.constant 1664 : i32
    %mul3A_260 = arith.muli %add3A, %mul3A_259 : i32
    "tpu.region"() ({
      %run_scoped3A = tpu.sem_alloc : memref<!tpu.dma_semaphore, #tpu.memory_space<semaphore_mem>>
      %dma_start3A_261 = arith.constant 0 : i32
      %dma_start3A_262 = tpu.memref_slice %arg4[%mul3A_260, %dma_start3A_261] : memref<53248x64xbf16, #tpu.memory_space<hbm>> -> memref<1664x64xbf16, #tpu.memory_space<hbm>>
      %dma_start3A_263 = arith.constant 0 : i32
      %dma_start3A_264 = tpu.memref_slice %arg4[%mul3A_260, %dma_start3A_263] : memref<53248x64xbf16, #tpu.memory_space<hbm>> -> memref<1664x64xbf16, #tpu.memory_space<hbm>>
      tpu.enqueue_dma source(%arg6 : memref<1664x64xbf16, #tpu.memory_space<vmem>>) target(%dma_start3A_264 : memref<1664x64xbf16, #tpu.memory_space<hbm>>) target_semaphore(%run_scoped3A : memref<!tpu.dma_semaphore, #tpu.memory_space<semaphore_mem>>)
      %dma_wait3A_265 = arith.constant 0 : i32
      %dma_wait3A_266 = tpu.memref_slice %arg4[%mul3A_260, %dma_wait3A_265] : memref<53248x64xbf16, #tpu.memory_space<hbm>> -> memref<1664x64xbf16, #tpu.memory_space<hbm>>
      %dma_wait3A_267 = arith.constant 0 : i32
      %dma_wait3A_268 = tpu.memref_slice %arg4[%mul3A_260, %dma_wait3A_267] : memref<53248x64xbf16, #tpu.memory_space<hbm>> -> memref<1664x64xbf16, #tpu.memory_space<hbm>>
      tpu.wait_dma2 semaphore(%run_scoped3A : memref<!tpu.dma_semaphore, #tpu.memory_space<semaphore_mem>>) src(%arg6 : memref<1664x64xbf16, #tpu.memory_space<vmem>>) dst(%dma_wait3A_268 : memref<1664x64xbf16, #tpu.memory_space<hbm>>)
      tpu.yield
    }) : () -> ()
    return
  }
}

module attributes {stable_mosaic.version = 14 : i64} {
  func.func @_msg_body(%arg0: i32, %arg1: memref<512x1xf32, #tpu.memory_space<vmem>>, %arg2: memref<512x64xbf16, #tpu.memory_space<vmem>>, %arg3: memref<64x128xf32, #tpu.memory_space<vmem>>, %arg4: memref<1x128xf32, #tpu.memory_space<vmem>>, %arg5: memref<128x128xf32, #tpu.memory_space<vmem>>, %arg6: memref<1x128xf32, #tpu.memory_space<vmem>>, %arg7: memref<128x4096xbf16, #tpu.memory_space<vmem>>, %arg8: memref<64x64xbf16, #tpu.memory_space<vmem>>, %arg9: memref<4096x64xbf16, #tpu.memory_space<vmem>>, %arg10: memref<512x64xbf16, #tpu.memory_space<vmem>>) attributes {dimension_semantics = [#tpu.dimension_semantics<arbitrary>], iteration_bounds = array<i64: 104>, scalar_prefetch = 0 : i64, scratch_operands = 0 : i64, tpu.core_type = #tpu.core_type<tc>, window_params = [{transform_indices = @transform_0, window_bounds = array<i64: 512, 1>}, {transform_indices = @transform_1, window_bounds = array<i64: 512, 64>}, {pipeline_mode = #tpu.pipeline_mode<synchronous>, transform_indices = @transform_2, window_bounds = array<i64: 64, 128>}, {pipeline_mode = #tpu.pipeline_mode<synchronous>, transform_indices = @transform_3, window_bounds = array<i64: 1, 128>}, {pipeline_mode = #tpu.pipeline_mode<synchronous>, transform_indices = @transform_4, window_bounds = array<i64: 128, 128>}, {pipeline_mode = #tpu.pipeline_mode<synchronous>, transform_indices = @transform_5, window_bounds = array<i64: 1, 128>}, {pipeline_mode = #tpu.pipeline_mode<synchronous>, transform_indices = @transform_6, window_bounds = array<i64: 128, 4096>}, {pipeline_mode = #tpu.pipeline_mode<synchronous>, transform_indices = @transform_7, window_bounds = array<i64: 64, 64>}, {pipeline_mode = #tpu.pipeline_mode<synchronous>, transform_indices = @transform_8, window_bounds = array<i64: 4096, 64>}, {transform_indices = @transform_9, window_bounds = array<i64: 512, 64>}]} {
    %get3A = arith.constant 0 : index
    %get3A_0 = arith.constant 0 : index
    %get3A_1 = vector.load %arg1[%get3A, %get3A_0] : memref<512x1xf32, #tpu.memory_space<vmem>>, vector<512x1xf32>
    %iota3A = tpu.iota {dimensions = array<i32: 1>} : vector<512x64xi32>
    %convert_element_type3A = arith.sitofp %iota3A : vector<512x64xi32> to vector<512x64xf32>
    %mul3A = arith.constant 0.10204082 : f32
    %mul3A_2 = vector.broadcast %mul3A : f32 to vector<512x64xf32>
    %mul3A_3 = arith.mulf %convert_element_type3A, %mul3A_2 : vector<512x64xf32>
    %sub3A = vector.broadcast %get3A_1 : vector<512x1xf32> to vector<512x64xf32>
    %sub3A_4 = arith.subf %sub3A, %mul3A_3 : vector<512x64xf32>
    %mul3A_5 = arith.constant -4.802000e+01 : f32
    %mul3A_6 = vector.broadcast %mul3A_5 : f32 to vector<512x64xf32>
    %mul3A_7 = arith.mulf %mul3A_6, %sub3A_4 : vector<512x64xf32>
    %mul3A_8 = arith.mulf %mul3A_7, %sub3A_4 : vector<512x64xf32>
    %exp3A = math.exp %mul3A_8 : vector<512x64xf32>
    %get3A_9 = arith.constant 0 : index
    %get3A_10 = arith.constant 0 : index
    %get3A_11 = vector.load %arg3[%get3A_9, %get3A_10] : memref<64x128xf32, #tpu.memory_space<vmem>>, vector<64x128xf32>
    %dot_general3A = arith.constant dense<0.000000e+00> : vector<512x128xf32>
    %dot_general3A_12 = tpu.matmul %exp3A, %get3A_11, %dot_general3A {dimension_numbers = #tpu.dot_dimension_numbers<[1], [0], [0], [1], [0, 0, 1, 1], [], []>, transpose_lhs_hint = false} : vector<512x64xf32>, vector<64x128xf32>, vector<512x128xf32> -> vector<512x128xf32>
    %get3A_13 = arith.constant 0 : index
    %get3A_14 = arith.constant 0 : index
    %get3A_15 = vector.load %arg4[%get3A_13, %get3A_14] : memref<1x128xf32, #tpu.memory_space<vmem>>, vector<1x128xf32>
    %add3A = vector.broadcast %get3A_15 : vector<1x128xf32> to vector<512x128xf32>
    %add3A_16 = arith.addf %dot_general3A_12, %add3A : vector<512x128xf32>
    %custom_jvp_call3A = arith.constant 0.000000e+00 : f32
    %max3A = vector.broadcast %custom_jvp_call3A : f32 to vector<512x128xf32>
    %max3A_17 = arith.maximumf %add3A_16, %max3A : vector<512x128xf32>
    %sub3A_18 = vector.broadcast %custom_jvp_call3A : f32 to vector<512x128xf32>
    %sub3A_19 = arith.subf %add3A_16, %sub3A_18 : vector<512x128xf32>
    %ne3A = arith.cmpf one, %sub3A_19, %sub3A_19 : vector<512x128xf32>
    %add3A_20 = vector.broadcast %custom_jvp_call3A : f32 to vector<512x128xf32>
    %add3A_21 = arith.addf %add3A_16, %add3A_20 : vector<512x128xf32>
    %abs3A = math.absf %sub3A_19 : vector<512x128xf32>
    %neg3A = arith.constant 0.000000e+00 : f32
    %neg3A_22 = vector.broadcast %neg3A : f32 to vector<512x128xf32>
    %neg3A_23 = arith.subf %neg3A_22, %abs3A : vector<512x128xf32>
    %exp3A_24 = math.exp %neg3A_23 : vector<512x128xf32>
    %log1p3A = math.log1p %exp3A_24 : vector<512x128xf32>
    %add3A_25 = arith.addf %max3A_17, %log1p3A : vector<512x128xf32>
    %select_n3A = arith.select %ne3A, %add3A_21, %add3A_25 : vector<512x128xi1>, vector<512x128xf32>
    %log3A = arith.constant 2.000000e+00 : f32
    %log3A_26 = math.log %log3A : f32
    %sub3A_27 = vector.broadcast %log3A_26 : f32 to vector<512x128xf32>
    %sub3A_28 = arith.subf %select_n3A, %sub3A_27 : vector<512x128xf32>
    %get3A_29 = arith.constant 0 : index
    %get3A_30 = arith.constant 0 : index
    %get3A_31 = vector.load %arg5[%get3A_29, %get3A_30] : memref<128x128xf32, #tpu.memory_space<vmem>>, vector<128x128xf32>
    %dot_general3A_32 = arith.constant dense<0.000000e+00> : vector<512x128xf32>
    %dot_general3A_33 = tpu.matmul %sub3A_28, %get3A_31, %dot_general3A_32 {dimension_numbers = #tpu.dot_dimension_numbers<[1], [0], [0], [1], [0, 0, 1, 1], [], []>, transpose_lhs_hint = false} : vector<512x128xf32>, vector<128x128xf32>, vector<512x128xf32> -> vector<512x128xf32>
    %get3A_34 = arith.constant 0 : index
    %get3A_35 = arith.constant 0 : index
    %get3A_36 = vector.load %arg6[%get3A_34, %get3A_35] : memref<1x128xf32, #tpu.memory_space<vmem>>, vector<1x128xf32>
    %add3A_37 = vector.broadcast %get3A_36 : vector<1x128xf32> to vector<512x128xf32>
    %add3A_38 = arith.addf %dot_general3A_33, %add3A_37 : vector<512x128xf32>
    %custom_jvp_call3A_39 = arith.constant 0.000000e+00 : f32
    %max3A_40 = vector.broadcast %custom_jvp_call3A_39 : f32 to vector<512x128xf32>
    %max3A_41 = arith.maximumf %add3A_38, %max3A_40 : vector<512x128xf32>
    %sub3A_42 = vector.broadcast %custom_jvp_call3A_39 : f32 to vector<512x128xf32>
    %sub3A_43 = arith.subf %add3A_38, %sub3A_42 : vector<512x128xf32>
    %ne3A_44 = arith.cmpf one, %sub3A_43, %sub3A_43 : vector<512x128xf32>
    %add3A_45 = vector.broadcast %custom_jvp_call3A_39 : f32 to vector<512x128xf32>
    %add3A_46 = arith.addf %add3A_38, %add3A_45 : vector<512x128xf32>
    %abs3A_47 = math.absf %sub3A_43 : vector<512x128xf32>
    %neg3A_48 = arith.constant 0.000000e+00 : f32
    %neg3A_49 = vector.broadcast %neg3A_48 : f32 to vector<512x128xf32>
    %neg3A_50 = arith.subf %neg3A_49, %abs3A_47 : vector<512x128xf32>
    %exp3A_51 = math.exp %neg3A_50 : vector<512x128xf32>
    %log1p3A_52 = math.log1p %exp3A_51 : vector<512x128xf32>
    %add3A_53 = arith.addf %max3A_41, %log1p3A_52 : vector<512x128xf32>
    %select_n3A_54 = arith.select %ne3A_44, %add3A_46, %add3A_53 : vector<512x128xi1>, vector<512x128xf32>
    %log3A_55 = arith.constant 2.000000e+00 : f32
    %log3A_56 = math.log %log3A_55 : f32
    %sub3A_57 = vector.broadcast %log3A_56 : f32 to vector<512x128xf32>
    %sub3A_58 = arith.subf %select_n3A_54, %sub3A_57 : vector<512x128xf32>
    %convert_element_type3A_59 = arith.truncf %sub3A_58 : vector<512x128xf32> to vector<512x128xbf16>
    %get3A_60 = arith.constant 0 : index
    %get3A_61 = arith.constant 0 : index
    %get3A_62 = vector.load %arg7[%get3A_60, %get3A_61] : memref<128x4096xbf16, #tpu.memory_space<vmem>>, vector<128x4096xbf16>
    %dot_general3A_63 = arith.constant dense<0.000000e+00> : vector<512x4096xf32>
    %dot_general3A_64 = tpu.matmul %convert_element_type3A_59, %get3A_62, %dot_general3A_63 {dimension_numbers = #tpu.dot_dimension_numbers<[1], [0], [0], [1], [0, 0, 1, 1], [], []>, transpose_lhs_hint = false} : vector<512x128xbf16>, vector<128x4096xbf16>, vector<512x4096xf32> -> vector<512x4096xf32>
    %convert_element_type3A_65 = arith.truncf %dot_general3A_64 : vector<512x4096xf32> to vector<512x4096xbf16>
    %get3A_66 = arith.constant 0 : index
    %get3A_67 = arith.constant 0 : index
    %get3A_68 = vector.load %arg2[%get3A_66, %get3A_67] : memref<512x64xbf16, #tpu.memory_space<vmem>>, vector<512x64xbf16>
    %tile3A = tpu.concatenate %get3A_68, %get3A_68, %get3A_68, %get3A_68, %get3A_68, %get3A_68, %get3A_68, %get3A_68, %get3A_68, %get3A_68, %get3A_68, %get3A_68, %get3A_68, %get3A_68, %get3A_68, %get3A_68, %get3A_68, %get3A_68, %get3A_68, %get3A_68, %get3A_68, %get3A_68, %get3A_68, %get3A_68, %get3A_68, %get3A_68, %get3A_68, %get3A_68, %get3A_68, %get3A_68, %get3A_68, %get3A_68, %get3A_68, %get3A_68, %get3A_68, %get3A_68, %get3A_68, %get3A_68, %get3A_68, %get3A_68, %get3A_68, %get3A_68, %get3A_68, %get3A_68, %get3A_68, %get3A_68, %get3A_68, %get3A_68, %get3A_68, %get3A_68, %get3A_68, %get3A_68, %get3A_68, %get3A_68, %get3A_68, %get3A_68, %get3A_68, %get3A_68, %get3A_68, %get3A_68, %get3A_68, %get3A_68, %get3A_68, %get3A_68 in 1 : vector<512x64xbf16>, vector<512x64xbf16>, vector<512x64xbf16>, vector<512x64xbf16>, vector<512x64xbf16>, vector<512x64xbf16>, vector<512x64xbf16>, vector<512x64xbf16>, vector<512x64xbf16>, vector<512x64xbf16>, vector<512x64xbf16>, vector<512x64xbf16>, vector<512x64xbf16>, vector<512x64xbf16>, vector<512x64xbf16>, vector<512x64xbf16>, vector<512x64xbf16>, vector<512x64xbf16>, vector<512x64xbf16>, vector<512x64xbf16>, vector<512x64xbf16>, vector<512x64xbf16>, vector<512x64xbf16>, vector<512x64xbf16>, vector<512x64xbf16>, vector<512x64xbf16>, vector<512x64xbf16>, vector<512x64xbf16>, vector<512x64xbf16>, vector<512x64xbf16>, vector<512x64xbf16>, vector<512x64xbf16>, vector<512x64xbf16>, vector<512x64xbf16>, vector<512x64xbf16>, vector<512x64xbf16>, vector<512x64xbf16>, vector<512x64xbf16>, vector<512x64xbf16>, vector<512x64xbf16>, vector<512x64xbf16>, vector<512x64xbf16>, vector<512x64xbf16>, vector<512x64xbf16>, vector<512x64xbf16>, vector<512x64xbf16>, vector<512x64xbf16>, vector<512x64xbf16>, vector<512x64xbf16>, vector<512x64xbf16>, vector<512x64xbf16>, vector<512x64xbf16>, vector<512x64xbf16>, vector<512x64xbf16>, vector<512x64xbf16>, vector<512x64xbf16>, vector<512x64xbf16>, vector<512x64xbf16>, vector<512x64xbf16>, vector<512x64xbf16>, vector<512x64xbf16>, vector<512x64xbf16>, vector<512x64xbf16>, vector<512x64xbf16> -> vector<512x4096xbf16>
    %mul3A_69 = arith.mulf %convert_element_type3A_65, %tile3A : vector<512x4096xbf16>
    %get3A_70 = arith.constant 0 : index
    %get3A_71 = arith.constant 0 : index
    %get3A_72 = vector.load %arg9[%get3A_70, %get3A_71] : memref<4096x64xbf16, #tpu.memory_space<vmem>>, vector<4096x64xbf16>
    %dot_general3A_73 = arith.constant dense<0.000000e+00> : vector<512x64xf32>
    %dot_general3A_74 = tpu.matmul %mul3A_69, %get3A_72, %dot_general3A_73 {dimension_numbers = #tpu.dot_dimension_numbers<[1], [0], [0], [1], [0, 0, 1, 1], [], []>, transpose_lhs_hint = false} : vector<512x4096xbf16>, vector<4096x64xbf16>, vector<512x64xf32> -> vector<512x64xf32>
    %get3A_75 = arith.constant 0 : index
    %get3A_76 = arith.constant 0 : index
    %get3A_77 = vector.load %arg8[%get3A_75, %get3A_76] : memref<64x64xbf16, #tpu.memory_space<vmem>>, vector<64x64xbf16>
    %dot_general3A_78 = arith.constant dense<0.000000e+00> : vector<512x64xf32>
    %dot_general3A_79 = tpu.matmul %get3A_68, %get3A_77, %dot_general3A_78 {dimension_numbers = #tpu.dot_dimension_numbers<[1], [0], [0], [1], [0, 0, 1, 1], [], []>, transpose_lhs_hint = false} : vector<512x64xbf16>, vector<64x64xbf16>, vector<512x64xf32> -> vector<512x64xf32>
    %add3A_80 = arith.addf %dot_general3A_74, %dot_general3A_79 : vector<512x64xf32>
    %convert_element_type3A_81 = arith.truncf %add3A_80 : vector<512x64xf32> to vector<512x64xbf16>
    %swap3A = arith.constant 0 : index
    %swap3A_82 = arith.constant 0 : index
    %swap3A_83 = vector.load %arg10[%swap3A, %swap3A_82] : memref<512x64xbf16, #tpu.memory_space<vmem>>, vector<512x64xbf16>
    tpu.vector_store %arg10[%swap3A, %swap3A_82], %convert_element_type3A_81 {strides = array<i32>} : memref<512x64xbf16, #tpu.memory_space<vmem>>, vector<512x64xbf16>,
    return
  }
  func.func @transform_0(%arg0: i32) -> (i32, i32) {
    %c0_i32 = arith.constant 0 : i32
    %c0_i32_0 = arith.constant 0 : i32
    return %arg0, %c0_i32 : i32, i32
  }
  func.func @transform_1(%arg0: i32) -> (i32, i32) {
    %c0_i32 = arith.constant 0 : i32
    %c0_i32_0 = arith.constant 0 : i32
    return %arg0, %c0_i32 : i32, i32
  }
  func.func @transform_2(%arg0: i32) -> (i32, i32) {
    %c0_i32 = arith.constant 0 : i32
    %c0_i32_0 = arith.constant 0 : i32
    %c0_i32_1 = arith.constant 0 : i32
    return %c0_i32, %c0_i32_0 : i32, i32
  }
  func.func @transform_3(%arg0: i32) -> (i32, i32) {
    %c0_i32 = arith.constant 0 : i32
    %c0_i32_0 = arith.constant 0 : i32
    %c0_i32_1 = arith.constant 0 : i32
    return %c0_i32, %c0_i32_0 : i32, i32
  }
  func.func @transform_4(%arg0: i32) -> (i32, i32) {
    %c0_i32 = arith.constant 0 : i32
    %c0_i32_0 = arith.constant 0 : i32
    %c0_i32_1 = arith.constant 0 : i32
    return %c0_i32, %c0_i32_0 : i32, i32
  }
  func.func @transform_5(%arg0: i32) -> (i32, i32) {
    %c0_i32 = arith.constant 0 : i32
    %c0_i32_0 = arith.constant 0 : i32
    %c0_i32_1 = arith.constant 0 : i32
    return %c0_i32, %c0_i32_0 : i32, i32
  }
  func.func @transform_6(%arg0: i32) -> (i32, i32) {
    %c0_i32 = arith.constant 0 : i32
    %c0_i32_0 = arith.constant 0 : i32
    %c0_i32_1 = arith.constant 0 : i32
    return %c0_i32, %c0_i32_0 : i32, i32
  }
  func.func @transform_7(%arg0: i32) -> (i32, i32) {
    %c0_i32 = arith.constant 0 : i32
    %c0_i32_0 = arith.constant 0 : i32
    %c0_i32_1 = arith.constant 0 : i32
    return %c0_i32, %c0_i32_0 : i32, i32
  }
  func.func @transform_8(%arg0: i32) -> (i32, i32) {
    %c0_i32 = arith.constant 0 : i32
    %c0_i32_0 = arith.constant 0 : i32
    %c0_i32_1 = arith.constant 0 : i32
    return %c0_i32, %c0_i32_0 : i32, i32
  }
  func.func @transform_9(%arg0: i32) -> (i32, i32) {
    %c0_i32 = arith.constant 0 : i32
    %c0_i32_0 = arith.constant 0 : i32
    return %arg0, %c0_i32 : i32, i32
  }
}

module attributes {stable_mosaic.version = 14 : i64} {
  func.func @_ffn_body(%arg0: i32, %arg1: memref<2x1000x64xbf16, #tpu.memory_space<vmem>>, %arg2: memref<1000x64xf32, #tpu.memory_space<vmem>>, %arg3: memref<64x64xf32, #tpu.memory_space<vmem>>, %arg4: memref<1x64xf32, #tpu.memory_space<vmem>>, %arg5: memref<64x64xf32, #tpu.memory_space<vmem>>, %arg6: memref<1x64xf32, #tpu.memory_space<vmem>>, %arg7: memref<1000x64xf32, #tpu.memory_space<vmem>>) attributes {dimension_semantics = [#tpu.dimension_semantics<arbitrary>], iteration_bounds = array<i64: 10>, scalar_prefetch = 0 : i64, scratch_operands = 0 : i64, tpu.core_type = #tpu.core_type<tc>, window_params = [{transform_indices = @transform_0, window_bounds = array<i64: 2, 1000, 64>}, {transform_indices = @transform_1, window_bounds = array<i64: 1000, 64>}, {pipeline_mode = #tpu.pipeline_mode<synchronous>, transform_indices = @transform_2, window_bounds = array<i64: 64, 64>}, {pipeline_mode = #tpu.pipeline_mode<synchronous>, transform_indices = @transform_3, window_bounds = array<i64: 1, 64>}, {pipeline_mode = #tpu.pipeline_mode<synchronous>, transform_indices = @transform_4, window_bounds = array<i64: 64, 64>}, {pipeline_mode = #tpu.pipeline_mode<synchronous>, transform_indices = @transform_5, window_bounds = array<i64: 1, 64>}, {transform_indices = @transform_6, window_bounds = array<i64: 1000, 64>}]} {
    %get3A = arith.constant 0 : index
    %get3A_0 = arith.constant 0 : index
    %get3A_1 = arith.constant 0 : index
    %get3A_2 = vector.load %arg1[%get3A, %get3A_0, %get3A_1] : memref<2x1000x64xbf16, #tpu.memory_space<vmem>>, vector<1x1000x64xbf16>
    %get3A_3 = vector.shape_cast %get3A_2 : vector<1x1000x64xbf16> to vector<1000x64xbf16>
    %convert_element_type3A = arith.extf %get3A_3 : vector<1000x64xbf16> to vector<1000x64xf32>
    %get3A_4 = arith.constant 1 : index
    %get3A_5 = arith.constant 0 : index
    %get3A_6 = arith.constant 0 : index
    %get3A_7 = vector.load %arg1[%get3A_4, %get3A_5, %get3A_6] : memref<2x1000x64xbf16, #tpu.memory_space<vmem>>, vector<1x1000x64xbf16>
    %get3A_8 = vector.shape_cast %get3A_7 : vector<1x1000x64xbf16> to vector<1000x64xbf16>
    %convert_element_type3A_9 = arith.extf %get3A_8 : vector<1000x64xbf16> to vector<1000x64xf32>
    %add3A = arith.addf %convert_element_type3A, %convert_element_type3A_9 : vector<1000x64xf32>
    %get3A_10 = arith.constant 0 : index
    %get3A_11 = arith.constant 0 : index
    %get3A_12 = vector.load %arg3[%get3A_10, %get3A_11] : memref<64x64xf32, #tpu.memory_space<vmem>>, vector<64x64xf32>
    %dot_general3A = arith.constant dense<0.000000e+00> : vector<1000x64xf32>
    %dot_general3A_13 = tpu.matmul %add3A, %get3A_12, %dot_general3A {dimension_numbers = #tpu.dot_dimension_numbers<[1], [0], [0], [1], [0, 0, 1, 1], [], []>, transpose_lhs_hint = false} : vector<1000x64xf32>, vector<64x64xf32>, vector<1000x64xf32> -> vector<1000x64xf32>
    %get3A_14 = arith.constant 0 : index
    %get3A_15 = arith.constant 0 : index
    %get3A_16 = vector.load %arg4[%get3A_14, %get3A_15] : memref<1x64xf32, #tpu.memory_space<vmem>>, vector<1x64xf32>
    %add3A_17 = vector.broadcast %get3A_16 : vector<1x64xf32> to vector<1000x64xf32>
    %add3A_18 = arith.addf %dot_general3A_13, %add3A_17 : vector<1000x64xf32>
    %logistic3A = arith.negf %add3A_18 : vector<1000x64xf32>
    %logistic3A_19 = math.exp %logistic3A : vector<1000x64xf32>
    %logistic3A_20 = arith.constant 1.000000e+00 : f32
    %logistic3A_21 = vector.broadcast %logistic3A_20 : f32 to vector<1000x64xf32>
    %logistic3A_22 = arith.addf %logistic3A_21, %logistic3A_19 : vector<1000x64xf32>
    %logistic3A_23 = arith.divf %logistic3A_21, %logistic3A_22 : vector<1000x64xf32>
    %mul3A = arith.mulf %add3A_18, %logistic3A_23 : vector<1000x64xf32>
    %get3A_24 = arith.constant 0 : index
    %get3A_25 = arith.constant 0 : index
    %get3A_26 = vector.load %arg5[%get3A_24, %get3A_25] : memref<64x64xf32, #tpu.memory_space<vmem>>, vector<64x64xf32>
    %dot_general3A_27 = arith.constant dense<0.000000e+00> : vector<1000x64xf32>
    %dot_general3A_28 = tpu.matmul %mul3A, %get3A_26, %dot_general3A_27 {dimension_numbers = #tpu.dot_dimension_numbers<[1], [0], [0], [1], [0, 0, 1, 1], [], []>, transpose_lhs_hint = false} : vector<1000x64xf32>, vector<64x64xf32>, vector<1000x64xf32> -> vector<1000x64xf32>
    %get3A_29 = arith.constant 0 : index
    %get3A_30 = arith.constant 0 : index
    %get3A_31 = vector.load %arg6[%get3A_29, %get3A_30] : memref<1x64xf32, #tpu.memory_space<vmem>>, vector<1x64xf32>
    %add3A_32 = vector.broadcast %get3A_31 : vector<1x64xf32> to vector<1000x64xf32>
    %add3A_33 = arith.addf %dot_general3A_28, %add3A_32 : vector<1000x64xf32>
    %get3A_34 = arith.constant 0 : index
    %get3A_35 = arith.constant 0 : index
    %get3A_36 = vector.load %arg2[%get3A_34, %get3A_35] : memref<1000x64xf32, #tpu.memory_space<vmem>>, vector<1000x64xf32>
    %add3A_37 = arith.addf %add3A_33, %get3A_36 : vector<1000x64xf32>
    %swap3A = arith.constant 0 : index
    %swap3A_38 = arith.constant 0 : index
    %swap3A_39 = vector.load %arg7[%swap3A, %swap3A_38] : memref<1000x64xf32, #tpu.memory_space<vmem>>, vector<1000x64xf32>
    tpu.vector_store %arg7[%swap3A, %swap3A_38], %add3A_37 {strides = array<i32>} : memref<1000x64xf32, #tpu.memory_space<vmem>>, vector<1000x64xf32>,
    return
  }
  func.func @transform_0(%arg0: i32) -> (i32, i32, i32) {
    %c0_i32 = arith.constant 0 : i32
    %c0_i32_0 = arith.constant 0 : i32
    %c0_i32_1 = arith.constant 0 : i32
    return %c0_i32, %arg0, %c0_i32_0 : i32, i32, i32
  }
  func.func @transform_1(%arg0: i32) -> (i32, i32) {
    %c0_i32 = arith.constant 0 : i32
    %c0_i32_0 = arith.constant 0 : i32
    return %arg0, %c0_i32 : i32, i32
  }
  func.func @transform_2(%arg0: i32) -> (i32, i32) {
    %c0_i32 = arith.constant 0 : i32
    %c0_i32_0 = arith.constant 0 : i32
    %c0_i32_1 = arith.constant 0 : i32
    return %c0_i32, %c0_i32_0 : i32, i32
  }
  func.func @transform_3(%arg0: i32) -> (i32, i32) {
    %c0_i32 = arith.constant 0 : i32
    %c0_i32_0 = arith.constant 0 : i32
    %c0_i32_1 = arith.constant 0 : i32
    return %c0_i32, %c0_i32_0 : i32, i32
  }
  func.func @transform_4(%arg0: i32) -> (i32, i32) {
    %c0_i32 = arith.constant 0 : i32
    %c0_i32_0 = arith.constant 0 : i32
    %c0_i32_1 = arith.constant 0 : i32
    return %c0_i32, %c0_i32_0 : i32, i32
  }
  func.func @transform_5(%arg0: i32) -> (i32, i32) {
    %c0_i32 = arith.constant 0 : i32
    %c0_i32_0 = arith.constant 0 : i32
    %c0_i32_1 = arith.constant 0 : i32
    return %c0_i32, %c0_i32_0 : i32, i32
  }
  func.func @transform_6(%arg0: i32) -> (i32, i32) {
    %c0_i32 = arith.constant 0 : i32
    %c0_i32_0 = arith.constant 0 : i32
    return %arg0, %c0_i32 : i32, i32
  }
}

</mosaic_0001>

<sc_bundles>
// kernel: kernel.6.cloned.1.call-start
scs
__scs_entry_jumppad:
0x0: {  	(pc) =	sbr.rel $0x88, $3  }
0x1: {  	(tag) =	ssettag $0x0;
	lr =	simm.s32 $0x1  }
0x2: {  	[smem:$0x3F94] =	sst lr;
	_ =	strace $0xD0000000  }
0x3: {  	_ = 	snop  }
0x4: {  	_ = 	snop  }
0x5: {  	_ = 	snop  }
0x6: {  	_ = 	snop  }
0x7: {  	_ = 	snop  }
__scs_overlays_trampoline_lowered:
0x8: {  	[smem:$0x3FA3] =	sst s0  }
0x9: {  	[smem:$0x3FA4] =	sst s1  }
0xa: {  	[smem:$0x3FA5] =	sst s2  }
0xb: {  	[smem:$0x3FA6] =	sst s3  }
0xc: {  	[smem:$0x3FA7] =	sst s4  }
0xd: {  	[smem:$0x3FA8] =	sst s5  }
0xe: {  	[smem:$0x3FA9] =	sst s6  }
0xf: {  	[smem:$0x3FAA] =	sst s7  }
0x10: {  	[smem:$0x3FAB] =	sst s8  }
0x11: {  	[smem:$0x3FAC] =	sst s9;
	s0 =	simm.s32 @!p0 $0x0  }
0x12: {  	s1 =	sld [smem:$0x3F92];
	s0 =	simm.s32 @p0 $0x1  }
0x13: {  	[smem:$0x3FAD] =	sst s0;
	s0 =	simm.s32 @!p1 $0x0  }
0x14: {  	s2 =	sld [smem:$0x3F91];
	s0 =	simm.s32 @p1 $0x1  }
0x15: {  	[smem:$0x3FAE] =	sst s0;
	s0 =	simm.s32 @!p2 $0x0  }
0x16: {  	s3 =	sld [smem:$0x3FDB];
	s0 =	simm.s32 @p2 $0x1  }
0x17: {  	s4 =	simm.s32 $0x1BF5;
	[smem:$0x3FB0] =	sst s0  }
0x18: {  	s0 =	sld [smem:$0x3F93];
	_ =	swait.ge [sflag:s4], $0x0  }
0x19: {  	s7 =	sld [smem:$0x3F94]  }
0x1a: {  	s8 =	sadd.s32 $0xFFFFE003, lr  }
0x1b: {  	s9 =	sadd.s32 $0xFFFFFEF7, lr;
	s5 =	simm.s32 $0xFFFFFFFF;
	p2 =	slt.u32 s8, $0xFFFFF086  }
0x1c: {  	p1 =	slt.u32 s9, $0xF7A;
	s5 =	simm.s32 @!p2 $0x0  }
0x1d: {  	s5 =	simm.s32 @p1 $0x1;
	p0 =	seq.s32 s7, s2  }
0x1e: {  	s7 =	smul.u32 @!p0 $0xF7A, s2;
	p2 =	seq.s32 @!p0 s5, $0x0  }
0x1f: {  	s9 =	smul.u32 $0xF7A, s1;
	s8 =	simm.s32 @!p0 $0x1BF5;
	p2 =	por !p2, p0  }
0x20: {  	[sflag:s8] =	ssyncset.s32 @!p0 $0xFFFFF086;
	s6 =	sadd.s32 @!p0 s3, s7;
	s7 =	simm.s32 @!p0 $0x108  }
0x21: {  	s3 =	sadd.s32 s3, s9;
	s6 =	sadd.s32 @!p0 $0x88, s6;
	s7 =	simm.s32 @p2 $0x1082  }
0x22: {  	[simem:s7], [sflag:s8] =	dma.local @!p0 [hbm:s6], $0xF7A  }
0x23: {  	s9 =	sor.u32 $0xD0000000, s2;
	s6 =	simm.s32 $0x108;
	_ =	swait.ge @!p0 [sflag:s8], $0x0  }
0x24: {  	s3 =	sadd.s32 $0x88, s3;
	s6 =	simm.s32 @!p1 $0x1082;
	[sflag:s4] =	ssyncset.s32 $0xFFFFF086  }
0x25: {  	[simem:s6], [sflag:s4] =	dma.local [hbm:s3], $0xF7A  }
0x26: {  	[smem:$0x3F94] =	sst s1;
	(tag) =	ssettag s2;
	_ =	strace s9  }
0x27: {  	s1 =	sld [smem:$0x3FA4]  }
0x28: {  	s2 =	sld [smem:$0x3FA5]  }
0x29: {  	s4 =	sld [smem:$0x3FA7]  }
0x2a: {  	p0 =	seq.s32 s5, $0x0;
	s5 =	sld [smem:$0x3FA8]  }
0x2b: {  	s6 =	sld [smem:$0x3FA9]  }
0x2c: {  	s7 =	sld [smem:$0x3FAA]  }
0x2d: {  	s3 =	simm.s32 $0x108;
	s8 =	sld [smem:$0x3FAB]  }
0x2e: {  	s3 =	simm.s32 @!p0 $0x1082;
	s9 =	sld [smem:$0x3FAC]  }
0x2f: {  	lr =	sadd.s32 s0, s3;
	s0 =	sld [smem:$0x3FA3]  }
0x30: {  	s3 =	sld [smem:$0x3FA6]  }
0x31: {  	[smem:$0x3FAF] =	sst s10  }
0x32: {  	s10 =	sld [smem:$0x3FAD];
	_ =	sdelay $0x3  }
0x33: {  	p0 =	seq.s32 s10, $0x1;
	s10 =	sld [smem:$0x3FAF];
	_ =	sdelay $0x3  }
0x34: {  	[smem:$0x3FAF] =	sst s10  }
0x35: {  	s10 =	sld [smem:$0x3FAE];
	_ =	sdelay $0x3  }
0x36: {  	p1 =	seq.s32 s10, $0x1;
	s10 =	sld [smem:$0x3FAF];
	_ =	sdelay $0x3  }
0x37: {  	[smem:$0x3FAF] =	sst s10  }
0x38: {  	s10 =	sld [smem:$0x3FB0]  }
0x39: {  	_ = 	snop;
	(pc) =	sbr.ind lr, $3  }
0x3a: {  	_ = 	snop  }
0x3b: {  	_ = 	snop  }
0x3c: {  	p2 =	seq.s32 s10, $0x1;
	s10 =	sld [smem:$0x3FAF]  }
0x3d: {  	_ =	shalt  }
0x3e: {  	_ =	shalt  }
0x3f: {  	_ =	shalt  }
0x40: {  	_ =	shalt  }
0x41: {  	_ =	shalt  }
0x42: {  	_ =	shalt  }
0x43: {  	_ =	shalt  }
0x44: {  	_ =	shalt  }
0x45: {  	_ =	shalt  }
0x46: {  	_ =	shalt  }
0x47: {  	_ =	shalt  }
0x48: {  	_ =	shalt  }
0x49: {  	_ =	shalt  }
0x4a: {  	_ =	shalt  }
0x4b: {  	_ =	shalt  }
0x4c: {  	_ =	shalt  }
0x4d: {  	_ =	shalt  }
0x4e: {  	_ =	shalt  }
0x4f: {  	_ =	shalt  }
0x50: {  	_ =	shalt  }
0x51: {  	_ =	shalt  }
0x52: {  	_ =	shalt  }
0x53: {  	_ =	shalt  }
0x54: {  	_ =	shalt  }
0x55: {  	_ =	shalt  }
0x56: {  	_ =	shalt  }
0x57: {  	_ =	shalt  }
0x58: {  	_ =	shalt  }
0x59: {  	_ =	shalt  }
0x5a: {  	_ =	shalt  }
0x5b: {  	_ =	shalt  }
0x5c: {  	_ =	shalt  }
0x5d: {  	_ =	shalt  }
0x5e: {  	_ =	shalt  }
0x5f: {  	_ =	shalt  }
0x60: {  	_ =	shalt  }
0x61: {  	_ =	shalt  }
0x62: {  	_ =	shalt  }
0x63: {  	_ =	shalt  }
0x64: {  	_ =	shalt  }
0x65: {  	_ =	shalt  }
0x66: {  	_ =	shalt  }
0x67: {  	_ =	shalt  }
0x68: {  	_ =	shalt  }
0x69: {  	_ =	shalt  }
0x6a: {  	_ =	shalt  }
0x6b: {  	_ =	shalt  }
0x6c: {  	_ =	shalt  }
0x6d: {  	_ =	shalt  }
0x6e: {  	_ =	shalt  }
0x6f: {  	_ =	shalt  }
0x70: {  	_ =	shalt  }
0x71: {  	_ =	shalt  }
0x72: {  	_ =	shalt  }
0x73: {  	_ =	shalt  }
0x74: {  	_ =	shalt  }
0x75: {  	_ =	shalt  }
0x76: {  	_ =	shalt  }
0x77: {  	_ =	shalt  }
0x78: {  	_ =	shalt  }
0x79: {  	_ =	shalt  }
0x7a: {  	_ =	shalt  }
0x7b: {  	_ =	shalt  }
0x7c: {  	_ =	shalt  }
0x7d: {  	_ =	shalt  }
0x7e: {  	_ =	shalt  }
0x7f: {  	_ =	shalt  }
0x80: {  	_ =	shalt  }
0x81: {  	_ =	shalt  }
0x82: {  	_ =	shalt  }
0x83: {  	_ =	shalt  }
0x84: {  	_ =	shalt  }
0x85: {  	_ =	shalt  }
0x86: {  	_ =	shalt  }
0x87: {  	_ =	shalt  }
.Lfunc_end0:
.L_simem_size_0:
called_computation_lowered:
.L_overlay_start_0:
0x88: {  	s2 =	sld [smem:$0x3FD9]  }
0x89: {  	s3 =	sld [smem:$0x3FFE];
	_ =	sdelay $0x1  }
0x8a: {  	s1 =	srdreg.scid  }
0x8b: {  	s0 =	sand.u32 $0x1, s1  }
0x8c: {  	s17 =	sshll.u32 s0, $0xA;
	s2 =	sadd.s32 s3, s2  }
0x8d: {  	s2 =	sadd.s32 s2, s17  }
0x8e: {  	[smem:$0x3FBB] =	sst s2  }
0x8f: {  	_ = 	snop  }
0x90: {  	s2 =	sld [smem:$0x3FD0];
	(tm) =	ssettm $0x1  }
0x91: {  	s18 =	sld [smem:$0x3FFB];
	_ =	sdelay $0x3  }
0x92: {  	_ =	strace s18  }
0x93: {  	s3 =	sld [smem:$0x3FFC];
	_ =	sdelay $0x3  }
0x94: {  	_ =	strace s3  }
0x95: {  	s3 =	sld [smem:$0x3FFD];
	_ =	sdelay $0x3  }
0x96: {  	_ =	strace s3  }
0x97: {  	_ =	strace $0x8FFFFFFF  }
0x98: {  	s19 =	sld [smem:$0x3FDB];
	_ =	sdelay $0x1  }
0x99: {  	s4 =	simm.s32 $_scs_section_size  }
0x9a: {  	s5 =	simm.s32 $_size__tile_overlayer_lowered;
	s6 =	simm.s32 $_tile_overlayer_lowered  }
0x9b: {  	s22 =	simm.s32 $0x1BFF;
	s21 =	sshll.u32 s6, $0x1;
	s3 =	sadd.s32 s4, s19  }
0x9c: {  	s7 =	simm.s32 $0x0;
	s20 =	sshll.u32 s5, $0x1;
	s5 =	sadd.s32 s21, s3  }
0x9d: {  	[timem:s7], [sflag:s22] =	dma.local [hbm:s5], s20  }
0x9e: {  	_ =	swait.ge [sflag:s22], s20  }
0x9f: {  	s4 =	ssub.s32 $0x0, s20;
	[sflag:s22] =	ssyncset.done $0x0  }
0xa0: {  	[sflag:s22] =	ssyncadd.s32 s4;
	_ =	sdelay $0x1  }
0xa1: {  	s23 =	simm.s32 $0x1B8B  }
0xa2: {  	_ =	swait.ge [sflag:s23], $0x1  }
0xa3: {  	[sflag:s23] =	ssyncset.done $0x0  }
0xa4: {  	s25 =	simm.s32 $0x1B8E;
	s24 =	sld [smem:$0x3FFE];
	[sflag:s23] =	ssyncadd.s32 $0xFFFFFFFF  }
0xa5: {  	s26 =	simm.s32 $execute0_lowered;
	[smem:$0x3FD2] =	sst s25  }
0xa6: {  	s5 =	sshll.u32 s26, $0x1;
	_ =	strace $0x80000046;
	[dreg:$0x1] =	wrdreg $0xFFFFFFFF  }
0xa7: {  	s28 =	simm.s32 $_size_execute0_lowered;
	s3 =	sadd.s32 s3, s5;
	[dreg:$0x0] =	wrdreg $0x0  }
0xa8: {  	s5 =	sshll.u32 s28, $0x1;
	[dreg:$0x2] =	wrdreg s3  }
0xa9: {  	[dreg:$0x3] =	wrdreg s5  }
0xaa: {  	[dreg:$0x4] =	wrdreg $0xC0  }
0xab: {  	_ =	task [dreg:s7], $0x5FFFF  }
0xac: {  	[dreg:$0x1] =	wrdreg $0xFFFFFFFF  }
0xad: {  	[dreg:$0x0] =	wrdreg $0x60  }
0xae: {  	[dreg:$0x2] =	wrdreg s2  }
0xaf: {  	[dreg:$0x3] =	wrdreg s24  }
0xb0: {  	[dreg:$0x4] =	wrdreg $0x9  }
0xb1: {  	_ =	task.clear_ibuf [dreg:s7], $0x5FFFF;
	_ =	strace $0x90000046  }
0xb2: {  	s29 =	simm.s32 $0x9;
	_ =	strace $0x80000048  }
0xb3: {  	_ =	swait.ge [sflag:s29], $0x1  }
0xb4: {  	[sflag:s29] =	ssyncadd.s32 $0xFFFFFFFF  }
0xb5: {  	_ =	strace $0x90000048  }
0xb6: {  	_ =	sfence  }
0xb7: {  	s30 =	sld [smem:$0x0];
	_ =	sdelay $0x2  }
0xb8: {  	s31 =	sshll.u32 s1, $0xD;
	s1 =	sshrl.u32 s1, $0x2  }
0xb9: {  	s3 =	sand.u32 $0x4000, s31;
	s1 =	sadd.s32 s1, s30  }
0xba: {  	s0 =	sor.u32 s3, s0;
	s1 =	sshll.u32 s1, $0x11  }
0xbb: {  	s0 =	sor.u32 s1, s0  }
0xbc: {  	s0 =	sadd.s32 $0x8F2B, s0  }
0xbd: {  	[sflag:s0] =	ssyncadd.remote.s32 $0x1  }
0xbe: {  	_ =	sfence.sel $0xFFFF  }
0xbf: {  	[dreg:$0x0] =	wrdreg $0xFFFFFFFF;
	(pc) =	sbr.abs _section_cstart, $3  }
0xc0: {  	[dreg:$0x1] =	wrdreg $0xFFFFFFFF  }
0xc1: {  	_ =	task.clear_ibuf [dreg:s7], $0x2FFFF;
	_ =	strace $0x9FFFFFFF  }
0xc2: {  	(tm) =	ssettm $0x7FFFFFFF  }
0xc3: {  	_ =	shalt  }
tec
execute0_lowered:
.L_overlay_start_1:
0x0: {  	(tag) =	ssettag $0x1  }
0x1: {  	s0 =	srdreg.scid  }
0x2: {  	s1 =	stileid.u32;
	s5 =	rddreg [dreg:$0x0]  }
0x3: {  	s3 =	rddreg [dreg:$0x1];
	s2 =	simm.s32 $0x0;
	s7 =	simm.s32 $0x80  }
0x4: {  	s8 =	simm.s32 $0x1680;
	s9 =	simm.s32 $0x100;
	s10 =	simm.s32 $0x2680  }
0x5: {  	s11 =	simm.s32 $0x180;
	s12 =	simm.s32 $0x3680;
	s13 =	simm.s32 $0x200  }
0x6: {  	s14 =	simm.s32 $0x4680;
	s15 =	simm.s32 $0x280;
	s16 =	simm.s32 $0x5680  }
0x7: {  	s17 =	simm.s32 $0x300;
	s18 =	simm.s32 $0x6680;
	s19 =	simm.s32 $0x380  }
0x8: {  	s20 =	simm.s32 $0x7680;
	s21 =	simm.s32 $0x400;
	s22 =	simm.s32 $0x8680  }
0x9: {  	s23 =	simm.s32 $0x480;
	s0 =	sand.u32 $0x1, s0;
	s1 =	sshll.u32 s1, $0x1  }
0xa: {  	s24 =	simm.s32 $0x9680;
	s1 =	sor.u32 s0, s1;
	s0 =	ssub.s32 $0x2, s0  }
0xb: {  	s25 =	simm.s32 $0x500;
	p0 =	por $0x0, $0x0;
	s26 =	sshrl.u32 s0, $0x1  }
0xc: {  	s28 =	simm.s32 $0x580;
	s29 =	simm.s32 $0xB680;
	s0 =	ssub.s32 s0, s26  }
0xd: {  	s30 =	simm.s32 $0x600;
	s4 =	smul.u32 $0xD0, s1;
	s0 =	smax.u32 s0, $0x1  }
0xe: {  	s31 =	simm.s32 $0xC680;
	s1 =	smul.u32 $0x1A00, s1;
	p1 =	sne.s32 s0, $0x1  }
.Ltmp0:
0xf: {  	s6 =	simm.s32 $0x1;
	s4 =	sadd.s32 s4, s3;
	(pc) =	sbr.rel @!p1 .LBB2_3-.Ltmp0, $4  }
0x10: {  	[smem:$0x7FF] =	sst s2;
	s1 =	sadd.s32 s1, s3;
	s4 =	sadd.s32 $0x1A00, s4  }
0x11: {  	_ =	strace $0x80000047;
	s1 =	sadd.s32 $0x3400, s1;
	[dreg:$0x3] =	wrdreg s4  }
0x12: {  	s26 =	simm.s32 $0xA680;
	s3 =	simm.s32 $0x2;
	[dreg:$0x4] =	wrdreg s1  }
0x13: {  	s4 =	simm.s32 $0x680;
	s1 =	sadd.s32 $0xFFFFFFFF, s0;
	s0 =	rddreg [dreg:$0x3]  }
0x14: {  	[tilespmem:s2], [sflag:$0x2] =	stream.linear.gather [hbm4b:s0+s2], $0x680, $0x38;
	[tilespmem:$0xD680] =	vst v63  }
0x15: {  	_ =	swait.ge [sflag:s3], $0x680  }
0x16: {  	[sflag:s3] =	ssyncset.done $0x0  }
0x17: {  	[sflag:s3] =	ssyncadd.s32 $0xFFFFF980  }
0x18: {  	[tilespmem:s4], [sflag:$0x1] =	stream.indirect.gather [hbm4b:s5+s7], $0x20, s2, s7, $0xb8;
	[tilespmem:$0xD680] =	vst v63  }
0x19: {  	_ = 	snop  }
0x1a: {  	[tilespmem:s8], [sflag:$0x1] =	stream.indirect.gather [hbm4b:s5+s7], $0x20, s7, s7, $0xb8;
	[tilespmem:$0xD680] =	vst v63  }
0x1b: {  	_ = 	snop  }
0x1c: {  	[tilespmem:s10], [sflag:$0x1] =	stream.indirect.gather [hbm4b:s5+s7], $0x20, s9, s7, $0xb8;
	[tilespmem:$0xD680] =	vst v63  }
0x1d: {  	_ = 	snop  }
0x1e: {  	[tilespmem:s12], [sflag:$0x1] =	stream.indirect.gather [hbm4b:s5+s7], $0x20, s11, s7, $0xb8;
	[tilespmem:$0xD680] =	vst v63  }
0x1f: {  	_ = 	snop  }
0x20: {  	[tilespmem:s14], [sflag:$0x1] =	stream.indirect.gather [hbm4b:s5+s7], $0x20, s13, s7, $0xb8;
	[tilespmem:$0xD680] =	vst v63  }
0x21: {  	_ = 	snop  }
0x22: {  	[tilespmem:s16], [sflag:$0x1] =	stream.indirect.gather [hbm4b:s5+s7], $0x20, s15, s7, $0xb8;
	[tilespmem:$0xD680] =	vst v63  }
0x23: {  	_ = 	snop  }
0x24: {  	[tilespmem:s18], [sflag:$0x1] =	stream.indirect.gather [hbm4b:s5+s7], $0x20, s17, s7, $0xb8;
	[tilespmem:$0xD680] =	vst v63  }
0x25: {  	_ = 	snop  }
0x26: {  	[tilespmem:s20], [sflag:$0x1] =	stream.indirect.gather [hbm4b:s5+s7], $0x20, s19, s7, $0xb8;
	[tilespmem:$0xD680] =	vst v63  }
0x27: {  	_ = 	snop  }
0x28: {  	[tilespmem:s22], [sflag:$0x1] =	stream.indirect.gather [hbm4b:s5+s7], $0x20, s21, s7, $0xb8;
	[tilespmem:$0xD680] =	vst v63  }
0x29: {  	_ = 	snop  }
0x2a: {  	[tilespmem:s24], [sflag:$0x1] =	stream.indirect.gather [hbm4b:s5+s7], $0x20, s23, s7, $0xb8;
	[tilespmem:$0xD680] =	vst v63  }
0x2b: {  	_ = 	snop  }
0x2c: {  	[tilespmem:s26], [sflag:$0x1] =	stream.indirect.gather [hbm4b:s5+s7], $0x20, s25, s7, $0xb8;
	[tilespmem:$0xD680] =	vst v63  }
0x2d: {  	_ = 	snop  }
0x2e: {  	[tilespmem:s29], [sflag:$0x1] =	stream.indirect.gather [hbm4b:s5+s7], $0x20, s28, s7, $0xb8;
	[tilespmem:$0xD680] =	vst v63  }
0x2f: {  	_ = 	snop  }
0x30: {  	[tilespmem:s31], [sflag:$0x1] =	stream.indirect.gather [hbm4b:s5+s7], $0x20, s30, s7, $0xb8;
	[tilespmem:$0xD680] =	vst v63  }
0x31: {  	_ =	swait.ge [sflag:s6], $0x1000  }
0x32: {  	[sflag:s6] =	ssyncset.done $0x0  }
0x33: {  	[sflag:s6] =	ssyncadd.s32 $0xFFFFF000  }
0x34: {  	_ =	swait.ge [sflag:s6], $0x1000  }
0x35: {  	[sflag:s6] =	ssyncset.done $0x0  }
0x36: {  	[sflag:s6] =	ssyncadd.s32 $0xFFFFF000  }
0x37: {  	_ =	swait.ge [sflag:s6], $0x1000  }
0x38: {  	[sflag:s6] =	ssyncset.done $0x0  }
0x39: {  	[sflag:s6] =	ssyncadd.s32 $0xFFFFF000  }
0x3a: {  	_ =	swait.ge [sflag:s6], $0x1000  }
0x3b: {  	[sflag:s6] =	ssyncset.done $0x0  }
0x3c: {  	[sflag:s6] =	ssyncadd.s32 $0xFFFFF000  }
0x3d: {  	_ =	swait.ge [sflag:s6], $0x1000  }
0x3e: {  	[sflag:s6] =	ssyncset.done $0x0  }
0x3f: {  	[sflag:s6] =	ssyncadd.s32 $0xFFFFF000  }
0x40: {  	_ =	swait.ge [sflag:s6], $0x1000  }
0x41: {  	[sflag:s6] =	ssyncset.done $0x0  }
0x42: {  	[sflag:s6] =	ssyncadd.s32 $0xFFFFF000  }
0x43: {  	_ =	swait.ge [sflag:s6], $0x1000  }
0x44: {  	[sflag:s6] =	ssyncset.done $0x0  }
0x45: {  	[sflag:s6] =	ssyncadd.s32 $0xFFFFF000  }
0x46: {  	_ =	swait.ge [sflag:s6], $0x1000  }
0x47: {  	[sflag:s6] =	ssyncset.done $0x0  }
0x48: {  	[sflag:s6] =	ssyncadd.s32 $0xFFFFF000  }
0x49: {  	_ =	swait.ge [sflag:s6], $0x1000  }
0x4a: {  	[sflag:s6] =	ssyncset.done $0x0  }
0x4b: {  	[sflag:s6] =	ssyncadd.s32 $0xFFFFF000  }
0x4c: {  	_ =	swait.ge [sflag:s6], $0x1000  }
0x4d: {  	[sflag:s6] =	ssyncset.done $0x0  }
0x4e: {  	[sflag:s6] =	ssyncadd.s32 $0xFFFFF000  }
0x4f: {  	_ =	swait.ge [sflag:s6], $0x1000  }
0x50: {  	[sflag:s6] =	ssyncset.done $0x0  }
0x51: {  	[sflag:s6] =	ssyncadd.s32 $0xFFFFF000  }
0x52: {  	_ =	swait.ge [sflag:s6], $0x1000  }
0x53: {  	[sflag:s6] =	ssyncset.done $0x0  }
0x54: {  	[sflag:s6] =	ssyncadd.s32 $0xFFFFF000  }
0x55: {  	p1 =	sne.s32 s1, $0x1;
	_ =	swait.ge [sflag:s6], $0x1000  }
.Ltmp1:
0x56: {  	[sflag:s6] =	ssyncset.done $0x0;
	(pc) =	sbr.rel @!p1 .LBB2_3-.Ltmp1, $4  }
0x57: {  	s0 =	rddreg [dreg:$0x4];
	[sflag:s6] =	ssyncadd.s32 $0xFFFFF000  }
0x58: {  	[hbm4b:s0+s2] =	stream.linear.scatter [tilespmem:s4], [sflag:$0x2], $0xD000, $0x38;
	[tilespmem:$0xD680] =	vst v63  }
0x59: {  	s1 =	sadd.s32 $0xFFFFFFFF, s1;
	_ =	swait.ge [sflag:s3], $0xD000  }
0x5a: {  	p0 =	por $0x1, $0x1;
	s0 =	rddreg [dreg:$0x3];
	[sflag:s3] =	ssyncset.done $0x0  }
.LBB2_2:
0x5b: {  	[sflag:s3] =	ssyncadd.s32 $0xFFFF3000  }
0x5c: {  	[tilespmem:s2], [sflag:$0x2] =	stream.linear.gather [hbm4b:s0+s2], $0x680, $0x38;
	[tilespmem:$0xD680] =	vst v63  }
0x5d: {  	_ =	swait.ge [sflag:s3], $0x680  }
0x5e: {  	[sflag:s3] =	ssyncset.done $0x0  }
0x5f: {  	[sflag:s3] =	ssyncadd.s32 $0xFFFFF980  }
0x60: {  	[tilespmem:s4], [sflag:$0x1] =	stream.indirect.gather [hbm4b:s5+s7], $0x20, s2, s7, $0xb8;
	[tilespmem:$0xD680] =	vst v63  }
0x61: {  	_ = 	snop  }
0x62: {  	[tilespmem:s8], [sflag:$0x1] =	stream.indirect.gather [hbm4b:s5+s7], $0x20, s7, s7, $0xb8;
	[tilespmem:$0xD680] =	vst v63  }
0x63: {  	_ = 	snop  }
0x64: {  	[tilespmem:s10], [sflag:$0x1] =	stream.indirect.gather [hbm4b:s5+s7], $0x20, s9, s7, $0xb8;
	[tilespmem:$0xD680] =	vst v63  }
0x65: {  	_ = 	snop  }
0x66: {  	[tilespmem:s12], [sflag:$0x1] =	stream.indirect.gather [hbm4b:s5+s7], $0x20, s11, s7, $0xb8;
	[tilespmem:$0xD680] =	vst v63  }
0x67: {  	_ = 	snop  }
0x68: {  	[tilespmem:s14], [sflag:$0x1] =	stream.indirect.gather [hbm4b:s5+s7], $0x20, s13, s7, $0xb8;
	[tilespmem:$0xD680] =	vst v63  }
0x69: {  	_ = 	snop  }
0x6a: {  	[tilespmem:s16], [sflag:$0x1] =	stream.indirect.gather [hbm4b:s5+s7], $0x20, s15, s7, $0xb8;
	[tilespmem:$0xD680] =	vst v63  }
0x6b: {  	_ = 	snop  }
0x6c: {  	[tilespmem:s18], [sflag:$0x1] =	stream.indirect.gather [hbm4b:s5+s7], $0x20, s17, s7, $0xb8;
	[tilespmem:$0xD680] =	vst v63  }
0x6d: {  	_ = 	snop  }
0x6e: {  	[tilespmem:s20], [sflag:$0x1] =	stream.indirect.gather [hbm4b:s5+s7], $0x20, s19, s7, $0xb8;
	[tilespmem:$0xD680] =	vst v63  }
0x6f: {  	_ = 	snop  }
0x70: {  	[tilespmem:s22], [sflag:$0x1] =	stream.indirect.gather [hbm4b:s5+s7], $0x20, s21, s7, $0xb8;
	[tilespmem:$0xD680] =	vst v63  }
0x71: {  	_ = 	snop  }
0x72: {  	[tilespmem:s24], [sflag:$0x1] =	stream.indirect.gather [hbm4b:s5+s7], $0x20, s23, s7, $0xb8;
	[tilespmem:$0xD680] =	vst v63  }
0x73: {  	_ = 	snop  }
0x74: {  	[tilespmem:s26], [sflag:$0x1] =	stream.indirect.gather [hbm4b:s5+s7], $0x20, s25, s7, $0xb8;
	[tilespmem:$0xD680] =	vst v63  }
0x75: {  	_ = 	snop  }
0x76: {  	[tilespmem:s29], [sflag:$0x1] =	stream.indirect.gather [hbm4b:s5+s7], $0x20, s28, s7, $0xb8;
	[tilespmem:$0xD680] =	vst v63  }
0x77: {  	_ = 	snop  }
0x78: {  	[tilespmem:s31], [sflag:$0x1] =	stream.indirect.gather [hbm4b:s5+s7], $0x20, s30, s7, $0xb8;
	[tilespmem:$0xD680] =	vst v63  }
0x79: {  	_ =	swait.ge [sflag:s6], $0x1000  }
0x7a: {  	[sflag:s6] =	ssyncset.done $0x0  }
0x7b: {  	[sflag:s6] =	ssyncadd.s32 $0xFFFFF000  }
0x7c: {  	_ =	swait.ge [sflag:s6], $0x1000  }
0x7d: {  	[sflag:s6] =	ssyncset.done $0x0  }
0x7e: {  	[sflag:s6] =	ssyncadd.s32 $0xFFFFF000  }
0x7f: {  	_ =	swait.ge [sflag:s6], $0x1000  }
0x80: {  	[sflag:s6] =	ssyncset.done $0x0  }
0x81: {  	[sflag:s6] =	ssyncadd.s32 $0xFFFFF000  }
0x82: {  	_ =	swait.ge [sflag:s6], $0x1000  }
0x83: {  	[sflag:s6] =	ssyncset.done $0x0  }
0x84: {  	[sflag:s6] =	ssyncadd.s32 $0xFFFFF000  }
0x85: {  	_ =	swait.ge [sflag:s6], $0x1000  }
0x86: {  	[sflag:s6] =	ssyncset.done $0x0  }
0x87: {  	[sflag:s6] =	ssyncadd.s32 $0xFFFFF000  }
0x88: {  	_ =	swait.ge [sflag:s6], $0x1000  }
0x89: {  	[sflag:s6] =	ssyncset.done $0x0  }
0x8a: {  	[sflag:s6] =	ssyncadd.s32 $0xFFFFF000  }
0x8b: {  	_ =	swait.ge [sflag:s6], $0x1000  }
0x8c: {  	[sflag:s6] =	ssyncset.done $0x0  }
0x8d: {  	[sflag:s6] =	ssyncadd.s32 $0xFFFFF000  }
0x8e: {  	_ =	swait.ge [sflag:s6], $0x1000  }
0x8f: {  	[sflag:s6] =	ssyncset.done $0x0  }
0x90: {  	[sflag:s6] =	ssyncadd.s32 $0xFFFFF000  }
0x91: {  	_ =	swait.ge [sflag:s6], $0x1000  }
0x92: {  	[sflag:s6] =	ssyncset.done $0x0  }
0x93: {  	[sflag:s6] =	ssyncadd.s32 $0xFFFFF000  }
0x94: {  	_ =	swait.ge [sflag:s6], $0x1000  }
0x95: {  	[sflag:s6] =	ssyncset.done $0x0  }
0x96: {  	[sflag:s6] =	ssyncadd.s32 $0xFFFFF000  }
0x97: {  	_ =	swait.ge [sflag:s6], $0x1000  }
0x98: {  	[sflag:s6] =	ssyncset.done $0x0  }
0x99: {  	[sflag:s6] =	ssyncadd.s32 $0xFFFFF000  }
0x9a: {  	_ =	swait.ge [sflag:s6], $0x1000  }
0x9b: {  	[sflag:s6] =	ssyncset.done $0x0  }
0x9c: {  	[sflag:s6] =	ssyncadd.s32 $0xFFFFF000  }
0x9d: {  	p1 =	sne.s32 s1, $0x1;
	_ =	swait.ge [sflag:s6], $0x1000  }
.Ltmp2:
0x9e: {  	[sflag:s6] =	ssyncset.done $0x0;
	(pc) =	sbr.rel @p1 .LBB2_2-.Ltmp2, $4  }
0x9f: {  	s0 =	rddreg [dreg:$0x4];
	[sflag:s6] =	ssyncadd.s32 $0xFFFFF000  }
0xa0: {  	[hbm4b:s0+s2] =	stream.linear.scatter [tilespmem:s4], [sflag:$0x2], $0xD000, $0x38;
	[tilespmem:$0xD680] =	vst v63  }
0xa1: {  	_ =	swait.ge [sflag:s3], $0xD000  }
0xa2: {  	s1 =	sadd.s32 $0xFFFFFFFF, s1;
	s0 =	rddreg [dreg:$0x3];
	[sflag:s3] =	ssyncset.done $0x0  }
.LBB2_3:
0xa3: {  	[sflag:s3] =	ssyncadd.s32 @p0 $0xFFFF3000  }
0xa4: {  	[tilespmem:s2], [sflag:$0x2] =	stream.linear.gather [hbm4b:s0+s2], $0x680, $0x38;
	[tilespmem:$0xD680] =	vst v63  }
0xa5: {  	_ =	swait.ge [sflag:s3], $0x680  }
0xa6: {  	[sflag:s3] =	ssyncset.done $0x0  }
0xa7: {  	[sflag:s3] =	ssyncadd.s32 $0xFFFFF980  }
0xa8: {  	[tilespmem:s4], [sflag:$0x1] =	stream.indirect.gather [hbm4b:s5+s7], $0x20, s2, s7, $0xb8;
	[tilespmem:$0xD680] =	vst v63  }
0xa9: {  	_ = 	snop  }
0xaa: {  	[tilespmem:s8], [sflag:$0x1] =	stream.indirect.gather [hbm4b:s5+s7], $0x20, s7, s7, $0xb8;
	[tilespmem:$0xD680] =	vst v63  }
0xab: {  	_ = 	snop  }
0xac: {  	[tilespmem:s10], [sflag:$0x1] =	stream.indirect.gather [hbm4b:s5+s7], $0x20, s9, s7, $0xb8;
	[tilespmem:$0xD680] =	vst v63  }
0xad: {  	_ = 	snop  }
0xae: {  	[tilespmem:s12], [sflag:$0x1] =	stream.indirect.gather [hbm4b:s5+s7], $0x20, s11, s7, $0xb8;
	[tilespmem:$0xD680] =	vst v63  }
0xaf: {  	_ = 	snop  }
0xb0: {  	[tilespmem:s14], [sflag:$0x1] =	stream.indirect.gather [hbm4b:s5+s7], $0x20, s13, s7, $0xb8;
	[tilespmem:$0xD680] =	vst v63  }
0xb1: {  	_ = 	snop  }
0xb2: {  	[tilespmem:s16], [sflag:$0x1] =	stream.indirect.gather [hbm4b:s5+s7], $0x20, s15, s7, $0xb8;
	[tilespmem:$0xD680] =	vst v63  }
0xb3: {  	_ = 	snop  }
0xb4: {  	[tilespmem:s18], [sflag:$0x1] =	stream.indirect.gather [hbm4b:s5+s7], $0x20, s17, s7, $0xb8;
	[tilespmem:$0xD680] =	vst v63  }
0xb5: {  	_ = 	snop  }
0xb6: {  	[tilespmem:s20], [sflag:$0x1] =	stream.indirect.gather [hbm4b:s5+s7], $0x20, s19, s7, $0xb8;
	[tilespmem:$0xD680] =	vst v63  }
0xb7: {  	_ = 	snop  }
0xb8: {  	[tilespmem:s22], [sflag:$0x1] =	stream.indirect.gather [hbm4b:s5+s7], $0x20, s21, s7, $0xb8;
	[tilespmem:$0xD680] =	vst v63  }
0xb9: {  	_ = 	snop  }
0xba: {  	[tilespmem:s24], [sflag:$0x1] =	stream.indirect.gather [hbm4b:s5+s7], $0x20, s23, s7, $0xb8;
	[tilespmem:$0xD680] =	vst v63  }
0xbb: {  	_ = 	snop  }
0xbc: {  	[tilespmem:s26], [sflag:$0x1] =	stream.indirect.gather [hbm4b:s5+s7], $0x20, s25, s7, $0xb8;
	[tilespmem:$0xD680] =	vst v63  }
0xbd: {  	_ = 	snop  }
0xbe: {  	[tilespmem:s29], [sflag:$0x1] =	stream.indirect.gather [hbm4b:s5+s7], $0x20, s28, s7, $0xb8;
	[tilespmem:$0xD680] =	vst v63  }
0xbf: {  	_ = 	snop  }
0xc0: {  	[tilespmem:s31], [sflag:$0x1] =	stream.indirect.gather [hbm4b:s5+s7], $0x20, s30, s7, $0xb8;
	[tilespmem:$0xD680] =	vst v63  }
0xc1: {  	_ =	swait.ge [sflag:s6], $0x1000  }
0xc2: {  	[sflag:s6] =	ssyncset.done $0x0  }
0xc3: {  	[sflag:s6] =	ssyncadd.s32 $0xFFFFF000  }
0xc4: {  	_ =	swait.ge [sflag:s6], $0x1000  }
0xc5: {  	[sflag:s6] =	ssyncset.done $0x0  }
0xc6: {  	[sflag:s6] =	ssyncadd.s32 $0xFFFFF000  }
0xc7: {  	_ =	swait.ge [sflag:s6], $0x1000  }
0xc8: {  	[sflag:s6] =	ssyncset.done $0x0  }
0xc9: {  	[sflag:s6] =	ssyncadd.s32 $0xFFFFF000  }
0xca: {  	_ =	swait.ge [sflag:s6], $0x1000  }
0xcb: {  	[sflag:s6] =	ssyncset.done $0x0  }
0xcc: {  	[sflag:s6] =	ssyncadd.s32 $0xFFFFF000  }
0xcd: {  	_ =	swait.ge [sflag:s6], $0x1000  }
0xce: {  	[sflag:s6] =	ssyncset.done $0x0  }
0xcf: {  	[sflag:s6] =	ssyncadd.s32 $0xFFFFF000  }
0xd0: {  	_ =	swait.ge [sflag:s6], $0x1000  }
0xd1: {  	[sflag:s6] =	ssyncset.done $0x0  }
0xd2: {  	[sflag:s6] =	ssyncadd.s32 $0xFFFFF000  }
0xd3: {  	_ =	swait.ge [sflag:s6], $0x1000  }
0xd4: {  	[sflag:s6] =	ssyncset.done $0x0  }
0xd5: {  	[sflag:s6] =	ssyncadd.s32 $0xFFFFF000  }
0xd6: {  	_ =	swait.ge [sflag:s6], $0x1000  }
0xd7: {  	[sflag:s6] =	ssyncset.done $0x0  }
0xd8: {  	[sflag:s6] =	ssyncadd.s32 $0xFFFFF000  }
0xd9: {  	_ =	swait.ge [sflag:s6], $0x1000  }
0xda: {  	[sflag:s6] =	ssyncset.done $0x0  }
0xdb: {  	[sflag:s6] =	ssyncadd.s32 $0xFFFFF000  }
0xdc: {  	_ =	swait.ge [sflag:s6], $0x1000  }
0xdd: {  	[sflag:s6] =	ssyncset.done $0x0  }
0xde: {  	[sflag:s6] =	ssyncadd.s32 $0xFFFFF000  }
0xdf: {  	_ =	swait.ge [sflag:s6], $0x1000  }
0xe0: {  	[sflag:s6] =	ssyncset.done $0x0  }
0xe1: {  	[sflag:s6] =	ssyncadd.s32 $0xFFFFF000  }
0xe2: {  	_ =	swait.ge [sflag:s6], $0x1000  }
0xe3: {  	[sflag:s6] =	ssyncset.done $0x0  }
0xe4: {  	[sflag:s6] =	ssyncadd.s32 $0xFFFFF000  }
0xe5: {  	_ =	swait.ge [sflag:s6], $0x1000  }
0xe6: {  	[sflag:s6] =	ssyncset.done $0x0  }
0xe7: {  	s30 =	rddreg [dreg:$0x4];
	[sflag:s6] =	ssyncadd.s32 $0xFFFFF000  }
0xe8: {  	[hbm4b:s30+s2] =	stream.linear.scatter [tilespmem:s4], [sflag:$0x2], $0xD000, $0x38;
	[tilespmem:$0xD680] =	vst v63  }
0xe9: {  	_ =	swait.ge [sflag:s3], $0xD000  }
0xea: {  	[sflag:s3] =	ssyncset.done $0x0  }
0xeb: {  	[sflag:s3] =	ssyncadd.s32 $0xFFFF3000  }
0xec: {  	_ =	sfence.sel $0x180000  }
0xed: {  	[bflag:$0x0] =	sbarrier.arrive $0xFFFF  }
0xee: {  	_ =	strace $0x90000047  }
0xef: {  	s31 =	stileid.u32;
	[bflag:$0x2] =	sbarrier.arrive $0xFFFF  }
0xf0: {  	p0 =	sne.s32 s31, $0x0;
	s0 =	rddreg [dreg:$0x2]  }
0xf1: {  	s0 =	sadd.s32 @!p0 $0x100000, s0  }
0xf2: {  	[sflag:s0] =	ssyncadd.tile.s32 @!p0 $0x1;
	_ =	shalt  }
.Lfunc_end2:
_tile_overlayer_lowered:
.L_overlay_start_2:
0xf3: {  	(tag) =	ssettag $0x2  }
0xf4: {  	s0 =	rddreg [dreg:$0x0];
	s2 =	stileid.u32  }
0xf5: {  	s1 =	rddreg [dreg:$0x1];
	p0 =	sne.s32 s2, $0x0  }
0xf6: {  	s3 =	rddreg [dreg:$0x2];
	[bflag:$0x3] =	sbarrier.arrive $0xFFFF;
	s2 =	simm.s32 @!p0 $0x1C02  }
0xf7: {  	[timem:s3], [sflag:s2] =	dma.local @!p0 [hbm:s0], s1  }
0xf8: {  	s0 =	simm.s32 @!p0 $0x2  }
0xf9: {  	_ =	swait.ge @!p0 [sflag:s0], s1  }
0xfa: {  	s1 =	ssub.s32 @!p0 $0x0, s1;
	[sflag:s0] =	ssyncset.done @!p0 $0x0  }
0xfb: {  	[sflag:s0] =	ssyncadd.s32 @!p0 s1  }
0xfc: {  	[bflag:$0x3] =	sbarrier.arrive $0xFFFF  }
0xfd: {  	_ =	shalt  }

// kernel: kernel.9.cloned.1.call-start
scs
__scs_entry_jumppad:
0x0: {  	(pc) =	sbr.rel $0x88, $3  }
0x1: {  	(tag) =	ssettag $0x0;
	lr =	simm.s32 $0x1  }
0x2: {  	[smem:$0x3F94] =	sst lr;
	_ =	strace $0xD0000000  }
0x3: {  	_ = 	snop  }
0x4: {  	_ = 	snop  }
0x5: {  	_ = 	snop  }
0x6: {  	_ = 	snop  }
0x7: {  	_ = 	snop  }
__scs_overlays_trampoline_lowered:
0x8: {  	[smem:$0x3FA3] =	sst s0  }
0x9: {  	[smem:$0x3FA4] =	sst s1  }
0xa: {  	[smem:$0x3FA5] =	sst s2  }
0xb: {  	[smem:$0x3FA6] =	sst s3  }
0xc: {  	[smem:$0x3FA7] =	sst s4  }
0xd: {  	[smem:$0x3FA8] =	sst s5  }
0xe: {  	[smem:$0x3FA9] =	sst s6  }
0xf: {  	[smem:$0x3FAA] =	sst s7  }
0x10: {  	[smem:$0x3FAB] =	sst s8  }
0x11: {  	[smem:$0x3FAC] =	sst s9;
	s0 =	simm.s32 @!p0 $0x0  }
0x12: {  	s1 =	sld [smem:$0x3F92];
	s0 =	simm.s32 @p0 $0x1  }
0x13: {  	[smem:$0x3FAD] =	sst s0;
	s0 =	simm.s32 @!p1 $0x0  }
0x14: {  	s2 =	sld [smem:$0x3F91];
	s0 =	simm.s32 @p1 $0x1  }
0x15: {  	[smem:$0x3FAE] =	sst s0;
	s0 =	simm.s32 @!p2 $0x0  }
0x16: {  	s3 =	sld [smem:$0x3FDB];
	s0 =	simm.s32 @p2 $0x1  }
0x17: {  	s4 =	simm.s32 $0x1BF5;
	[smem:$0x3FB0] =	sst s0  }
0x18: {  	s0 =	sld [smem:$0x3F93];
	_ =	swait.ge [sflag:s4], $0x0  }
0x19: {  	s7 =	sld [smem:$0x3F94]  }
0x1a: {  	s8 =	sadd.s32 $0xFFFFE003, lr  }
0x1b: {  	s9 =	sadd.s32 $0xFFFFFEF7, lr;
	s5 =	simm.s32 $0xFFFFFFFF;
	p2 =	slt.u32 s8, $0xFFFFF086  }
0x1c: {  	p1 =	slt.u32 s9, $0xF7A;
	s5 =	simm.s32 @!p2 $0x0  }
0x1d: {  	s5 =	simm.s32 @p1 $0x1;
	p0 =	seq.s32 s7, s2  }
0x1e: {  	s7 =	smul.u32 @!p0 $0xF7A, s2;
	p2 =	seq.s32 @!p0 s5, $0x0  }
0x1f: {  	s9 =	smul.u32 $0xF7A, s1;
	s8 =	simm.s32 @!p0 $0x1BF5;
	p2 =	por !p2, p0  }
0x20: {  	[sflag:s8] =	ssyncset.s32 @!p0 $0xFFFFF086;
	s6 =	sadd.s32 @!p0 s3, s7;
	s7 =	simm.s32 @!p0 $0x108  }
0x21: {  	s3 =	sadd.s32 s3, s9;
	s6 =	sadd.s32 @!p0 $0x88, s6;
	s7 =	simm.s32 @p2 $0x1082  }
0x22: {  	[simem:s7], [sflag:s8] =	dma.local @!p0 [hbm:s6], $0xF7A  }
0x23: {  	s9 =	sor.u32 $0xD0000000, s2;
	s6 =	simm.s32 $0x108;
	_ =	swait.ge @!p0 [sflag:s8], $0x0  }
0x24: {  	s3 =	sadd.s32 $0x88, s3;
	s6 =	simm.s32 @!p1 $0x1082;
	[sflag:s4] =	ssyncset.s32 $0xFFFFF086  }
0x25: {  	[simem:s6], [sflag:s4] =	dma.local [hbm:s3], $0xF7A  }
0x26: {  	[smem:$0x3F94] =	sst s1;
	(tag) =	ssettag s2;
	_ =	strace s9  }
0x27: {  	s1 =	sld [smem:$0x3FA4]  }
0x28: {  	s2 =	sld [smem:$0x3FA5]  }
0x29: {  	s4 =	sld [smem:$0x3FA7]  }
0x2a: {  	p0 =	seq.s32 s5, $0x0;
	s5 =	sld [smem:$0x3FA8]  }
0x2b: {  	s6 =	sld [smem:$0x3FA9]  }
0x2c: {  	s7 =	sld [smem:$0x3FAA]  }
0x2d: {  	s3 =	simm.s32 $0x108;
	s8 =	sld [smem:$0x3FAB]  }
0x2e: {  	s3 =	simm.s32 @!p0 $0x1082;
	s9 =	sld [smem:$0x3FAC]  }
0x2f: {  	lr =	sadd.s32 s0, s3;
	s0 =	sld [smem:$0x3FA3]  }
0x30: {  	s3 =	sld [smem:$0x3FA6]  }
0x31: {  	[smem:$0x3FAF] =	sst s10  }
0x32: {  	s10 =	sld [smem:$0x3FAD];
	_ =	sdelay $0x3  }
0x33: {  	p0 =	seq.s32 s10, $0x1;
	s10 =	sld [smem:$0x3FAF];
	_ =	sdelay $0x3  }
0x34: {  	[smem:$0x3FAF] =	sst s10  }
0x35: {  	s10 =	sld [smem:$0x3FAE];
	_ =	sdelay $0x3  }
0x36: {  	p1 =	seq.s32 s10, $0x1;
	s10 =	sld [smem:$0x3FAF];
	_ =	sdelay $0x3  }
0x37: {  	[smem:$0x3FAF] =	sst s10  }
0x38: {  	s10 =	sld [smem:$0x3FB0]  }
0x39: {  	_ = 	snop;
	(pc) =	sbr.ind lr, $3  }
0x3a: {  	_ = 	snop  }
0x3b: {  	_ = 	snop  }
0x3c: {  	p2 =	seq.s32 s10, $0x1;
	s10 =	sld [smem:$0x3FAF]  }
0x3d: {  	_ =	shalt  }
0x3e: {  	_ =	shalt  }
0x3f: {  	_ =	shalt  }
0x40: {  	_ =	shalt  }
0x41: {  	_ =	shalt  }
0x42: {  	_ =	shalt  }
0x43: {  	_ =	shalt  }
0x44: {  	_ =	shalt  }
0x45: {  	_ =	shalt  }
0x46: {  	_ =	shalt  }
0x47: {  	_ =	shalt  }
0x48: {  	_ =	shalt  }
0x49: {  	_ =	shalt  }
0x4a: {  	_ =	shalt  }
0x4b: {  	_ =	shalt  }
0x4c: {  	_ =	shalt  }
0x4d: {  	_ =	shalt  }
0x4e: {  	_ =	shalt  }
0x4f: {  	_ =	shalt  }
0x50: {  	_ =	shalt  }
0x51: {  	_ =	shalt  }
0x52: {  	_ =	shalt  }
0x53: {  	_ =	shalt  }
0x54: {  	_ =	shalt  }
0x55: {  	_ =	shalt  }
0x56: {  	_ =	shalt  }
0x57: {  	_ =	shalt  }
0x58: {  	_ =	shalt  }
0x59: {  	_ =	shalt  }
0x5a: {  	_ =	shalt  }
0x5b: {  	_ =	shalt  }
0x5c: {  	_ =	shalt  }
0x5d: {  	_ =	shalt  }
0x5e: {  	_ =	shalt  }
0x5f: {  	_ =	shalt  }
0x60: {  	_ =	shalt  }
0x61: {  	_ =	shalt  }
0x62: {  	_ =	shalt  }
0x63: {  	_ =	shalt  }
0x64: {  	_ =	shalt  }
0x65: {  	_ =	shalt  }
0x66: {  	_ =	shalt  }
0x67: {  	_ =	shalt  }
0x68: {  	_ =	shalt  }
0x69: {  	_ =	shalt  }
0x6a: {  	_ =	shalt  }
0x6b: {  	_ =	shalt  }
0x6c: {  	_ =	shalt  }
0x6d: {  	_ =	shalt  }
0x6e: {  	_ =	shalt  }
0x6f: {  	_ =	shalt  }
0x70: {  	_ =	shalt  }
0x71: {  	_ =	shalt  }
0x72: {  	_ =	shalt  }
0x73: {  	_ =	shalt  }
0x74: {  	_ =	shalt  }
0x75: {  	_ =	shalt  }
0x76: {  	_ =	shalt  }
0x77: {  	_ =	shalt  }
0x78: {  	_ =	shalt  }
0x79: {  	_ =	shalt  }
0x7a: {  	_ =	shalt  }
0x7b: {  	_ =	shalt  }
0x7c: {  	_ =	shalt  }
0x7d: {  	_ =	shalt  }
0x7e: {  	_ =	shalt  }
0x7f: {  	_ =	shalt  }
0x80: {  	_ =	shalt  }
0x81: {  	_ =	shalt  }
0x82: {  	_ =	shalt  }
0x83: {  	_ =	shalt  }
0x84: {  	_ =	shalt  }
0x85: {  	_ =	shalt  }
0x86: {  	_ =	shalt  }
0x87: {  	_ =	shalt  }
.Lfunc_end0:
.L_simem_size_0:
called_computation.1_lowered:
.L_overlay_start_0:
0x88: {  	s2 =	sld [smem:$0x3FD9]  }
0x89: {  	s3 =	sld [smem:$0x3FFE];
	_ =	sdelay $0x1  }
0x8a: {  	s1 =	srdreg.scid  }
0x8b: {  	s0 =	sand.u32 $0x1, s1  }
0x8c: {  	s17 =	sshll.u32 s0, $0xA;
	s2 =	sadd.s32 s3, s2  }
0x8d: {  	s2 =	sadd.s32 s2, s17  }
0x8e: {  	[smem:$0x3FBB] =	sst s2  }
0x8f: {  	_ = 	snop  }
0x90: {  	s2 =	sld [smem:$0x3FD0];
	(tm) =	ssettm $0x1  }
0x91: {  	s18 =	sld [smem:$0x3FFB];
	_ =	sdelay $0x3  }
0x92: {  	_ =	strace s18  }
0x93: {  	s3 =	sld [smem:$0x3FFC];
	_ =	sdelay $0x3  }
0x94: {  	_ =	strace s3  }
0x95: {  	s3 =	sld [smem:$0x3FFD];
	_ =	sdelay $0x3  }
0x96: {  	_ =	strace s3  }
0x97: {  	_ =	strace $0x8FFFFFFF  }
0x98: {  	s19 =	sld [smem:$0x3FDB];
	_ =	sdelay $0x1  }
0x99: {  	s4 =	simm.s32 $_scs_section_size  }
0x9a: {  	s5 =	simm.s32 $_size__tile_overlayer_lowered;
	s6 =	simm.s32 $_tile_overlayer_lowered  }
0x9b: {  	s22 =	simm.s32 $0x1BFF;
	s21 =	sshll.u32 s6, $0x1;
	s3 =	sadd.s32 s4, s19  }
0x9c: {  	s7 =	simm.s32 $0x0;
	s20 =	sshll.u32 s5, $0x1;
	s5 =	sadd.s32 s21, s3  }
0x9d: {  	[timem:s7], [sflag:s22] =	dma.local [hbm:s5], s20  }
0x9e: {  	_ =	swait.ge [sflag:s22], s20  }
0x9f: {  	s4 =	ssub.s32 $0x0, s20;
	[sflag:s22] =	ssyncset.done $0x0  }
0xa0: {  	[sflag:s22] =	ssyncadd.s32 s4;
	_ =	sdelay $0x1  }
0xa1: {  	s23 =	simm.s32 $0x1B8B  }
0xa2: {  	_ =	swait.ge [sflag:s23], $0x1  }
0xa3: {  	[sflag:s23] =	ssyncset.done $0x0  }
0xa4: {  	s25 =	simm.s32 $0x1B8E;
	s24 =	sld [smem:$0x3FFE];
	[sflag:s23] =	ssyncadd.s32 $0xFFFFFFFF  }
0xa5: {  	s26 =	simm.s32 $execute0_lowered;
	[smem:$0x3FD2] =	sst s25  }
0xa6: {  	s5 =	sshll.u32 s26, $0x1;
	_ =	strace $0x80000049;
	[dreg:$0x1] =	wrdreg $0xFFFFFFFF  }
0xa7: {  	s28 =	simm.s32 $_size_execute0_lowered;
	s3 =	sadd.s32 s3, s5;
	[dreg:$0x0] =	wrdreg $0x0  }
0xa8: {  	s5 =	sshll.u32 s28, $0x1;
	[dreg:$0x2] =	wrdreg s3  }
0xa9: {  	[dreg:$0x3] =	wrdreg s5  }
0xaa: {  	[dreg:$0x4] =	wrdreg $0xC0  }
0xab: {  	_ =	task [dreg:s7], $0x5FFFF  }
0xac: {  	[dreg:$0x1] =	wrdreg $0xFFFFFFFF  }
0xad: {  	[dreg:$0x0] =	wrdreg $0x60  }
0xae: {  	[dreg:$0x2] =	wrdreg s24  }
0xaf: {  	[dreg:$0x3] =	wrdreg s2  }
0xb0: {  	[dreg:$0x4] =	wrdreg $0x26800  }
0xb1: {  	[dreg:$0x5] =	wrdreg $0x9  }
0xb2: {  	_ =	task.clear_ibuf [dreg:s7], $0x6FFFF;
	_ =	strace $0x90000049  }
0xb3: {  	s29 =	simm.s32 $0x9;
	_ =	strace $0x8000004B  }
0xb4: {  	_ =	swait.ge [sflag:s29], $0x1  }
0xb5: {  	[sflag:s29] =	ssyncadd.s32 $0xFFFFFFFF  }
0xb6: {  	_ =	strace $0x9000004B  }
0xb7: {  	_ =	sfence  }
0xb8: {  	s30 =	sld [smem:$0x0];
	_ =	sdelay $0x2  }
0xb9: {  	s31 =	sshll.u32 s1, $0xD;
	s1 =	sshrl.u32 s1, $0x2  }
0xba: {  	s3 =	sand.u32 $0x4000, s31;
	s1 =	sadd.s32 s1, s30  }
0xbb: {  	s0 =	sor.u32 s3, s0;
	s1 =	sshll.u32 s1, $0x11  }
0xbc: {  	s0 =	sor.u32 s1, s0  }
0xbd: {  	s0 =	sadd.s32 $0x8F2B, s0  }
0xbe: {  	[sflag:s0] =	ssyncadd.remote.s32 $0x1  }
0xbf: {  	_ =	sfence.sel $0xFFFF  }
0xc0: {  	[dreg:$0x0] =	wrdreg $0xFFFFFFFF;
	(pc) =	sbr.abs _section_cstart, $3  }
0xc1: {  	[dreg:$0x1] =	wrdreg $0xFFFFFFFF  }
0xc2: {  	_ =	task.clear_ibuf [dreg:s7], $0x2FFFF;
	_ =	strace $0x9FFFFFFF  }
0xc3: {  	(tm) =	ssettm $0x7FFFFFFF  }
tec
execute0_lowered:
.L_overlay_start_1:
0x0: {  	(tag) =	ssettag $0x1  }
0x1: {  	s0 =	srdreg.scid;
	s1 =	rddreg [dreg:$0x0]  }
0x2: {  	s9 =	stileid.u32;
	s5 =	rddreg [dreg:$0x1]  }
0x3: {  	s3 =	simm.s32 $0x0;
	s13 =	simm.s32 $0x1680;
	s11 =	simm.s32 $0x80  }
0x4: {  	s31 =	simm.s32 $0x100;
	s30 =	simm.s32 $0x180;
	s29 =	simm.s32 $0x200  }
0x5: {  	s28 =	simm.s32 $0x280;
	s26 =	simm.s32 $0x300;
	p0 =	por $0x0, $0x0  }
0x6: {  	s17 =	simm.s32 $0x580;
	s15 =	simm.s32 $0x600;
	s0 =	sand.u32 $0x1, s0  }
0x7: {  	s2 =	sshll.u32 s9, $0x1;
	[smem:$0x7FF] =	sst s3;
	s8 =	smul.u32 $0x9C80, s9  }
0x8: {  	s4 =	sor.u32 s0, s2;
	s7 =	ssub.s32 $0x2, s0;
	s0 =	smul.u32 $0x9C800, s0  }
0x9: {  	s9 =	sshll.u32 s9, $0x6;
	s2 =	rddreg [dreg:$0x2];
	s6 =	smul.u32 $0x1A000, s4  }
0xa: {  	_ =	strace $0x8000004A;
	s4 =	smul.u32 $0xD0, s4;
	s19 =	sshrl.u32 s7, $0x1  }
0xb: {  	s22 =	sshrl.u32 s8, $0x1;
	s0 =	sadd.s32 s8, s0;
	s6 =	sshrl.u32 s6, $0x4  }
0xc: {  	s4 =	sadd.s32 s4, s1;
	s6 =	sadd.s32 s6, s1;
	s1 =	sadd.s32 $0x107400, s1  }
0xd: {  	s0 =	sshrl.u32 s0, $0x4;
	s4 =	sadd.s32 $0x107E00, s4;
	[dreg:$0x4] =	wrdreg s1  }
0xe: {  	s8 =	simm.s32 $0x680;
	s5 =	sadd.s32 s5, s0;
	[dreg:$0x5] =	wrdreg s4  }
0xf: {  	s20 =	sadd.s32 $0x1A00, s6;
	s1 =	ssub.s32 s7, s19;
	s21 =	sadd.s32 $0x1C00, s6  }
0x10: {  	s23 =	sadd.s32 $0x1E00, s6;
	s7 =	sadd.s32 s22, s2;
	s24 =	sadd.s32 $0x2000, s6  }
0x11: {  	s10 =	sadd.s32 $0x2200, s6;
	s4 =	sor.u32 $0x1C02, s9;
	s22 =	sadd.s32 $0x2600, s6  }
0x12: {  	s18 =	sadd.s32 $0x2A00, s6;
	s16 =	sadd.s32 $0x2C00, s6;
	[dreg:$0x6] =	wrdreg s20  }
0x13: {  	s14 =	sadd.s32 $0x2E00, s6;
	[dreg:$0x7] =	wrdreg s21;
	s25 =	smax.u32 s1, $0x1  }
0x14: {  	s12 =	sadd.s32 $0x3000, s6;
	[dreg:$0x8] =	wrdreg s23;
	p1 =	sne.s32 s25, $0x1  }
.Ltmp0:
0x15: {  	s9 =	simm.s32 $0x1;
	[dreg:$0x9] =	wrdreg s24;
	(pc) =	sbr.rel @!p1 .LBB2_3-.Ltmp0, $4  }
0x16: {  	s19 =	simm.s32 $0x500;
	[dreg:$0xa] =	wrdreg s10;
	s24 =	sadd.s32 $0x2400, s6  }
0x17: {  	s20 =	sadd.s32 $0x2800, s6;
	s10 =	sadd.s32 $0x3200, s6;
	s7 =	sshrl.u32 s7, $0x3  }
0x18: {  	s6 =	simm.s32 $0x2;
	s23 =	simm.s32 $0x400;
	s21 =	simm.s32 $0x480  }
0x19: {  	s0 =	rddreg [dreg:$0x4];
	s1 =	sadd.s32 $0xFFFFFFFF, s25;
	s25 =	simm.s32 $0x380  }
0x1a: {  	[spmem:s7], [sflag:s4] =	dma.local [hbm:s0], $0x9C8  }
0x1b: {  	_ =	swait.ge [sflag:s6], $0x9C8  }
0x1c: {  	[sflag:s6] =	ssyncset.done $0x0  }
0x1d: {  	s0 =	rddreg [dreg:$0x5];
	[sflag:s6] =	ssyncadd.s32 $0xFFFFF638  }
0x1e: {  	[tilespmem:s3], [sflag:$0x2] =	stream.linear.gather [hbm4b:s0+s3], $0x680, $0x38;
	[tilespmem:$0x74C0] =	vst v63  }
0x1f: {  	_ =	swait.ge [sflag:s6], $0x680  }
0x20: {  	[sflag:s6] =	ssyncset.done $0x0  }
0x21: {  	[sflag:s6] =	ssyncadd.s32 $0xFFFFF980  }
0x22: {  	[bflag:$0x0] =	sbarrier.arrive $0xFFFF  }
0x23: {  	s0 =	rddreg [dreg:$0x6]  }
0x24: {  	[tilespmem:s8], [sflag:$0x1] =	stream.linear.gather [hbm4b:s0+s3], $0x1000, $0x38;
	[tilespmem:$0x74C0] =	vst v63  }
0x25: {  	_ =	swait.ge [sflag:s9], $0x1000  }
0x26: {  	[sflag:s9] =	ssyncset.done $0x0  }
0x27: {  	s0 =	rddreg [dreg:$0x7];
	[sflag:s9] =	ssyncadd.s32 $0xFFFFF000  }
0x28: {  	[tilespmem:s13], [sflag:$0x1] =	stream.linear.gather [hbm4b:s0+s3], $0x1000, $0x38;
	[tilespmem:$0x74C0] =	vst v63  }
0x29: {  	_ = 	snop  }
0x2a: {  	[spmem:s2] =	stream.indirect.scatter.add.bf16 [tilespmem:s8], [sflag:$0x2], $0x20, s3, s11, $0xb8;
	[tilespmem:$0x74C0] =	vst v63  }
0x2b: {  	_ =	swait.ge [sflag:s6], $0x1000  }
0x2c: {  	[sflag:s6] =	ssyncset.done $0x0  }
0x2d: {  	[sflag:s6] =	ssyncadd.s32 $0xFFFFF000  }
0x2e: {  	_ =	swait.ge [sflag:s9], $0x1000  }
0x2f: {  	[sflag:s9] =	ssyncset.done $0x0  }
0x30: {  	s0 =	rddreg [dreg:$0x8];
	[sflag:s9] =	ssyncadd.s32 $0xFFFFF000  }
0x31: {  	[tilespmem:s8], [sflag:$0x1] =	stream.linear.gather [hbm4b:s0+s3], $0x1000, $0x38;
	[tilespmem:$0x74C0] =	vst v63  }
0x32: {  	_ = 	snop  }
0x33: {  	[spmem:s2] =	stream.indirect.scatter.add.bf16 [tilespmem:s13], [sflag:$0x2], $0x20, s11, s11, $0xb8;
	[tilespmem:$0x74C0] =	vst v63  }
0x34: {  	_ =	swait.ge [sflag:s6], $0x1000  }
0x35: {  	[sflag:s6] =	ssyncset.done $0x0  }
0x36: {  	[sflag:s6] =	ssyncadd.s32 $0xFFFFF000  }
0x37: {  	_ =	swait.ge [sflag:s9], $0x1000  }
0x38: {  	[sflag:s9] =	ssyncset.done $0x0  }
0x39: {  	s0 =	rddreg [dreg:$0x9];
	[sflag:s9] =	ssyncadd.s32 $0xFFFFF000  }
0x3a: {  	[tilespmem:s13], [sflag:$0x1] =	stream.linear.gather [hbm4b:s0+s3], $0x1000, $0x38;
	[tilespmem:$0x74C0] =	vst v63  }
0x3b: {  	_ = 	snop  }
0x3c: {  	[spmem:s2] =	stream.indirect.scatter.add.bf16 [tilespmem:s8], [sflag:$0x2], $0x20, s31, s11, $0xb8;
	[tilespmem:$0x74C0] =	vst v63  }
0x3d: {  	_ =	swait.ge [sflag:s6], $0x1000  }
0x3e: {  	[sflag:s6] =	ssyncset.done $0x0  }
0x3f: {  	[sflag:s6] =	ssyncadd.s32 $0xFFFFF000  }
0x40: {  	_ =	swait.ge [sflag:s9], $0x1000  }
0x41: {  	[sflag:s9] =	ssyncset.done $0x0  }
0x42: {  	s0 =	rddreg [dreg:$0xa];
	[sflag:s9] =	ssyncadd.s32 $0xFFFFF000  }
0x43: {  	[tilespmem:s8], [sflag:$0x1] =	stream.linear.gather [hbm4b:s0+s3], $0x1000, $0x38;
	[tilespmem:$0x74C0] =	vst v63  }
0x44: {  	_ = 	snop  }
0x45: {  	[spmem:s2] =	stream.indirect.scatter.add.bf16 [tilespmem:s13], [sflag:$0x2], $0x20, s30, s11, $0xb8;
	[tilespmem:$0x74C0] =	vst v63  }
0x46: {  	_ =	swait.ge [sflag:s6], $0x1000  }
0x47: {  	[sflag:s6] =	ssyncset.done $0x0  }
0x48: {  	[sflag:s6] =	ssyncadd.s32 $0xFFFFF000  }
0x49: {  	_ =	swait.ge [sflag:s9], $0x1000  }
0x4a: {  	[sflag:s9] =	ssyncset.done $0x0  }
0x4b: {  	[sflag:s9] =	ssyncadd.s32 $0xFFFFF000  }
0x4c: {  	[tilespmem:s13], [sflag:$0x1] =	stream.linear.gather [hbm4b:s24+s3], $0x1000, $0x38;
	[tilespmem:$0x74C0] =	vst v63  }
0x4d: {  	_ = 	snop  }
0x4e: {  	[spmem:s2] =	stream.indirect.scatter.add.bf16 [tilespmem:s8], [sflag:$0x2], $0x20, s29, s11, $0xb8;
	[tilespmem:$0x74C0] =	vst v63  }
0x4f: {  	_ =	swait.ge [sflag:s6], $0x1000  }
0x50: {  	[sflag:s6] =	ssyncset.done $0x0  }
0x51: {  	[sflag:s6] =	ssyncadd.s32 $0xFFFFF000  }
0x52: {  	_ =	swait.ge [sflag:s9], $0x1000  }
0x53: {  	[sflag:s9] =	ssyncset.done $0x0  }
0x54: {  	[sflag:s9] =	ssyncadd.s32 $0xFFFFF000  }
0x55: {  	[tilespmem:s8], [sflag:$0x1] =	stream.linear.gather [hbm4b:s22+s3], $0x1000, $0x38;
	[tilespmem:$0x74C0] =	vst v63  }
0x56: {  	_ = 	snop  }
0x57: {  	[spmem:s2] =	stream.indirect.scatter.add.bf16 [tilespmem:s13], [sflag:$0x2], $0x20, s28, s11, $0xb8;
	[tilespmem:$0x74C0] =	vst v63  }
0x58: {  	_ =	swait.ge [sflag:s6], $0x1000  }
0x59: {  	[sflag:s6] =	ssyncset.done $0x0  }
0x5a: {  	[sflag:s6] =	ssyncadd.s32 $0xFFFFF000  }
0x5b: {  	_ =	swait.ge [sflag:s9], $0x1000  }
0x5c: {  	[sflag:s9] =	ssyncset.done $0x0  }
0x5d: {  	[sflag:s9] =	ssyncadd.s32 $0xFFFFF000  }
0x5e: {  	[tilespmem:s13], [sflag:$0x1] =	stream.linear.gather [hbm4b:s20+s3], $0x1000, $0x38;
	[tilespmem:$0x74C0] =	vst v63  }
0x5f: {  	_ = 	snop  }
0x60: {  	[spmem:s2] =	stream.indirect.scatter.add.bf16 [tilespmem:s8], [sflag:$0x2], $0x20, s26, s11, $0xb8;
	[tilespmem:$0x74C0] =	vst v63  }
0x61: {  	_ =	swait.ge [sflag:s6], $0x1000  }
0x62: {  	[sflag:s6] =	ssyncset.done $0x0  }
0x63: {  	[sflag:s6] =	ssyncadd.s32 $0xFFFFF000  }
0x64: {  	_ =	swait.ge [sflag:s9], $0x1000  }
0x65: {  	[sflag:s9] =	ssyncset.done $0x0  }
0x66: {  	[sflag:s9] =	ssyncadd.s32 $0xFFFFF000  }
0x67: {  	[tilespmem:s8], [sflag:$0x1] =	stream.linear.gather [hbm4b:s18+s3], $0x1000, $0x38;
	[tilespmem:$0x74C0] =	vst v63  }
0x68: {  	_ = 	snop  }
0x69: {  	[spmem:s2] =	stream.indirect.scatter.add.bf16 [tilespmem:s13], [sflag:$0x2], $0x20, s25, s11, $0xb8;
	[tilespmem:$0x74C0] =	vst v63  }
0x6a: {  	_ =	swait.ge [sflag:s6], $0x1000  }
0x6b: {  	[sflag:s6] =	ssyncset.done $0x0  }
0x6c: {  	[sflag:s6] =	ssyncadd.s32 $0xFFFFF000  }
0x6d: {  	_ =	swait.ge [sflag:s9], $0x1000  }
0x6e: {  	[sflag:s9] =	ssyncset.done $0x0  }
0x6f: {  	[sflag:s9] =	ssyncadd.s32 $0xFFFFF000  }
0x70: {  	[tilespmem:s13], [sflag:$0x1] =	stream.linear.gather [hbm4b:s16+s3], $0x1000, $0x38;
	[tilespmem:$0x74C0] =	vst v63  }
0x71: {  	_ = 	snop  }
0x72: {  	[spmem:s2] =	stream.indirect.scatter.add.bf16 [tilespmem:s8], [sflag:$0x2], $0x20, s23, s11, $0xb8;
	[tilespmem:$0x74C0] =	vst v63  }
0x73: {  	_ =	swait.ge [sflag:s6], $0x1000  }
0x74: {  	[sflag:s6] =	ssyncset.done $0x0  }
0x75: {  	[sflag:s6] =	ssyncadd.s32 $0xFFFFF000  }
0x76: {  	_ =	swait.ge [sflag:s9], $0x1000  }
0x77: {  	[sflag:s9] =	ssyncset.done $0x0  }
0x78: {  	[sflag:s9] =	ssyncadd.s32 $0xFFFFF000  }
0x79: {  	[tilespmem:s8], [sflag:$0x1] =	stream.linear.gather [hbm4b:s14+s3], $0x1000, $0x38;
	[tilespmem:$0x74C0] =	vst v63  }
0x7a: {  	_ = 	snop  }
0x7b: {  	[spmem:s2] =	stream.indirect.scatter.add.bf16 [tilespmem:s13], [sflag:$0x2], $0x20, s21, s11, $0xb8;
	[tilespmem:$0x74C0] =	vst v63  }
0x7c: {  	_ =	swait.ge [sflag:s6], $0x1000  }
0x7d: {  	[sflag:s6] =	ssyncset.done $0x0  }
0x7e: {  	[sflag:s6] =	ssyncadd.s32 $0xFFFFF000  }
0x7f: {  	_ =	swait.ge [sflag:s9], $0x1000  }
0x80: {  	[sflag:s9] =	ssyncset.done $0x0  }
0x81: {  	[sflag:s9] =	ssyncadd.s32 $0xFFFFF000  }
0x82: {  	[tilespmem:s13], [sflag:$0x1] =	stream.linear.gather [hbm4b:s12+s3], $0x1000, $0x38;
	[tilespmem:$0x74C0] =	vst v63  }
0x83: {  	_ = 	snop  }
0x84: {  	[spmem:s2] =	stream.indirect.scatter.add.bf16 [tilespmem:s8], [sflag:$0x2], $0x20, s19, s11, $0xb8;
	[tilespmem:$0x74C0] =	vst v63  }
0x85: {  	_ =	swait.ge [sflag:s6], $0x1000  }
0x86: {  	[sflag:s6] =	ssyncset.done $0x0  }
0x87: {  	[sflag:s6] =	ssyncadd.s32 $0xFFFFF000  }
0x88: {  	_ =	swait.ge [sflag:s9], $0x1000  }
0x89: {  	[sflag:s9] =	ssyncset.done $0x0  }
0x8a: {  	[sflag:s9] =	ssyncadd.s32 $0xFFFFF000  }
0x8b: {  	[tilespmem:s8], [sflag:$0x1] =	stream.linear.gather [hbm4b:s10+s3], $0x1000, $0x38;
	[tilespmem:$0x74C0] =	vst v63  }
0x8c: {  	_ = 	snop  }
0x8d: {  	[spmem:s2] =	stream.indirect.scatter.add.bf16 [tilespmem:s13], [sflag:$0x2], $0x20, s17, s11, $0xb8;
	[tilespmem:$0x74C0] =	vst v63  }
0x8e: {  	_ =	swait.ge [sflag:s6], $0x1000  }
0x8f: {  	[sflag:s6] =	ssyncset.done $0x0  }
0x90: {  	[sflag:s6] =	ssyncadd.s32 $0xFFFFF000  }
0x91: {  	_ =	swait.ge [sflag:s9], $0x1000  }
0x92: {  	[sflag:s9] =	ssyncset.done $0x0  }
0x93: {  	[sflag:s9] =	ssyncadd.s32 $0xFFFFF000  }
0x94: {  	[spmem:s2] =	stream.indirect.scatter.add.bf16 [tilespmem:s8], [sflag:$0x2], $0x20, s15, s11, $0xb8;
	[tilespmem:$0x74C0] =	vst v63  }
0x95: {  	_ =	swait.ge [sflag:s6], $0x1000  }
0x96: {  	p1 =	sne.s32 s1, $0x1;
	[sflag:s6] =	ssyncset.done $0x0  }
.Ltmp1:
0x97: {  	[sflag:s6] =	ssyncadd.s32 $0xFFFFF000;
	(pc) =	sbr.rel @!p1 .LBB2_3-.Ltmp1, $4  }
0x98: {  	[bflag:$0x0] =	sbarrier.arrive $0xFFFF  }
0x99: {  	[hbm:s5], [sflag:s4] =	dma.local [spmem:s7], $0x9C8  }
0x9a: {  	s1 =	sadd.s32 $0xFFFFFFFF, s1;
	_ =	swait.ge [sflag:s6], $0x9C8  }
0x9b: {  	p0 =	por $0x1, $0x1;
	s0 =	rddreg [dreg:$0x4];
	[sflag:s6] =	ssyncset.done $0x0  }
.LBB2_2:
0x9c: {  	[sflag:s6] =	ssyncadd.s32 $0xFFFFF638  }
0x9d: {  	[spmem:s7], [sflag:s4] =	dma.local [hbm:s0], $0x9C8  }
0x9e: {  	_ =	swait.ge [sflag:s6], $0x9C8  }
0x9f: {  	[sflag:s6] =	ssyncset.done $0x0  }
0xa0: {  	s0 =	rddreg [dreg:$0x5];
	[sflag:s6] =	ssyncadd.s32 $0xFFFFF638  }
0xa1: {  	[tilespmem:s3], [sflag:$0x2] =	stream.linear.gather [hbm4b:s0+s3], $0x680, $0x38;
	[tilespmem:$0x74C0] =	vst v63  }
0xa2: {  	_ =	swait.ge [sflag:s6], $0x680  }
0xa3: {  	[sflag:s6] =	ssyncset.done $0x0  }
0xa4: {  	[sflag:s6] =	ssyncadd.s32 $0xFFFFF980  }
0xa5: {  	[bflag:$0x0] =	sbarrier.arrive $0xFFFF  }
0xa6: {  	s0 =	rddreg [dreg:$0x6]  }
0xa7: {  	[tilespmem:s8], [sflag:$0x1] =	stream.linear.gather [hbm4b:s0+s3], $0x1000, $0x38;
	[tilespmem:$0x74C0] =	vst v63  }
0xa8: {  	_ =	swait.ge [sflag:s9], $0x1000  }
0xa9: {  	[sflag:s9] =	ssyncset.done $0x0  }
0xaa: {  	s0 =	rddreg [dreg:$0x7];
	[sflag:s9] =	ssyncadd.s32 $0xFFFFF000  }
0xab: {  	[tilespmem:s13], [sflag:$0x1] =	stream.linear.gather [hbm4b:s0+s3], $0x1000, $0x38;
	[tilespmem:$0x74C0] =	vst v63  }
0xac: {  	_ = 	snop  }
0xad: {  	[spmem:s2] =	stream.indirect.scatter.add.bf16 [tilespmem:s8], [sflag:$0x2], $0x20, s3, s11, $0xb8;
	[tilespmem:$0x74C0] =	vst v63  }
0xae: {  	_ =	swait.ge [sflag:s6], $0x1000  }
0xaf: {  	[sflag:s6] =	ssyncset.done $0x0  }
0xb0: {  	[sflag:s6] =	ssyncadd.s32 $0xFFFFF000  }
0xb1: {  	_ =	swait.ge [sflag:s9], $0x1000  }
0xb2: {  	[sflag:s9] =	ssyncset.done $0x0  }
0xb3: {  	s0 =	rddreg [dreg:$0x8];
	[sflag:s9] =	ssyncadd.s32 $0xFFFFF000  }
0xb4: {  	[tilespmem:s8], [sflag:$0x1] =	stream.linear.gather [hbm4b:s0+s3], $0x1000, $0x38;
	[tilespmem:$0x74C0] =	vst v63  }
0xb5: {  	_ = 	snop  }
0xb6: {  	[spmem:s2] =	stream.indirect.scatter.add.bf16 [tilespmem:s13], [sflag:$0x2], $0x20, s11, s11, $0xb8;
	[tilespmem:$0x74C0] =	vst v63  }
0xb7: {  	_ =	swait.ge [sflag:s6], $0x1000  }
0xb8: {  	[sflag:s6] =	ssyncset.done $0x0  }
0xb9: {  	[sflag:s6] =	ssyncadd.s32 $0xFFFFF000  }
0xba: {  	_ =	swait.ge [sflag:s9], $0x1000  }
0xbb: {  	[sflag:s9] =	ssyncset.done $0x0  }
0xbc: {  	s0 =	rddreg [dreg:$0x9];
	[sflag:s9] =	ssyncadd.s32 $0xFFFFF000  }
0xbd: {  	[tilespmem:s13], [sflag:$0x1] =	stream.linear.gather [hbm4b:s0+s3], $0x1000, $0x38;
	[tilespmem:$0x74C0] =	vst v63  }
0xbe: {  	_ = 	snop  }
0xbf: {  	[spmem:s2] =	stream.indirect.scatter.add.bf16 [tilespmem:s8], [sflag:$0x2], $0x20, s31, s11, $0xb8;
	[tilespmem:$0x74C0] =	vst v63  }
0xc0: {  	_ =	swait.ge [sflag:s6], $0x1000  }
0xc1: {  	[sflag:s6] =	ssyncset.done $0x0  }
0xc2: {  	[sflag:s6] =	ssyncadd.s32 $0xFFFFF000  }
0xc3: {  	_ =	swait.ge [sflag:s9], $0x1000  }
0xc4: {  	[sflag:s9] =	ssyncset.done $0x0  }
0xc5: {  	s0 =	rddreg [dreg:$0xa];
	[sflag:s9] =	ssyncadd.s32 $0xFFFFF000  }
0xc6: {  	[tilespmem:s8], [sflag:$0x1] =	stream.linear.gather [hbm4b:s0+s3], $0x1000, $0x38;
	[tilespmem:$0x74C0] =	vst v63  }
0xc7: {  	_ = 	snop  }
0xc8: {  	[spmem:s2] =	stream.indirect.scatter.add.bf16 [tilespmem:s13], [sflag:$0x2], $0x20, s30, s11, $0xb8;
	[tilespmem:$0x74C0] =	vst v63  }
0xc9: {  	_ =	swait.ge [sflag:s6], $0x1000  }
0xca: {  	[sflag:s6] =	ssyncset.done $0x0  }
0xcb: {  	[sflag:s6] =	ssyncadd.s32 $0xFFFFF000  }
0xcc: {  	_ =	swait.ge [sflag:s9], $0x1000  }
0xcd: {  	[sflag:s9] =	ssyncset.done $0x0  }
0xce: {  	[sflag:s9] =	ssyncadd.s32 $0xFFFFF000  }
0xcf: {  	[tilespmem:s13], [sflag:$0x1] =	stream.linear.gather [hbm4b:s24+s3], $0x1000, $0x38;
	[tilespmem:$0x74C0] =	vst v63  }
0xd0: {  	_ = 	snop  }
0xd1: {  	[spmem:s2] =	stream.indirect.scatter.add.bf16 [tilespmem:s8], [sflag:$0x2], $0x20, s29, s11, $0xb8;
	[tilespmem:$0x74C0] =	vst v63  }
0xd2: {  	_ =	swait.ge [sflag:s6], $0x1000  }
0xd3: {  	[sflag:s6] =	ssyncset.done $0x0  }
0xd4: {  	[sflag:s6] =	ssyncadd.s32 $0xFFFFF000  }
0xd5: {  	_ =	swait.ge [sflag:s9], $0x1000  }
0xd6: {  	[sflag:s9] =	ssyncset.done $0x0  }
0xd7: {  	[sflag:s9] =	ssyncadd.s32 $0xFFFFF000  }
0xd8: {  	[tilespmem:s8], [sflag:$0x1] =	stream.linear.gather [hbm4b:s22+s3], $0x1000, $0x38;
	[tilespmem:$0x74C0] =	vst v63  }
0xd9: {  	_ = 	snop  }
0xda: {  	[spmem:s2] =	stream.indirect.scatter.add.bf16 [tilespmem:s13], [sflag:$0x2], $0x20, s28, s11, $0xb8;
	[tilespmem:$0x74C0] =	vst v63  }
0xdb: {  	_ =	swait.ge [sflag:s6], $0x1000  }
0xdc: {  	[sflag:s6] =	ssyncset.done $0x0  }
0xdd: {  	[sflag:s6] =	ssyncadd.s32 $0xFFFFF000  }
0xde: {  	_ =	swait.ge [sflag:s9], $0x1000  }
0xdf: {  	[sflag:s9] =	ssyncset.done $0x0  }
0xe0: {  	[sflag:s9] =	ssyncadd.s32 $0xFFFFF000  }
0xe1: {  	[tilespmem:s13], [sflag:$0x1] =	stream.linear.gather [hbm4b:s20+s3], $0x1000, $0x38;
	[tilespmem:$0x74C0] =	vst v63  }
0xe2: {  	_ = 	snop  }
0xe3: {  	[spmem:s2] =	stream.indirect.scatter.add.bf16 [tilespmem:s8], [sflag:$0x2], $0x20, s26, s11, $0xb8;
	[tilespmem:$0x74C0] =	vst v63  }
0xe4: {  	_ =	swait.ge [sflag:s6], $0x1000  }
0xe5: {  	[sflag:s6] =	ssyncset.done $0x0  }
0xe6: {  	[sflag:s6] =	ssyncadd.s32 $0xFFFFF000  }
0xe7: {  	_ =	swait.ge [sflag:s9], $0x1000  }
0xe8: {  	[sflag:s9] =	ssyncset.done $0x0  }
0xe9: {  	[sflag:s9] =	ssyncadd.s32 $0xFFFFF000  }
0xea: {  	[tilespmem:s8], [sflag:$0x1] =	stream.linear.gather [hbm4b:s18+s3], $0x1000, $0x38;
	[tilespmem:$0x74C0] =	vst v63  }
0xeb: {  	_ = 	snop  }
0xec: {  	[spmem:s2] =	stream.indirect.scatter.add.bf16 [tilespmem:s13], [sflag:$0x2], $0x20, s25, s11, $0xb8;
	[tilespmem:$0x74C0] =	vst v63  }
0xed: {  	_ =	swait.ge [sflag:s6], $0x1000  }
0xee: {  	[sflag:s6] =	ssyncset.done $0x0  }
0xef: {  	[sflag:s6] =	ssyncadd.s32 $0xFFFFF000  }
0xf0: {  	_ =	swait.ge [sflag:s9], $0x1000  }
0xf1: {  	[sflag:s9] =	ssyncset.done $0x0  }
0xf2: {  	[sflag:s9] =	ssyncadd.s32 $0xFFFFF000  }
0xf3: {  	[tilespmem:s13], [sflag:$0x1] =	stream.linear.gather [hbm4b:s16+s3], $0x1000, $0x38;
	[tilespmem:$0x74C0] =	vst v63  }
0xf4: {  	_ = 	snop  }
0xf5: {  	[spmem:s2] =	stream.indirect.scatter.add.bf16 [tilespmem:s8], [sflag:$0x2], $0x20, s23, s11, $0xb8;
	[tilespmem:$0x74C0] =	vst v63  }
0xf6: {  	_ =	swait.ge [sflag:s6], $0x1000  }
0xf7: {  	[sflag:s6] =	ssyncset.done $0x0  }
0xf8: {  	[sflag:s6] =	ssyncadd.s32 $0xFFFFF000  }
0xf9: {  	_ =	swait.ge [sflag:s9], $0x1000  }
0xfa: {  	[sflag:s9] =	ssyncset.done $0x0  }
0xfb: {  	[sflag:s9] =	ssyncadd.s32 $0xFFFFF000  }
0xfc: {  	[tilespmem:s8], [sflag:$0x1] =	stream.linear.gather [hbm4b:s14+s3], $0x1000, $0x38;
	[tilespmem:$0x74C0] =	vst v63  }
0xfd: {  	_ = 	snop  }
0xfe: {  	[spmem:s2] =	stream.indirect.scatter.add.bf16 [tilespmem:s13], [sflag:$0x2], $0x20, s21, s11, $0xb8;
	[tilespmem:$0x74C0] =	vst v63  }
0xff: {  	_ =	swait.ge [sflag:s6], $0x1000  }
0x100: {  	[sflag:s6] =	ssyncset.done $0x0  }
0x101: {  	[sflag:s6] =	ssyncadd.s32 $0xFFFFF000  }
0x102: {  	_ =	swait.ge [sflag:s9], $0x1000  }
0x103: {  	[sflag:s9] =	ssyncset.done $0x0  }
0x104: {  	[sflag:s9] =	ssyncadd.s32 $0xFFFFF000  }
0x105: {  	[tilespmem:s13], [sflag:$0x1] =	stream.linear.gather [hbm4b:s12+s3], $0x1000, $0x38;
	[tilespmem:$0x74C0] =	vst v63  }
0x106: {  	_ = 	snop  }
0x107: {  	[spmem:s2] =	stream.indirect.scatter.add.bf16 [tilespmem:s8], [sflag:$0x2], $0x20, s19, s11, $0xb8;
	[tilespmem:$0x74C0] =	vst v63  }
0x108: {  	_ =	swait.ge [sflag:s6], $0x1000  }
0x109: {  	[sflag:s6] =	ssyncset.done $0x0  }
0x10a: {  	[sflag:s6] =	ssyncadd.s32 $0xFFFFF000  }
0x10b: {  	_ =	swait.ge [sflag:s9], $0x1000  }
0x10c: {  	[sflag:s9] =	ssyncset.done $0x0  }
0x10d: {  	[sflag:s9] =	ssyncadd.s32 $0xFFFFF000  }
0x10e: {  	[tilespmem:s8], [sflag:$0x1] =	stream.linear.gather [hbm4b:s10+s3], $0x1000, $0x38;
	[tilespmem:$0x74C0] =	vst v63  }
0x10f: {  	_ = 	snop  }
0x110: {  	[spmem:s2] =	stream.indirect.scatter.add.bf16 [tilespmem:s13], [sflag:$0x2], $0x20, s17, s11, $0xb8;
	[tilespmem:$0x74C0] =	vst v63  }
0x111: {  	_ =	swait.ge [sflag:s6], $0x1000  }
0x112: {  	[sflag:s6] =	ssyncset.done $0x0  }
0x113: {  	[sflag:s6] =	ssyncadd.s32 $0xFFFFF000  }
0x114: {  	_ =	swait.ge [sflag:s9], $0x1000  }
0x115: {  	[sflag:s9] =	ssyncset.done $0x0  }
0x116: {  	[sflag:s9] =	ssyncadd.s32 $0xFFFFF000  }
0x117: {  	[spmem:s2] =	stream.indirect.scatter.add.bf16 [tilespmem:s8], [sflag:$0x2], $0x20, s15, s11, $0xb8;
	[tilespmem:$0x74C0] =	vst v63  }
0x118: {  	_ =	swait.ge [sflag:s6], $0x1000  }
0x119: {  	p1 =	sne.s32 s1, $0x1;
	[sflag:s6] =	ssyncset.done $0x0  }
.Ltmp2:
0x11a: {  	[sflag:s6] =	ssyncadd.s32 $0xFFFFF000;
	(pc) =	sbr.rel @p1 .LBB2_2-.Ltmp2, $4  }
0x11b: {  	[bflag:$0x0] =	sbarrier.arrive $0xFFFF  }
0x11c: {  	[hbm:s5], [sflag:s4] =	dma.local [spmem:s7], $0x9C8  }
0x11d: {  	_ =	swait.ge [sflag:s6], $0x9C8  }
0x11e: {  	s1 =	sadd.s32 $0xFFFFFFFF, s1;
	s0 =	rddreg [dreg:$0x4];
	[sflag:s6] =	ssyncset.done $0x0  }
.LBB2_3:
0x11f: {  	[sflag:s6] =	ssyncadd.s32 @p0 $0xFFFFF638  }
0x120: {  	[spmem:s7], [sflag:s4] =	dma.local [hbm:s0], $0x9C8  }
0x121: {  	_ =	swait.ge [sflag:s6], $0x9C8  }
0x122: {  	[sflag:s6] =	ssyncset.done $0x0  }
0x123: {  	s1 =	rddreg [dreg:$0x5];
	[sflag:s6] =	ssyncadd.s32 $0xFFFFF638  }
0x124: {  	[tilespmem:s3], [sflag:$0x2] =	stream.linear.gather [hbm4b:s1+s3], $0x680, $0x38;
	[tilespmem:$0x74C0] =	vst v63  }
0x125: {  	_ =	swait.ge [sflag:s6], $0x680  }
0x126: {  	[sflag:s6] =	ssyncset.done $0x0  }
0x127: {  	[sflag:s6] =	ssyncadd.s32 $0xFFFFF980  }
0x128: {  	[bflag:$0x0] =	sbarrier.arrive $0xFFFF  }
0x129: {  	s1 =	rddreg [dreg:$0x6]  }
0x12a: {  	[tilespmem:s8], [sflag:$0x1] =	stream.linear.gather [hbm4b:s1+s3], $0x1000, $0x38;
	[tilespmem:$0x74C0] =	vst v63  }
0x12b: {  	_ =	swait.ge [sflag:s9], $0x1000  }
0x12c: {  	[sflag:s9] =	ssyncset.done $0x0  }
0x12d: {  	s1 =	rddreg [dreg:$0x7];
	[sflag:s9] =	ssyncadd.s32 $0xFFFFF000  }
0x12e: {  	[tilespmem:s13], [sflag:$0x1] =	stream.linear.gather [hbm4b:s1+s3], $0x1000, $0x38;
	[tilespmem:$0x74C0] =	vst v63  }
0x12f: {  	_ = 	snop  }
0x130: {  	[spmem:s2] =	stream.indirect.scatter.add.bf16 [tilespmem:s8], [sflag:$0x2], $0x20, s3, s11, $0xb8;
	[tilespmem:$0x74C0] =	vst v63  }
0x131: {  	_ =	swait.ge [sflag:s6], $0x1000  }
0x132: {  	[sflag:s6] =	ssyncset.done $0x0  }
0x133: {  	[sflag:s6] =	ssyncadd.s32 $0xFFFFF000  }
0x134: {  	_ =	swait.ge [sflag:s9], $0x1000  }
0x135: {  	[sflag:s9] =	ssyncset.done $0x0  }
0x136: {  	s1 =	rddreg [dreg:$0x8];
	[sflag:s9] =	ssyncadd.s32 $0xFFFFF000  }
0x137: {  	[tilespmem:s8], [sflag:$0x1] =	stream.linear.gather [hbm4b:s1+s3], $0x1000, $0x38;
	[tilespmem:$0x74C0] =	vst v63  }
0x138: {  	_ = 	snop  }
0x139: {  	[spmem:s2] =	stream.indirect.scatter.add.bf16 [tilespmem:s13], [sflag:$0x2], $0x20, s11, s11, $0xb8;
	[tilespmem:$0x74C0] =	vst v63  }
0x13a: {  	_ =	swait.ge [sflag:s6], $0x1000  }
0x13b: {  	[sflag:s6] =	ssyncset.done $0x0  }
0x13c: {  	[sflag:s6] =	ssyncadd.s32 $0xFFFFF000  }
0x13d: {  	_ =	swait.ge [sflag:s9], $0x1000  }
0x13e: {  	[sflag:s9] =	ssyncset.done $0x0  }
0x13f: {  	s1 =	rddreg [dreg:$0x9];
	[sflag:s9] =	ssyncadd.s32 $0xFFFFF000  }
0x140: {  	[tilespmem:s13], [sflag:$0x1] =	stream.linear.gather [hbm4b:s1+s3], $0x1000, $0x38;
	[tilespmem:$0x74C0] =	vst v63  }
0x141: {  	_ = 	snop  }
0x142: {  	[spmem:s2] =	stream.indirect.scatter.add.bf16 [tilespmem:s8], [sflag:$0x2], $0x20, s31, s11, $0xb8;
	[tilespmem:$0x74C0] =	vst v63  }
0x143: {  	_ =	swait.ge [sflag:s6], $0x1000  }
0x144: {  	[sflag:s6] =	ssyncset.done $0x0  }
0x145: {  	[sflag:s6] =	ssyncadd.s32 $0xFFFFF000  }
0x146: {  	_ =	swait.ge [sflag:s9], $0x1000  }
0x147: {  	[sflag:s9] =	ssyncset.done $0x0  }
0x148: {  	s1 =	rddreg [dreg:$0xa];
	[sflag:s9] =	ssyncadd.s32 $0xFFFFF000  }
0x149: {  	[tilespmem:s8], [sflag:$0x1] =	stream.linear.gather [hbm4b:s1+s3], $0x1000, $0x38;
	[tilespmem:$0x74C0] =	vst v63  }
0x14a: {  	_ = 	snop  }
0x14b: {  	[spmem:s2] =	stream.indirect.scatter.add.bf16 [tilespmem:s13], [sflag:$0x2], $0x20, s30, s11, $0xb8;
	[tilespmem:$0x74C0] =	vst v63  }
0x14c: {  	_ =	swait.ge [sflag:s6], $0x1000  }
0x14d: {  	[sflag:s6] =	ssyncset.done $0x0  }
0x14e: {  	[sflag:s6] =	ssyncadd.s32 $0xFFFFF000  }
0x14f: {  	_ =	swait.ge [sflag:s9], $0x1000  }
0x150: {  	[sflag:s9] =	ssyncset.done $0x0  }
0x151: {  	[sflag:s9] =	ssyncadd.s32 $0xFFFFF000  }
0x152: {  	[tilespmem:s13], [sflag:$0x1] =	stream.linear.gather [hbm4b:s24+s3], $0x1000, $0x38;
	[tilespmem:$0x74C0] =	vst v63  }
0x153: {  	_ = 	snop  }
0x154: {  	[spmem:s2] =	stream.indirect.scatter.add.bf16 [tilespmem:s8], [sflag:$0x2], $0x20, s29, s11, $0xb8;
	[tilespmem:$0x74C0] =	vst v63  }
0x155: {  	_ =	swait.ge [sflag:s6], $0x1000  }
0x156: {  	[sflag:s6] =	ssyncset.done $0x0  }
0x157: {  	[sflag:s6] =	ssyncadd.s32 $0xFFFFF000  }
0x158: {  	_ =	swait.ge [sflag:s9], $0x1000  }
0x159: {  	[sflag:s9] =	ssyncset.done $0x0  }
0x15a: {  	[sflag:s9] =	ssyncadd.s32 $0xFFFFF000  }
0x15b: {  	[tilespmem:s8], [sflag:$0x1] =	stream.linear.gather [hbm4b:s22+s3], $0x1000, $0x38;
	[tilespmem:$0x74C0] =	vst v63  }
0x15c: {  	_ = 	snop  }
0x15d: {  	[spmem:s2] =	stream.indirect.scatter.add.bf16 [tilespmem:s13], [sflag:$0x2], $0x20, s28, s11, $0xb8;
	[tilespmem:$0x74C0] =	vst v63  }
0x15e: {  	_ =	swait.ge [sflag:s6], $0x1000  }
0x15f: {  	[sflag:s6] =	ssyncset.done $0x0  }
0x160: {  	[sflag:s6] =	ssyncadd.s32 $0xFFFFF000  }
0x161: {  	_ =	swait.ge [sflag:s9], $0x1000  }
0x162: {  	[sflag:s9] =	ssyncset.done $0x0  }
0x163: {  	[sflag:s9] =	ssyncadd.s32 $0xFFFFF000  }
0x164: {  	[tilespmem:s13], [sflag:$0x1] =	stream.linear.gather [hbm4b:s20+s3], $0x1000, $0x38;
	[tilespmem:$0x74C0] =	vst v63  }
0x165: {  	_ = 	snop  }
0x166: {  	[spmem:s2] =	stream.indirect.scatter.add.bf16 [tilespmem:s8], [sflag:$0x2], $0x20, s26, s11, $0xb8;
	[tilespmem:$0x74C0] =	vst v63  }
0x167: {  	_ =	swait.ge [sflag:s6], $0x1000  }
0x168: {  	[sflag:s6] =	ssyncset.done $0x0  }
0x169: {  	[sflag:s6] =	ssyncadd.s32 $0xFFFFF000  }
0x16a: {  	_ =	swait.ge [sflag:s9], $0x1000  }
0x16b: {  	[sflag:s9] =	ssyncset.done $0x0  }
0x16c: {  	[sflag:s9] =	ssyncadd.s32 $0xFFFFF000  }
0x16d: {  	[tilespmem:s8], [sflag:$0x1] =	stream.linear.gather [hbm4b:s18+s3], $0x1000, $0x38;
	[tilespmem:$0x74C0] =	vst v63  }
0x16e: {  	_ = 	snop  }
0x16f: {  	[spmem:s2] =	stream.indirect.scatter.add.bf16 [tilespmem:s13], [sflag:$0x2], $0x20, s25, s11, $0xb8;
	[tilespmem:$0x74C0] =	vst v63  }
0x170: {  	_ =	swait.ge [sflag:s6], $0x1000  }
0x171: {  	[sflag:s6] =	ssyncset.done $0x0  }
0x172: {  	[sflag:s6] =	ssyncadd.s32 $0xFFFFF000  }
0x173: {  	_ =	swait.ge [sflag:s9], $0x1000  }
0x174: {  	[sflag:s9] =	ssyncset.done $0x0  }
0x175: {  	[sflag:s9] =	ssyncadd.s32 $0xFFFFF000  }
0x176: {  	[tilespmem:s13], [sflag:$0x1] =	stream.linear.gather [hbm4b:s16+s3], $0x1000, $0x38;
	[tilespmem:$0x74C0] =	vst v63  }
0x177: {  	_ = 	snop  }
0x178: {  	[spmem:s2] =	stream.indirect.scatter.add.bf16 [tilespmem:s8], [sflag:$0x2], $0x20, s23, s11, $0xb8;
	[tilespmem:$0x74C0] =	vst v63  }
0x179: {  	_ =	swait.ge [sflag:s6], $0x1000  }
0x17a: {  	[sflag:s6] =	ssyncset.done $0x0  }
0x17b: {  	[sflag:s6] =	ssyncadd.s32 $0xFFFFF000  }
0x17c: {  	_ =	swait.ge [sflag:s9], $0x1000  }
0x17d: {  	[sflag:s9] =	ssyncset.done $0x0  }
0x17e: {  	[sflag:s9] =	ssyncadd.s32 $0xFFFFF000  }
0x17f: {  	[tilespmem:s8], [sflag:$0x1] =	stream.linear.gather [hbm4b:s14+s3], $0x1000, $0x38;
	[tilespmem:$0x74C0] =	vst v63  }
0x180: {  	_ = 	snop  }
0x181: {  	[spmem:s2] =	stream.indirect.scatter.add.bf16 [tilespmem:s13], [sflag:$0x2], $0x20, s21, s11, $0xb8;
	[tilespmem:$0x74C0] =	vst v63  }
0x182: {  	_ =	swait.ge [sflag:s6], $0x1000  }
0x183: {  	[sflag:s6] =	ssyncset.done $0x0  }
0x184: {  	[sflag:s6] =	ssyncadd.s32 $0xFFFFF000  }
0x185: {  	_ =	swait.ge [sflag:s9], $0x1000  }
0x186: {  	[sflag:s9] =	ssyncset.done $0x0  }
0x187: {  	[sflag:s9] =	ssyncadd.s32 $0xFFFFF000  }
0x188: {  	[tilespmem:s13], [sflag:$0x1] =	stream.linear.gather [hbm4b:s12+s3], $0x1000, $0x38;
	[tilespmem:$0x74C0] =	vst v63  }
0x189: {  	_ = 	snop  }
0x18a: {  	[spmem:s2] =	stream.indirect.scatter.add.bf16 [tilespmem:s8], [sflag:$0x2], $0x20, s19, s11, $0xb8;
	[tilespmem:$0x74C0] =	vst v63  }
0x18b: {  	_ =	swait.ge [sflag:s6], $0x1000  }
0x18c: {  	[sflag:s6] =	ssyncset.done $0x0  }
0x18d: {  	[sflag:s6] =	ssyncadd.s32 $0xFFFFF000  }
0x18e: {  	_ =	swait.ge [sflag:s9], $0x1000  }
0x18f: {  	[sflag:s9] =	ssyncset.done $0x0  }
0x190: {  	[sflag:s9] =	ssyncadd.s32 $0xFFFFF000  }
0x191: {  	[tilespmem:s8], [sflag:$0x1] =	stream.linear.gather [hbm4b:s10+s3], $0x1000, $0x38;
	[tilespmem:$0x74C0] =	vst v63  }
0x192: {  	_ = 	snop  }
0x193: {  	[spmem:s2] =	stream.indirect.scatter.add.bf16 [tilespmem:s13], [sflag:$0x2], $0x20, s17, s11, $0xb8;
	[tilespmem:$0x74C0] =	vst v63  }
0x194: {  	_ =	swait.ge [sflag:s6], $0x1000  }
0x195: {  	[sflag:s6] =	ssyncset.done $0x0  }
0x196: {  	[sflag:s6] =	ssyncadd.s32 $0xFFFFF000  }
0x197: {  	_ =	swait.ge [sflag:s9], $0x1000  }
0x198: {  	[sflag:s9] =	ssyncset.done $0x0  }
0x199: {  	[sflag:s9] =	ssyncadd.s32 $0xFFFFF000  }
0x19a: {  	[spmem:s2] =	stream.indirect.scatter.add.bf16 [tilespmem:s8], [sflag:$0x2], $0x20, s15, s11, $0xb8;
	[tilespmem:$0x74C0] =	vst v63  }
0x19b: {  	_ =	swait.ge [sflag:s6], $0x1000  }
0x19c: {  	[sflag:s6] =	ssyncset.done $0x0  }
0x19d: {  	[sflag:s6] =	ssyncadd.s32 $0xFFFFF000  }
0x19e: {  	[bflag:$0x0] =	sbarrier.arrive $0xFFFF  }
0x19f: {  	[hbm:s5], [sflag:s4] =	dma.local [spmem:s7], $0x9C8  }
0x1a0: {  	_ =	swait.ge [sflag:s6], $0x9C8  }
0x1a1: {  	[sflag:s6] =	ssyncset.done $0x0  }
0x1a2: {  	[sflag:s6] =	ssyncadd.s32 $0xFFFFF638  }
0x1a3: {  	_ =	sfence.sel $0x180000  }
0x1a4: {  	[bflag:$0x0] =	sbarrier.arrive $0xFFFF  }
0x1a5: {  	_ =	strace $0x9000004A  }
0x1a6: {  	s31 =	stileid.u32;
	[bflag:$0x2] =	sbarrier.arrive $0xFFFF  }
0x1a7: {  	p0 =	sne.s32 s31, $0x0;
	s0 =	rddreg [dreg:$0x3]  }
0x1a8: {  	s0 =	sadd.s32 @!p0 $0x100000, s0  }
0x1a9: {  	[sflag:s0] =	ssyncadd.tile.s32 @!p0 $0x1;
	_ =	shalt  }
.Lfunc_end2:
_tile_overlayer_lowered:
.L_overlay_start_2:
0x1aa: {  	(tag) =	ssettag $0x2  }
0x1ab: {  	s0 =	rddreg [dreg:$0x0];
	s2 =	stileid.u32  }
0x1ac: {  	s1 =	rddreg [dreg:$0x1];
	p0 =	sne.s32 s2, $0x0  }
0x1ad: {  	s3 =	rddreg [dreg:$0x2];
	[bflag:$0x3] =	sbarrier.arrive $0xFFFF;
	s2 =	simm.s32 @!p0 $0x1C02  }
0x1ae: {  	[timem:s3], [sflag:s2] =	dma.local @!p0 [hbm:s0], s1  }
0x1af: {  	s0 =	simm.s32 @!p0 $0x2  }
0x1b0: {  	_ =	swait.ge @!p0 [sflag:s0], s1  }
0x1b1: {  	s1 =	ssub.s32 @!p0 $0x0, s1;
	[sflag:s0] =	ssyncset.done @!p0 $0x0  }
0x1b2: {  	[sflag:s0] =	ssyncadd.s32 @!p0 s1  }
0x1b3: {  	[bflag:$0x3] =	sbarrier.arrive $0xFFFF  }
0x1b4: {  	_ =	shalt  }

</sc_bundles>
